<compile_context>
chip_gen: v7x
topology: tpu7x:2x2x1
jax: 0.10.2.dev20260603
libtpu: 0.0.44.dev20260713+nightly
codegen_flags: <defaults>
</compile_context>

<pallas_src>
import functools

import jax
import jax.numpy as jnp
from jax import lax
from jax.experimental import pallas as pl
from jax.experimental.pallas import tpu as pltpu
from jax.experimental.pallas import tpu_sc as plsc

VOCAB = 100000
EMBED = 64
CTX = 10
HIDDEN = 128
NTOK = 2 * CTX
FEAT = NTOK * EMBED

BV = 16384
NG = (VOCAB + BV - 1) // BV


def _sc_gather(emb, idx):
    mesh = plsc.VectorSubcoreMesh(core_axis_name="c", subcore_axis_name="s")

    @functools.partial(
        pl.kernel,
        mesh=mesh,
        out_type=jax.ShapeDtypeStruct((FEAT,), jnp.float32),
        scratch_types=[
            pltpu.VMEM((32,), jnp.int32),
            pltpu.VMEM((NTOK, EMBED), jnp.float32),
            pltpu.SemaphoreType.DMA,
        ],
    )
    def gather_kernel(emb_hbm, idx_hbm, out_hbm, idx_v, rows_v, sem):
        wid = lax.axis_index("s") * 2 + lax.axis_index("c")

        @pl.when(wid == 0)
        def _():
            pltpu.sync_copy(idx_hbm, idx_v.at[pl.ds(0, NTOK)])
            lo = idx_v[pl.ds(0, 16)]
            hi = idx_v[pl.ds(16, 16)]
            rows = [lo[i] for i in range(16)] + [hi[i] for i in range(NTOK - 16)]
            copies = [
                pltpu.make_async_copy(emb_hbm.at[rows[i]], rows_v.at[i], sem)
                for i in range(NTOK)
            ]
            for c in copies:
                c.start()
            for c in copies:
                c.wait()
            outs = [
                pltpu.make_async_copy(
                    rows_v.at[i], out_hbm.at[pl.ds(i * EMBED, EMBED)], sem)
                for i in range(NTOK)
            ]
            for c in outs:
                c.start()
            for c in outs:
                c.wait()

    return gather_kernel(emb, idx)


def _mlp_body(e_ref, w1_ref, b1_ref, w2_ref, b2_ref, out_ref, h_ref):
    @pl.when(pl.program_id(0) == 0)
    def _():
        h2 = lax.dot_general(
            e_ref[...][None, :], w1_ref[...], (((1,), (1,)), ((), ())),
            preferred_element_type=jnp.float32)
        h_ref[...] = jnp.maximum(h2 + b1_ref[...][None, :], 0.0)

    out2 = lax.dot_general(
        h_ref[...], w2_ref[...], (((1,), (1,)), ((), ())),
        preferred_element_type=jnp.float32)
    out_ref[...] = out2 + b2_ref[...][None, :]


def _tc_mlp(e, W1, b1, W2, b2):
    return pl.pallas_call(
        _mlp_body,
        grid=(NG,),
        in_specs=[
            pl.BlockSpec((FEAT,), lambda i: (0,)),
            pl.BlockSpec((HIDDEN, FEAT), lambda i: (0, 0)),
            pl.BlockSpec((HIDDEN,), lambda i: (0,)),
            pl.BlockSpec((BV, HIDDEN), lambda i: (i, 0)),
            pl.BlockSpec((BV,), lambda i: (i,)),
        ],
        out_specs=pl.BlockSpec((1, BV), lambda i: (0, i)),
        out_shape=jax.ShapeDtypeStruct((1, VOCAB), jnp.float32),
        scratch_shapes=[pltpu.VMEM((1, HIDDEN), jnp.float32)],
    )(e, W1, b1, W2, b2)


def kernel(x, emb, W1, b1, W2, b2):
    e = _sc_gather(emb, x.astype(jnp.int32))
    return _tc_mlp(e, W1, b1, W2, b2)

# --- scband reference (transcript-rebuilt; emitter-appended) ---
"""Pipeline reference for scband-cbow-6012954214850 (READ-ONLY COPY).

The authoritative reference and input builder live on the scoring server;
editing this copy changes nothing except your own understanding.
"""

import jax, jax.numpy as jnp
import numpy as np

VOCAB = 100000
EMBED = 64
CTX = 10
HIDDEN = 128

def setup_inputs(seed: int = 0) -> dict:
    key = jax.random.key(seed)
    k1, k2, k3, k4, k5, k6 = jax.random.split(key, 6)
    x = jax.random.randint(k1, (2 * CTX,), 0, VOCAB, dtype=jnp.int64 if jax.config.jax_enable_x64 else jnp.int32)
    emb = jax.random.normal(k2, (VOCAB, EMBED), dtype=jnp.float32)
    W1 = jax.random.normal(k3, (HIDDEN, 2 * CTX * EMBED), dtype=jnp.float32) * 0.02
    b1 = jnp.zeros((HIDDEN,), dtype=jnp.float32)
    W2 = jax.random.normal(k4, (VOCAB, HIDDEN), dtype=jnp.float32) * 0.02
    b2 = jnp.zeros((VOCAB,), dtype=jnp.float32)
    return {"x": x, "emb": emb, "W1": W1, "b1": b1, "W2": W2, "b2": b2}

def reference(x, emb, W1, b1, W2, b2):
    e = jnp.take(emb, x, axis=0)            # [2*CTX, EMBED] gather
    h = e.reshape(1, -1)                     # [1, 2*CTX*EMBED]
    h = h @ W1.T + b1                        # [1, HIDDEN]
    h = jnp.maximum(h, 0.0)                  # relu
    out = h @ W2.T + b2                      # [1, VOCAB]
    return out

if __name__ == "__main__":
    import jax
    _d = setup_inputs()
    print(jax.jit(kernel)(*tuple(_d.values())))

</pallas_src>

<mosaic_0001>
#map = affine_map<(d0, d1) -> (0, 0)>
#map1 = affine_map<(d0, d1) -> (0)>
module attributes {stable_mosaic.version = 14 : i64} {
  func.func @gather_kernel(%arg0: i32, %arg1: i32, %arg2: memref<100000x64xf32, #tpu.memory_space<hbm>>, %arg3: memref<20xi32, #tpu.memory_space<hbm>>, %arg4: memref<1280xf32, #tpu.memory_space<hbm>>, %arg5: memref<32xi32, #tpu.memory_space<vmem>>, %arg6: memref<20x64xf32, #tpu.memory_space<vmem>>, %arg7: memref<!tpu.dma_semaphore, #tpu.memory_space<semaphore_mem>>) attributes {dimension_semantics = [#tpu.dimension_semantics<core_parallel>, #tpu.dimension_semantics<subcore_parallel>], iteration_bounds = array<i64: 2, 16>, scalar_prefetch = 0 : i64, scratch_operands = 3 : i64, tpu.core_type = #tpu.core_type<sc_vector_subcore>, window_params = [{transform_indices = #map}, {transform_indices = #map1}, {transform_indices = #map1}]} {
    %mul3A = arith.constant 2 : i32
    %mul3A_0 = arith.muli %arg1, %mul3A : i32
    %add3A = arith.addi %mul3A_0, %arg0 : i32
    %eq3A = arith.constant 0 : i32
    %eq3A_1 = arith.cmpi eq, %add3A, %eq3A : i32
    %convert_element_type3A = arith.extui %eq3A_1 : i1 to i32
    %cond3A = arith.constant 0 : i32
    %cond3A_2 = arith.cmpi ne, %convert_element_type3A, %cond3A : i32
    scf.if %cond3A_2 {
      "tpu.region"() ({
        %run_scoped3A = tpu.sem_alloc : memref<!tpu.dma_semaphore, #tpu.memory_space<semaphore_mem>>
        %dma_start3A_1004 = arith.constant 0 : i32
        %dma_start3A_1005 = tpu.memref_slice %arg5[%dma_start3A_1004] : memref<32xi32, #tpu.memory_space<vmem>> -> memref<20xi32, #tpu.memory_space<vmem>>
        %dma_start3A_1006 = arith.constant 0 : i32
        %dma_start3A_1007 = tpu.memref_slice %arg5[%dma_start3A_1006] : memref<32xi32, #tpu.memory_space<vmem>> -> memref<20xi32, #tpu.memory_space<vmem>>
        tpu.enqueue_dma source(%arg3 : memref<20xi32, #tpu.memory_space<hbm>>) target(%dma_start3A_1007 : memref<20xi32, #tpu.memory_space<vmem>>) target_semaphore(%run_scoped3A : memref<!tpu.dma_semaphore, #tpu.memory_space<semaphore_mem>>)
        %dma_wait3A_1008 = arith.constant 0 : i32
        %dma_wait3A_1009 = tpu.memref_slice %arg5[%dma_wait3A_1008] : memref<32xi32, #tpu.memory_space<vmem>> -> memref<20xi32, #tpu.memory_space<vmem>>
        %dma_wait3A_1010 = arith.constant 0 : i32
        %dma_wait3A_1011 = tpu.memref_slice %arg5[%dma_wait3A_1010] : memref<32xi32, #tpu.memory_space<vmem>> -> memref<20xi32, #tpu.memory_space<vmem>>
        tpu.wait_dma2 semaphore(%run_scoped3A : memref<!tpu.dma_semaphore, #tpu.memory_space<semaphore_mem>>) src(%arg3 : memref<20xi32, #tpu.memory_space<hbm>>) dst(%dma_wait3A_1011 : memref<20xi32, #tpu.memory_space<vmem>>)
        tpu.yield
      }) : () -> ()
      %get3A = arith.constant 0 : index
      %get3A_3 = tpu.vector_load %arg5[%get3A] {strides = array<i32>} : memref<32xi32, #tpu.memory_space<vmem>>, vector<16xi32>,
      %get3A_4 = vector.shape_cast %get3A_3 : vector<16xi32> to vector<16xi32>
      %get3A_5 = arith.constant 16 : index
      %get3A_6 = tpu.vector_load %arg5[%get3A_5] {strides = array<i32>} : memref<32xi32, #tpu.memory_space<vmem>>, vector<16xi32>,
      %get3A_7 = vector.shape_cast %get3A_6 : vector<16xi32> to vector<16xi32>
      %slice3A = vector.extract_strided_slice %get3A_4 {offsets = [0], sizes = [1], strides = [1]} : vector<16xi32> to vector<1xi32>
      %squeeze3A = vector.extract %slice3A[0] : i32 from vector<1xi32>
      %slice3A_8 = vector.extract_strided_slice %get3A_4 {offsets = [1], sizes = [1], strides = [1]} : vector<16xi32> to vector<1xi32>
      %squeeze3A_9 = vector.extract %slice3A_8[0] : i32 from vector<1xi32>
      %slice3A_10 = vector.extract_strided_slice %get3A_4 {offsets = [2], sizes = [1], strides = [1]} : vector<16xi32> to vector<1xi32>
      %squeeze3A_11 = vector.extract %slice3A_10[0] : i32 from vector<1xi32>
      %slice3A_12 = vector.extract_strided_slice %get3A_4 {offsets = [3], sizes = [1], strides = [1]} : vector<16xi32> to vector<1xi32>
      %squeeze3A_13 = vector.extract %slice3A_12[0] : i32 from vector<1xi32>
      %slice3A_14 = vector.extract_strided_slice %get3A_4 {offsets = [4], sizes = [1], strides = [1]} : vector<16xi32> to vector<1xi32>
      %squeeze3A_15 = vector.extract %slice3A_14[0] : i32 from vector<1xi32>
      %slice3A_16 = vector.extract_strided_slice %get3A_4 {offsets = [5], sizes = [1], strides = [1]} : vector<16xi32> to vector<1xi32>
      %squeeze3A_17 = vector.extract %slice3A_16[0] : i32 from vector<1xi32>
      %slice3A_18 = vector.extract_strided_slice %get3A_4 {offsets = [6], sizes = [1], strides = [1]} : vector<16xi32> to vector<1xi32>
      %squeeze3A_19 = vector.extract %slice3A_18[0] : i32 from vector<1xi32>
      %slice3A_20 = vector.extract_strided_slice %get3A_4 {offsets = [7], sizes = [1], strides = [1]} : vector<16xi32> to vector<1xi32>
      %squeeze3A_21 = vector.extract %slice3A_20[0] : i32 from vector<1xi32>
      %slice3A_22 = vector.extract_strided_slice %get3A_4 {offsets = [8], sizes = [1], strides = [1]} : vector<16xi32> to vector<1xi32>
      %squeeze3A_23 = vector.extract %slice3A_22[0] : i32 from vector<1xi32>
      %slice3A_24 = vector.extract_strided_slice %get3A_4 {offsets = [9], sizes = [1], strides = [1]} : vector<16xi32> to vector<1xi32>
      %squeeze3A_25 = vector.extract %slice3A_24[0] : i32 from vector<1xi32>
      %slice3A_26 = vector.extract_strided_slice %get3A_4 {offsets = [10], sizes = [1], strides = [1]} : vector<16xi32> to vector<1xi32>
      %squeeze3A_27 = vector.extract %slice3A_26[0] : i32 from vector<1xi32>
      %slice3A_28 = vector.extract_strided_slice %get3A_4 {offsets = [11], sizes = [1], strides = [1]} : vector<16xi32> to vector<1xi32>
      %squeeze3A_29 = vector.extract %slice3A_28[0] : i32 from vector<1xi32>
      %slice3A_30 = vector.extract_strided_slice %get3A_4 {offsets = [12], sizes = [1], strides = [1]} : vector<16xi32> to vector<1xi32>
      %squeeze3A_31 = vector.extract %slice3A_30[0] : i32 from vector<1xi32>
      %slice3A_32 = vector.extract_strided_slice %get3A_4 {offsets = [13], sizes = [1], strides = [1]} : vector<16xi32> to vector<1xi32>
      %squeeze3A_33 = vector.extract %slice3A_32[0] : i32 from vector<1xi32>
      %slice3A_34 = vector.extract_strided_slice %get3A_4 {offsets = [14], sizes = [1], strides = [1]} : vector<16xi32> to vector<1xi32>
      %squeeze3A_35 = vector.extract %slice3A_34[0] : i32 from vector<1xi32>
      %slice3A_36 = vector.extract_strided_slice %get3A_4 {offsets = [15], sizes = [1], strides = [1]} : vector<16xi32> to vector<1xi32>
      %squeeze3A_37 = vector.extract %slice3A_36[0] : i32 from vector<1xi32>
      %slice3A_38 = vector.extract_strided_slice %get3A_7 {offsets = [0], sizes = [1], strides = [1]} : vector<16xi32> to vector<1xi32>
      %squeeze3A_39 = vector.extract %slice3A_38[0] : i32 from vector<1xi32>
      %slice3A_40 = vector.extract_strided_slice %get3A_7 {offsets = [1], sizes = [1], strides = [1]} : vector<16xi32> to vector<1xi32>
      %squeeze3A_41 = vector.extract %slice3A_40[0] : i32 from vector<1xi32>
      %slice3A_42 = vector.extract_strided_slice %get3A_7 {offsets = [2], sizes = [1], strides = [1]} : vector<16xi32> to vector<1xi32>
      %squeeze3A_43 = vector.extract %slice3A_42[0] : i32 from vector<1xi32>
      %slice3A_44 = vector.extract_strided_slice %get3A_7 {offsets = [3], sizes = [1], strides = [1]} : vector<16xi32> to vector<1xi32>
      %squeeze3A_45 = vector.extract %slice3A_44[0] : i32 from vector<1xi32>
      %dma_start3A = arith.constant 0 : i32
      %dma_start3A_46 = arith.constant 0 : i32
      %dma_start3A_47 = tpu.memref_slice %arg6[%dma_start3A, %dma_start3A_46] : memref<20x64xf32, #tpu.memory_space<vmem>> -> memref<1x64xf32, #tpu.memory_space<vmem>>
      %dma_start3A_48 = tpu.memref_squeeze %dma_start3A_47 : memref<1x64xf32, #tpu.memory_space<vmem>> -> memref<64xf32, #tpu.memory_space<vmem>>
      %dma_start3A_49 = arith.constant 0 : i32
      %dma_start3A_50 = tpu.memref_slice %arg2[%squeeze3A, %dma_start3A_49] : memref<100000x64xf32, #tpu.memory_space<hbm>> -> memref<1x64xf32, #tpu.memory_space<hbm>>
      %dma_start3A_51 = tpu.memref_squeeze %dma_start3A_50 : memref<1x64xf32, #tpu.memory_space<hbm>> -> memref<64xf32, #tpu.memory_space<hbm>>
      %dma_start3A_52 = arith.constant 0 : i32
      %dma_start3A_53 = tpu.memref_slice %arg6[%dma_start3A, %dma_start3A_52] : memref<20x64xf32, #tpu.memory_space<vmem>> -> memref<1x64xf32, #tpu.memory_space<vmem>>
      %dma_start3A_54 = tpu.memref_squeeze %dma_start3A_53 : memref<1x64xf32, #tpu.memory_space<vmem>> -> memref<64xf32, #tpu.memory_space<vmem>>
      %dma_start3A_55 = arith.constant 0 : i32
      %dma_start3A_56 = tpu.memref_slice %arg2[%squeeze3A, %dma_start3A_55] : memref<100000x64xf32, #tpu.memory_space<hbm>> -> memref<1x64xf32, #tpu.memory_space<hbm>>
      %dma_start3A_57 = tpu.memref_squeeze %dma_start3A_56 : memref<1x64xf32, #tpu.memory_space<hbm>> -> memref<64xf32, #tpu.memory_space<hbm>>
      tpu.enqueue_dma source(%dma_start3A_57 : memref<64xf32, #tpu.memory_space<hbm>>) target(%dma_start3A_54 : memref<64xf32, #tpu.memory_space<vmem>>) target_semaphore(%arg7 : memref<!tpu.dma_semaphore, #tpu.memory_space<semaphore_mem>>)
      %dma_start3A_58 = arith.constant 1 : i32
      %dma_start3A_59 = arith.constant 0 : i32
      %dma_start3A_60 = tpu.memref_slice %arg6[%dma_start3A_58, %dma_start3A_59] : memref<20x64xf32, #tpu.memory_space<vmem>> -> memref<1x64xf32, #tpu.memory_space<vmem>>
      %dma_start3A_61 = tpu.memref_squeeze %dma_start3A_60 : memref<1x64xf32, #tpu.memory_space<vmem>> -> memref<64xf32, #tpu.memory_space<vmem>>
      %dma_start3A_62 = arith.constant 0 : i32
      %dma_start3A_63 = tpu.memref_slice %arg2[%squeeze3A_9, %dma_start3A_62] : memref<100000x64xf32, #tpu.memory_space<hbm>> -> memref<1x64xf32, #tpu.memory_space<hbm>>
      %dma_start3A_64 = tpu.memref_squeeze %dma_start3A_63 : memref<1x64xf32, #tpu.memory_space<hbm>> -> memref<64xf32, #tpu.memory_space<hbm>>
      %dma_start3A_65 = arith.constant 0 : i32
      %dma_start3A_66 = tpu.memref_slice %arg6[%dma_start3A_58, %dma_start3A_65] : memref<20x64xf32, #tpu.memory_space<vmem>> -> memref<1x64xf32, #tpu.memory_space<vmem>>
      %dma_start3A_67 = tpu.memref_squeeze %dma_start3A_66 : memref<1x64xf32, #tpu.memory_space<vmem>> -> memref<64xf32, #tpu.memory_space<vmem>>
      %dma_start3A_68 = arith.constant 0 : i32
      %dma_start3A_69 = tpu.memref_slice %arg2[%squeeze3A_9, %dma_start3A_68] : memref<100000x64xf32, #tpu.memory_space<hbm>> -> memref<1x64xf32, #tpu.memory_space<hbm>>
      %dma_start3A_70 = tpu.memref_squeeze %dma_start3A_69 : memref<1x64xf32, #tpu.memory_space<hbm>> -> memref<64xf32, #tpu.memory_space<hbm>>
      tpu.enqueue_dma source(%dma_start3A_70 : memref<64xf32, #tpu.memory_space<hbm>>) target(%dma_start3A_67 : memref<64xf32, #tpu.memory_space<vmem>>) target_semaphore(%arg7 : memref<!tpu.dma_semaphore, #tpu.memory_space<semaphore_mem>>)
      %dma_start3A_71 = arith.constant 2 : i32
      %dma_start3A_72 = arith.constant 0 : i32
      %dma_start3A_73 = tpu.memref_slice %arg6[%dma_start3A_71, %dma_start3A_72] : memref<20x64xf32, #tpu.memory_space<vmem>> -> memref<1x64xf32, #tpu.memory_space<vmem>>
      %dma_start3A_74 = tpu.memref_squeeze %dma_start3A_73 : memref<1x64xf32, #tpu.memory_space<vmem>> -> memref<64xf32, #tpu.memory_space<vmem>>
      %dma_start3A_75 = arith.constant 0 : i32
      %dma_start3A_76 = tpu.memref_slice %arg2[%squeeze3A_11, %dma_start3A_75] : memref<100000x64xf32, #tpu.memory_space<hbm>> -> memref<1x64xf32, #tpu.memory_space<hbm>>
      %dma_start3A_77 = tpu.memref_squeeze %dma_start3A_76 : memref<1x64xf32, #tpu.memory_space<hbm>> -> memref<64xf32, #tpu.memory_space<hbm>>
      %dma_start3A_78 = arith.constant 0 : i32
      %dma_start3A_79 = tpu.memref_slice %arg6[%dma_start3A_71, %dma_start3A_78] : memref<20x64xf32, #tpu.memory_space<vmem>> -> memref<1x64xf32, #tpu.memory_space<vmem>>
      %dma_start3A_80 = tpu.memref_squeeze %dma_start3A_79 : memref<1x64xf32, #tpu.memory_space<vmem>> -> memref<64xf32, #tpu.memory_space<vmem>>
      %dma_start3A_81 = arith.constant 0 : i32
      %dma_start3A_82 = tpu.memref_slice %arg2[%squeeze3A_11, %dma_start3A_81] : memref<100000x64xf32, #tpu.memory_space<hbm>> -> memref<1x64xf32, #tpu.memory_space<hbm>>
      %dma_start3A_83 = tpu.memref_squeeze %dma_start3A_82 : memref<1x64xf32, #tpu.memory_space<hbm>> -> memref<64xf32, #tpu.memory_space<hbm>>
      tpu.enqueue_dma source(%dma_start3A_83 : memref<64xf32, #tpu.memory_space<hbm>>) target(%dma_start3A_80 : memref<64xf32, #tpu.memory_space<vmem>>) target_semaphore(%arg7 : memref<!tpu.dma_semaphore, #tpu.memory_space<semaphore_mem>>)
      %dma_start3A_84 = arith.constant 3 : i32
      %dma_start3A_85 = arith.constant 0 : i32
      %dma_start3A_86 = tpu.memref_slice %arg6[%dma_start3A_84, %dma_start3A_85] : memref<20x64xf32, #tpu.memory_space<vmem>> -> memref<1x64xf32, #tpu.memory_space<vmem>>
      %dma_start3A_87 = tpu.memref_squeeze %dma_start3A_86 : memref<1x64xf32, #tpu.memory_space<vmem>> -> memref<64xf32, #tpu.memory_space<vmem>>
      %dma_start3A_88 = arith.constant 0 : i32
      %dma_start3A_89 = tpu.memref_slice %arg2[%squeeze3A_13, %dma_start3A_88] : memref<100000x64xf32, #tpu.memory_space<hbm>> -> memref<1x64xf32, #tpu.memory_space<hbm>>
      %dma_start3A_90 = tpu.memref_squeeze %dma_start3A_89 : memref<1x64xf32, #tpu.memory_space<hbm>> -> memref<64xf32, #tpu.memory_space<hbm>>
      %dma_start3A_91 = arith.constant 0 : i32
      %dma_start3A_92 = tpu.memref_slice %arg6[%dma_start3A_84, %dma_start3A_91] : memref<20x64xf32, #tpu.memory_space<vmem>> -> memref<1x64xf32, #tpu.memory_space<vmem>>
      %dma_start3A_93 = tpu.memref_squeeze %dma_start3A_92 : memref<1x64xf32, #tpu.memory_space<vmem>> -> memref<64xf32, #tpu.memory_space<vmem>>
      %dma_start3A_94 = arith.constant 0 : i32
      %dma_start3A_95 = tpu.memref_slice %arg2[%squeeze3A_13, %dma_start3A_94] : memref<100000x64xf32, #tpu.memory_space<hbm>> -> memref<1x64xf32, #tpu.memory_space<hbm>>
      %dma_start3A_96 = tpu.memref_squeeze %dma_start3A_95 : memref<1x64xf32, #tpu.memory_space<hbm>> -> memref<64xf32, #tpu.memory_space<hbm>>
      tpu.enqueue_dma source(%dma_start3A_96 : memref<64xf32, #tpu.memory_space<hbm>>) target(%dma_start3A_93 : memref<64xf32, #tpu.memory_space<vmem>>) target_semaphore(%arg7 : memref<!tpu.dma_semaphore, #tpu.memory_space<semaphore_mem>>)
      %dma_start3A_97 = arith.constant 4 : i32
      %dma_start3A_98 = arith.constant 0 : i32
      %dma_start3A_99 = tpu.memref_slice %arg6[%dma_start3A_97, %dma_start3A_98] : memref<20x64xf32, #tpu.memory_space<vmem>> -> memref<1x64xf32, #tpu.memory_space<vmem>>
      %dma_start3A_100 = tpu.memref_squeeze %dma_start3A_99 : memref<1x64xf32, #tpu.memory_space<vmem>> -> memref<64xf32, #tpu.memory_space<vmem>>
      %dma_start3A_101 = arith.constant 0 : i32
      %dma_start3A_102 = tpu.memref_slice %arg2[%squeeze3A_15, %dma_start3A_101] : memref<100000x64xf32, #tpu.memory_space<hbm>> -> memref<1x64xf32, #tpu.memory_space<hbm>>
      %dma_start3A_103 = tpu.memref_squeeze %dma_start3A_102 : memref<1x64xf32, #tpu.memory_space<hbm>> -> memref<64xf32, #tpu.memory_space<hbm>>
      %dma_start3A_104 = arith.constant 0 : i32
      %dma_start3A_105 = tpu.memref_slice %arg6[%dma_start3A_97, %dma_start3A_104] : memref<20x64xf32, #tpu.memory_space<vmem>> -> memref<1x64xf32, #tpu.memory_space<vmem>>
      %dma_start3A_106 = tpu.memref_squeeze %dma_start3A_105 : memref<1x64xf32, #tpu.memory_space<vmem>> -> memref<64xf32, #tpu.memory_space<vmem>>
      %dma_start3A_107 = arith.constant 0 : i32
      %dma_start3A_108 = tpu.memref_slice %arg2[%squeeze3A_15, %dma_start3A_107] : memref<100000x64xf32, #tpu.memory_space<hbm>> -> memref<1x64xf32, #tpu.memory_space<hbm>>
      %dma_start3A_109 = tpu.memref_squeeze %dma_start3A_108 : memref<1x64xf32, #tpu.memory_space<hbm>> -> memref<64xf32, #tpu.memory_space<hbm>>
      tpu.enqueue_dma source(%dma_start3A_109 : memref<64xf32, #tpu.memory_space<hbm>>) target(%dma_start3A_106 : memref<64xf32, #tpu.memory_space<vmem>>) target_semaphore(%arg7 : memref<!tpu.dma_semaphore, #tpu.memory_space<semaphore_mem>>)
      %dma_start3A_110 = arith.constant 5 : i32
      %dma_start3A_111 = arith.constant 0 : i32
      %dma_start3A_112 = tpu.memref_slice %arg6[%dma_start3A_110, %dma_start3A_111] : memref<20x64xf32, #tpu.memory_space<vmem>> -> memref<1x64xf32, #tpu.memory_space<vmem>>
      %dma_start3A_113 = tpu.memref_squeeze %dma_start3A_112 : memref<1x64xf32, #tpu.memory_space<vmem>> -> memref<64xf32, #tpu.memory_space<vmem>>
      %dma_start3A_114 = arith.constant 0 : i32
      %dma_start3A_115 = tpu.memref_slice %arg2[%squeeze3A_17, %dma_start3A_114] : memref<100000x64xf32, #tpu.memory_space<hbm>> -> memref<1x64xf32, #tpu.memory_space<hbm>>
      %dma_start3A_116 = tpu.memref_squeeze %dma_start3A_115 : memref<1x64xf32, #tpu.memory_space<hbm>> -> memref<64xf32, #tpu.memory_space<hbm>>
      %dma_start3A_117 = arith.constant 0 : i32
      %dma_start3A_118 = tpu.memref_slice %arg6[%dma_start3A_110, %dma_start3A_117] : memref<20x64xf32, #tpu.memory_space<vmem>> -> memref<1x64xf32, #tpu.memory_space<vmem>>
      %dma_start3A_119 = tpu.memref_squeeze %dma_start3A_118 : memref<1x64xf32, #tpu.memory_space<vmem>> -> memref<64xf32, #tpu.memory_space<vmem>>
      %dma_start3A_120 = arith.constant 0 : i32
      %dma_start3A_121 = tpu.memref_slice %arg2[%squeeze3A_17, %dma_start3A_120] : memref<100000x64xf32, #tpu.memory_space<hbm>> -> memref<1x64xf32, #tpu.memory_space<hbm>>
      %dma_start3A_122 = tpu.memref_squeeze %dma_start3A_121 : memref<1x64xf32, #tpu.memory_space<hbm>> -> memref<64xf32, #tpu.memory_space<hbm>>
      tpu.enqueue_dma source(%dma_start3A_122 : memref<64xf32, #tpu.memory_space<hbm>>) target(%dma_start3A_119 : memref<64xf32, #tpu.memory_space<vmem>>) target_semaphore(%arg7 : memref<!tpu.dma_semaphore, #tpu.memory_space<semaphore_mem>>)
      %dma_start3A_123 = arith.constant 6 : i32
      %dma_start3A_124 = arith.constant 0 : i32
      %dma_start3A_125 = tpu.memref_slice %arg6[%dma_start3A_123, %dma_start3A_124] : memref<20x64xf32, #tpu.memory_space<vmem>> -> memref<1x64xf32, #tpu.memory_space<vmem>>
      %dma_start3A_126 = tpu.memref_squeeze %dma_start3A_125 : memref<1x64xf32, #tpu.memory_space<vmem>> -> memref<64xf32, #tpu.memory_space<vmem>>
      %dma_start3A_127 = arith.constant 0 : i32
      %dma_start3A_128 = tpu.memref_slice %arg2[%squeeze3A_19, %dma_start3A_127] : memref<100000x64xf32, #tpu.memory_space<hbm>> -> memref<1x64xf32, #tpu.memory_space<hbm>>
      %dma_start3A_129 = tpu.memref_squeeze %dma_start3A_128 : memref<1x64xf32, #tpu.memory_space<hbm>> -> memref<64xf32, #tpu.memory_space<hbm>>
      %dma_start3A_130 = arith.constant 0 : i32
      %dma_start3A_131 = tpu.memref_slice %arg6[%dma_start3A_123, %dma_start3A_130] : memref<20x64xf32, #tpu.memory_space<vmem>> -> memref<1x64xf32, #tpu.memory_space<vmem>>
      %dma_start3A_132 = tpu.memref_squeeze %dma_start3A_131 : memref<1x64xf32, #tpu.memory_space<vmem>> -> memref<64xf32, #tpu.memory_space<vmem>>
      %dma_start3A_133 = arith.constant 0 : i32
      %dma_start3A_134 = tpu.memref_slice %arg2[%squeeze3A_19, %dma_start3A_133] : memref<100000x64xf32, #tpu.memory_space<hbm>> -> memref<1x64xf32, #tpu.memory_space<hbm>>
      %dma_start3A_135 = tpu.memref_squeeze %dma_start3A_134 : memref<1x64xf32, #tpu.memory_space<hbm>> -> memref<64xf32, #tpu.memory_space<hbm>>
      tpu.enqueue_dma source(%dma_start3A_135 : memref<64xf32, #tpu.memory_space<hbm>>) target(%dma_start3A_132 : memref<64xf32, #tpu.memory_space<vmem>>) target_semaphore(%arg7 : memref<!tpu.dma_semaphore, #tpu.memory_space<semaphore_mem>>)
      %dma_start3A_136 = arith.constant 7 : i32
      %dma_start3A_137 = arith.constant 0 : i32
      %dma_start3A_138 = tpu.memref_slice %arg6[%dma_start3A_136, %dma_start3A_137] : memref<20x64xf32, #tpu.memory_space<vmem>> -> memref<1x64xf32, #tpu.memory_space<vmem>>
      %dma_start3A_139 = tpu.memref_squeeze %dma_start3A_138 : memref<1x64xf32, #tpu.memory_space<vmem>> -> memref<64xf32, #tpu.memory_space<vmem>>
      %dma_start3A_140 = arith.constant 0 : i32
      %dma_start3A_141 = tpu.memref_slice %arg2[%squeeze3A_21, %dma_start3A_140] : memref<100000x64xf32, #tpu.memory_space<hbm>> -> memref<1x64xf32, #tpu.memory_space<hbm>>
      %dma_start3A_142 = tpu.memref_squeeze %dma_start3A_141 : memref<1x64xf32, #tpu.memory_space<hbm>> -> memref<64xf32, #tpu.memory_space<hbm>>
      %dma_start3A_143 = arith.constant 0 : i32
      %dma_start3A_144 = tpu.memref_slice %arg6[%dma_start3A_136, %dma_start3A_143] : memref<20x64xf32, #tpu.memory_space<vmem>> -> memref<1x64xf32, #tpu.memory_space<vmem>>
      %dma_start3A_145 = tpu.memref_squeeze %dma_start3A_144 : memref<1x64xf32, #tpu.memory_space<vmem>> -> memref<64xf32, #tpu.memory_space<vmem>>
      %dma_start3A_146 = arith.constant 0 : i32
      %dma_start3A_147 = tpu.memref_slice %arg2[%squeeze3A_21, %dma_start3A_146] : memref<100000x64xf32, #tpu.memory_space<hbm>> -> memref<1x64xf32, #tpu.memory_space<hbm>>
      %dma_start3A_148 = tpu.memref_squeeze %dma_start3A_147 : memref<1x64xf32, #tpu.memory_space<hbm>> -> memref<64xf32, #tpu.memory_space<hbm>>
      tpu.enqueue_dma source(%dma_start3A_148 : memref<64xf32, #tpu.memory_space<hbm>>) target(%dma_start3A_145 : memref<64xf32, #tpu.memory_space<vmem>>) target_semaphore(%arg7 : memref<!tpu.dma_semaphore, #tpu.memory_space<semaphore_mem>>)
      %dma_start3A_149 = arith.constant 8 : i32
      %dma_start3A_150 = arith.constant 0 : i32
      %dma_start3A_151 = tpu.memref_slice %arg6[%dma_start3A_149, %dma_start3A_150] : memref<20x64xf32, #tpu.memory_space<vmem>> -> memref<1x64xf32, #tpu.memory_space<vmem>>
      %dma_start3A_152 = tpu.memref_squeeze %dma_start3A_151 : memref<1x64xf32, #tpu.memory_space<vmem>> -> memref<64xf32, #tpu.memory_space<vmem>>
      %dma_start3A_153 = arith.constant 0 : i32
      %dma_start3A_154 = tpu.memref_slice %arg2[%squeeze3A_23, %dma_start3A_153] : memref<100000x64xf32, #tpu.memory_space<hbm>> -> memref<1x64xf32, #tpu.memory_space<hbm>>
      %dma_start3A_155 = tpu.memref_squeeze %dma_start3A_154 : memref<1x64xf32, #tpu.memory_space<hbm>> -> memref<64xf32, #tpu.memory_space<hbm>>
      %dma_start3A_156 = arith.constant 0 : i32
      %dma_start3A_157 = tpu.memref_slice %arg6[%dma_start3A_149, %dma_start3A_156] : memref<20x64xf32, #tpu.memory_space<vmem>> -> memref<1x64xf32, #tpu.memory_space<vmem>>
      %dma_start3A_158 = tpu.memref_squeeze %dma_start3A_157 : memref<1x64xf32, #tpu.memory_space<vmem>> -> memref<64xf32, #tpu.memory_space<vmem>>
      %dma_start3A_159 = arith.constant 0 : i32
      %dma_start3A_160 = tpu.memref_slice %arg2[%squeeze3A_23, %dma_start3A_159] : memref<100000x64xf32, #tpu.memory_space<hbm>> -> memref<1x64xf32, #tpu.memory_space<hbm>>
      %dma_start3A_161 = tpu.memref_squeeze %dma_start3A_160 : memref<1x64xf32, #tpu.memory_space<hbm>> -> memref<64xf32, #tpu.memory_space<hbm>>
      tpu.enqueue_dma source(%dma_start3A_161 : memref<64xf32, #tpu.memory_space<hbm>>) target(%dma_start3A_158 : memref<64xf32, #tpu.memory_space<vmem>>) target_semaphore(%arg7 : memref<!tpu.dma_semaphore, #tpu.memory_space<semaphore_mem>>)
      %dma_start3A_162 = arith.constant 9 : i32
      %dma_start3A_163 = arith.constant 0 : i32
      %dma_start3A_164 = tpu.memref_slice %arg6[%dma_start3A_162, %dma_start3A_163] : memref<20x64xf32, #tpu.memory_space<vmem>> -> memref<1x64xf32, #tpu.memory_space<vmem>>
      %dma_start3A_165 = tpu.memref_squeeze %dma_start3A_164 : memref<1x64xf32, #tpu.memory_space<vmem>> -> memref<64xf32, #tpu.memory_space<vmem>>
      %dma_start3A_166 = arith.constant 0 : i32
      %dma_start3A_167 = tpu.memref_slice %arg2[%squeeze3A_25, %dma_start3A_166] : memref<100000x64xf32, #tpu.memory_space<hbm>> -> memref<1x64xf32, #tpu.memory_space<hbm>>
      %dma_start3A_168 = tpu.memref_squeeze %dma_start3A_167 : memref<1x64xf32, #tpu.memory_space<hbm>> -> memref<64xf32, #tpu.memory_space<hbm>>
      %dma_start3A_169 = arith.constant 0 : i32
      %dma_start3A_170 = tpu.memref_slice %arg6[%dma_start3A_162, %dma_start3A_169] : memref<20x64xf32, #tpu.memory_space<vmem>> -> memref<1x64xf32, #tpu.memory_space<vmem>>
      %dma_start3A_171 = tpu.memref_squeeze %dma_start3A_170 : memref<1x64xf32, #tpu.memory_space<vmem>> -> memref<64xf32, #tpu.memory_space<vmem>>
      %dma_start3A_172 = arith.constant 0 : i32
      %dma_start3A_173 = tpu.memref_slice %arg2[%squeeze3A_25, %dma_start3A_172] : memref<100000x64xf32, #tpu.memory_space<hbm>> -> memref<1x64xf32, #tpu.memory_space<hbm>>
      %dma_start3A_174 = tpu.memref_squeeze %dma_start3A_173 : memref<1x64xf32, #tpu.memory_space<hbm>> -> memref<64xf32, #tpu.memory_space<hbm>>
      tpu.enqueue_dma source(%dma_start3A_174 : memref<64xf32, #tpu.memory_space<hbm>>) target(%dma_start3A_171 : memref<64xf32, #tpu.memory_space<vmem>>) target_semaphore(%arg7 : memref<!tpu.dma_semaphore, #tpu.memory_space<semaphore_mem>>)
      %dma_start3A_175 = arith.constant 10 : i32
      %dma_start3A_176 = arith.constant 0 : i32
      %dma_start3A_177 = tpu.memref_slice %arg6[%dma_start3A_175, %dma_start3A_176] : memref<20x64xf32, #tpu.memory_space<vmem>> -> memref<1x64xf32, #tpu.memory_space<vmem>>
      %dma_start3A_178 = tpu.memref_squeeze %dma_start3A_177 : memref<1x64xf32, #tpu.memory_space<vmem>> -> memref<64xf32, #tpu.memory_space<vmem>>
      %dma_start3A_179 = arith.constant 0 : i32
      %dma_start3A_180 = tpu.memref_slice %arg2[%squeeze3A_27, %dma_start3A_179] : memref<100000x64xf32, #tpu.memory_space<hbm>> -> memref<1x64xf32, #tpu.memory_space<hbm>>
      %dma_start3A_181 = tpu.memref_squeeze %dma_start3A_180 : memref<1x64xf32, #tpu.memory_space<hbm>> -> memref<64xf32, #tpu.memory_space<hbm>>
      %dma_start3A_182 = arith.constant 0 : i32
      %dma_start3A_183 = tpu.memref_slice %arg6[%dma_start3A_175, %dma_start3A_182] : memref<20x64xf32, #tpu.memory_space<vmem>> -> memref<1x64xf32, #tpu.memory_space<vmem>>
      %dma_start3A_184 = tpu.memref_squeeze %dma_start3A_183 : memref<1x64xf32, #tpu.memory_space<vmem>> -> memref<64xf32, #tpu.memory_space<vmem>>
      %dma_start3A_185 = arith.constant 0 : i32
      %dma_start3A_186 = tpu.memref_slice %arg2[%squeeze3A_27, %dma_start3A_185] : memref<100000x64xf32, #tpu.memory_space<hbm>> -> memref<1x64xf32, #tpu.memory_space<hbm>>
      %dma_start3A_187 = tpu.memref_squeeze %dma_start3A_186 : memref<1x64xf32, #tpu.memory_space<hbm>> -> memref<64xf32, #tpu.memory_space<hbm>>
      tpu.enqueue_dma source(%dma_start3A_187 : memref<64xf32, #tpu.memory_space<hbm>>) target(%dma_start3A_184 : memref<64xf32, #tpu.memory_space<vmem>>) target_semaphore(%arg7 : memref<!tpu.dma_semaphore, #tpu.memory_space<semaphore_mem>>)
      %dma_start3A_188 = arith.constant 11 : i32
      %dma_start3A_189 = arith.constant 0 : i32
      %dma_start3A_190 = tpu.memref_slice %arg6[%dma_start3A_188, %dma_start3A_189] : memref<20x64xf32, #tpu.memory_space<vmem>> -> memref<1x64xf32, #tpu.memory_space<vmem>>
      %dma_start3A_191 = tpu.memref_squeeze %dma_start3A_190 : memref<1x64xf32, #tpu.memory_space<vmem>> -> memref<64xf32, #tpu.memory_space<vmem>>
      %dma_start3A_192 = arith.constant 0 : i32
      %dma_start3A_193 = tpu.memref_slice %arg2[%squeeze3A_29, %dma_start3A_192] : memref<100000x64xf32, #tpu.memory_space<hbm>> -> memref<1x64xf32, #tpu.memory_space<hbm>>
      %dma_start3A_194 = tpu.memref_squeeze %dma_start3A_193 : memref<1x64xf32, #tpu.memory_space<hbm>> -> memref<64xf32, #tpu.memory_space<hbm>>
      %dma_start3A_195 = arith.constant 0 : i32
      %dma_start3A_196 = tpu.memref_slice %arg6[%dma_start3A_188, %dma_start3A_195] : memref<20x64xf32, #tpu.memory_space<vmem>> -> memref<1x64xf32, #tpu.memory_space<vmem>>
      %dma_start3A_197 = tpu.memref_squeeze %dma_start3A_196 : memref<1x64xf32, #tpu.memory_space<vmem>> -> memref<64xf32, #tpu.memory_space<vmem>>
      %dma_start3A_198 = arith.constant 0 : i32
      %dma_start3A_199 = tpu.memref_slice %arg2[%squeeze3A_29, %dma_start3A_198] : memref<100000x64xf32, #tpu.memory_space<hbm>> -> memref<1x64xf32, #tpu.memory_space<hbm>>
      %dma_start3A_200 = tpu.memref_squeeze %dma_start3A_199 : memref<1x64xf32, #tpu.memory_space<hbm>> -> memref<64xf32, #tpu.memory_space<hbm>>
      tpu.enqueue_dma source(%dma_start3A_200 : memref<64xf32, #tpu.memory_space<hbm>>) target(%dma_start3A_197 : memref<64xf32, #tpu.memory_space<vmem>>) target_semaphore(%arg7 : memref<!tpu.dma_semaphore, #tpu.memory_space<semaphore_mem>>)
      %dma_start3A_201 = arith.constant 12 : i32
      %dma_start3A_202 = arith.constant 0 : i32
      %dma_start3A_203 = tpu.memref_slice %arg6[%dma_start3A_201, %dma_start3A_202] : memref<20x64xf32, #tpu.memory_space<vmem>> -> memref<1x64xf32, #tpu.memory_space<vmem>>
      %dma_start3A_204 = tpu.memref_squeeze %dma_start3A_203 : memref<1x64xf32, #tpu.memory_space<vmem>> -> memref<64xf32, #tpu.memory_space<vmem>>
      %dma_start3A_205 = arith.constant 0 : i32
      %dma_start3A_206 = tpu.memref_slice %arg2[%squeeze3A_31, %dma_start3A_205] : memref<100000x64xf32, #tpu.memory_space<hbm>> -> memref<1x64xf32, #tpu.memory_space<hbm>>
      %dma_start3A_207 = tpu.memref_squeeze %dma_start3A_206 : memref<1x64xf32, #tpu.memory_space<hbm>> -> memref<64xf32, #tpu.memory_space<hbm>>
      %dma_start3A_208 = arith.constant 0 : i32
      %dma_start3A_209 = tpu.memref_slice %arg6[%dma_start3A_201, %dma_start3A_208] : memref<20x64xf32, #tpu.memory_space<vmem>> -> memref<1x64xf32, #tpu.memory_space<vmem>>
      %dma_start3A_210 = tpu.memref_squeeze %dma_start3A_209 : memref<1x64xf32, #tpu.memory_space<vmem>> -> memref<64xf32, #tpu.memory_space<vmem>>
      %dma_start3A_211 = arith.constant 0 : i32
      %dma_start3A_212 = tpu.memref_slice %arg2[%squeeze3A_31, %dma_start3A_211] : memref<100000x64xf32, #tpu.memory_space<hbm>> -> memref<1x64xf32, #tpu.memory_space<hbm>>
      %dma_start3A_213 = tpu.memref_squeeze %dma_start3A_212 : memref<1x64xf32, #tpu.memory_space<hbm>> -> memref<64xf32, #tpu.memory_space<hbm>>
      tpu.enqueue_dma source(%dma_start3A_213 : memref<64xf32, #tpu.memory_space<hbm>>) target(%dma_start3A_210 : memref<64xf32, #tpu.memory_space<vmem>>) target_semaphore(%arg7 : memref<!tpu.dma_semaphore, #tpu.memory_space<semaphore_mem>>)
      %dma_start3A_214 = arith.constant 13 : i32
      %dma_start3A_215 = arith.constant 0 : i32
      %dma_start3A_216 = tpu.memref_slice %arg6[%dma_start3A_214, %dma_start3A_215] : memref<20x64xf32, #tpu.memory_space<vmem>> -> memref<1x64xf32, #tpu.memory_space<vmem>>
      %dma_start3A_217 = tpu.memref_squeeze %dma_start3A_216 : memref<1x64xf32, #tpu.memory_space<vmem>> -> memref<64xf32, #tpu.memory_space<vmem>>
      %dma_start3A_218 = arith.constant 0 : i32
      %dma_start3A_219 = tpu.memref_slice %arg2[%squeeze3A_33, %dma_start3A_218] : memref<100000x64xf32, #tpu.memory_space<hbm>> -> memref<1x64xf32, #tpu.memory_space<hbm>>
      %dma_start3A_220 = tpu.memref_squeeze %dma_start3A_219 : memref<1x64xf32, #tpu.memory_space<hbm>> -> memref<64xf32, #tpu.memory_space<hbm>>
      %dma_start3A_221 = arith.constant 0 : i32
      %dma_start3A_222 = tpu.memref_slice %arg6[%dma_start3A_214, %dma_start3A_221] : memref<20x64xf32, #tpu.memory_space<vmem>> -> memref<1x64xf32, #tpu.memory_space<vmem>>
      %dma_start3A_223 = tpu.memref_squeeze %dma_start3A_222 : memref<1x64xf32, #tpu.memory_space<vmem>> -> memref<64xf32, #tpu.memory_space<vmem>>
      %dma_start3A_224 = arith.constant 0 : i32
      %dma_start3A_225 = tpu.memref_slice %arg2[%squeeze3A_33, %dma_start3A_224] : memref<100000x64xf32, #tpu.memory_space<hbm>> -> memref<1x64xf32, #tpu.memory_space<hbm>>
      %dma_start3A_226 = tpu.memref_squeeze %dma_start3A_225 : memref<1x64xf32, #tpu.memory_space<hbm>> -> memref<64xf32, #tpu.memory_space<hbm>>
      tpu.enqueue_dma source(%dma_start3A_226 : memref<64xf32, #tpu.memory_space<hbm>>) target(%dma_start3A_223 : memref<64xf32, #tpu.memory_space<vmem>>) target_semaphore(%arg7 : memref<!tpu.dma_semaphore, #tpu.memory_space<semaphore_mem>>)
      %dma_start3A_227 = arith.constant 14 : i32
      %dma_start3A_228 = arith.constant 0 : i32
      %dma_start3A_229 = tpu.memref_slice %arg6[%dma_start3A_227, %dma_start3A_228] : memref<20x64xf32, #tpu.memory_space<vmem>> -> memref<1x64xf32, #tpu.memory_space<vmem>>
      %dma_start3A_230 = tpu.memref_squeeze %dma_start3A_229 : memref<1x64xf32, #tpu.memory_space<vmem>> -> memref<64xf32, #tpu.memory_space<vmem>>
      %dma_start3A_231 = arith.constant 0 : i32
      %dma_start3A_232 = tpu.memref_slice %arg2[%squeeze3A_35, %dma_start3A_231] : memref<100000x64xf32, #tpu.memory_space<hbm>> -> memref<1x64xf32, #tpu.memory_space<hbm>>
      %dma_start3A_233 = tpu.memref_squeeze %dma_start3A_232 : memref<1x64xf32, #tpu.memory_space<hbm>> -> memref<64xf32, #tpu.memory_space<hbm>>
      %dma_start3A_234 = arith.constant 0 : i32
      %dma_start3A_235 = tpu.memref_slice %arg6[%dma_start3A_227, %dma_start3A_234] : memref<20x64xf32, #tpu.memory_space<vmem>> -> memref<1x64xf32, #tpu.memory_space<vmem>>
      %dma_start3A_236 = tpu.memref_squeeze %dma_start3A_235 : memref<1x64xf32, #tpu.memory_space<vmem>> -> memref<64xf32, #tpu.memory_space<vmem>>
      %dma_start3A_237 = arith.constant 0 : i32
      %dma_start3A_238 = tpu.memref_slice %arg2[%squeeze3A_35, %dma_start3A_237] : memref<100000x64xf32, #tpu.memory_space<hbm>> -> memref<1x64xf32, #tpu.memory_space<hbm>>
      %dma_start3A_239 = tpu.memref_squeeze %dma_start3A_238 : memref<1x64xf32, #tpu.memory_space<hbm>> -> memref<64xf32, #tpu.memory_space<hbm>>
      tpu.enqueue_dma source(%dma_start3A_239 : memref<64xf32, #tpu.memory_space<hbm>>) target(%dma_start3A_236 : memref<64xf32, #tpu.memory_space<vmem>>) target_semaphore(%arg7 : memref<!tpu.dma_semaphore, #tpu.memory_space<semaphore_mem>>)
      %dma_start3A_240 = arith.constant 15 : i32
      %dma_start3A_241 = arith.constant 0 : i32
      %dma_start3A_242 = tpu.memref_slice %arg6[%dma_start3A_240, %dma_start3A_241] : memref<20x64xf32, #tpu.memory_space<vmem>> -> memref<1x64xf32, #tpu.memory_space<vmem>>
      %dma_start3A_243 = tpu.memref_squeeze %dma_start3A_242 : memref<1x64xf32, #tpu.memory_space<vmem>> -> memref<64xf32, #tpu.memory_space<vmem>>
      %dma_start3A_244 = arith.constant 0 : i32
      %dma_start3A_245 = tpu.memref_slice %arg2[%squeeze3A_37, %dma_start3A_244] : memref<100000x64xf32, #tpu.memory_space<hbm>> -> memref<1x64xf32, #tpu.memory_space<hbm>>
      %dma_start3A_246 = tpu.memref_squeeze %dma_start3A_245 : memref<1x64xf32, #tpu.memory_space<hbm>> -> memref<64xf32, #tpu.memory_space<hbm>>
      %dma_start3A_247 = arith.constant 0 : i32
      %dma_start3A_248 = tpu.memref_slice %arg6[%dma_start3A_240, %dma_start3A_247] : memref<20x64xf32, #tpu.memory_space<vmem>> -> memref<1x64xf32, #tpu.memory_space<vmem>>
      %dma_start3A_249 = tpu.memref_squeeze %dma_start3A_248 : memref<1x64xf32, #tpu.memory_space<vmem>> -> memref<64xf32, #tpu.memory_space<vmem>>
      %dma_start3A_250 = arith.constant 0 : i32
      %dma_start3A_251 = tpu.memref_slice %arg2[%squeeze3A_37, %dma_start3A_250] : memref<100000x64xf32, #tpu.memory_space<hbm>> -> memref<1x64xf32, #tpu.memory_space<hbm>>
      %dma_start3A_252 = tpu.memref_squeeze %dma_start3A_251 : memref<1x64xf32, #tpu.memory_space<hbm>> -> memref<64xf32, #tpu.memory_space<hbm>>
      tpu.enqueue_dma source(%dma_start3A_252 : memref<64xf32, #tpu.memory_space<hbm>>) target(%dma_start3A_249 : memref<64xf32, #tpu.memory_space<vmem>>) target_semaphore(%arg7 : memref<!tpu.dma_semaphore, #tpu.memory_space<semaphore_mem>>)
      %dma_start3A_253 = arith.constant 16 : i32
      %dma_start3A_254 = arith.constant 0 : i32
      %dma_start3A_255 = tpu.memref_slice %arg6[%dma_start3A_253, %dma_start3A_254] : memref<20x64xf32, #tpu.memory_space<vmem>> -> memref<1x64xf32, #tpu.memory_space<vmem>>
      %dma_start3A_256 = tpu.memref_squeeze %dma_start3A_255 : memref<1x64xf32, #tpu.memory_space<vmem>> -> memref<64xf32, #tpu.memory_space<vmem>>
      %dma_start3A_257 = arith.constant 0 : i32
      %dma_start3A_258 = tpu.memref_slice %arg2[%squeeze3A_39, %dma_start3A_257] : memref<100000x64xf32, #tpu.memory_space<hbm>> -> memref<1x64xf32, #tpu.memory_space<hbm>>
      %dma_start3A_259 = tpu.memref_squeeze %dma_start3A_258 : memref<1x64xf32, #tpu.memory_space<hbm>> -> memref<64xf32, #tpu.memory_space<hbm>>
      %dma_start3A_260 = arith.constant 0 : i32
      %dma_start3A_261 = tpu.memref_slice %arg6[%dma_start3A_253, %dma_start3A_260] : memref<20x64xf32, #tpu.memory_space<vmem>> -> memref<1x64xf32, #tpu.memory_space<vmem>>
      %dma_start3A_262 = tpu.memref_squeeze %dma_start3A_261 : memref<1x64xf32, #tpu.memory_space<vmem>> -> memref<64xf32, #tpu.memory_space<vmem>>
      %dma_start3A_263 = arith.constant 0 : i32
      %dma_start3A_264 = tpu.memref_slice %arg2[%squeeze3A_39, %dma_start3A_263] : memref<100000x64xf32, #tpu.memory_space<hbm>> -> memref<1x64xf32, #tpu.memory_space<hbm>>
      %dma_start3A_265 = tpu.memref_squeeze %dma_start3A_264 : memref<1x64xf32, #tpu.memory_space<hbm>> -> memref<64xf32, #tpu.memory_space<hbm>>
      tpu.enqueue_dma source(%dma_start3A_265 : memref<64xf32, #tpu.memory_space<hbm>>) target(%dma_start3A_262 : memref<64xf32, #tpu.memory_space<vmem>>) target_semaphore(%arg7 : memref<!tpu.dma_semaphore, #tpu.memory_space<semaphore_mem>>)
      %dma_start3A_266 = arith.constant 17 : i32
      %dma_start3A_267 = arith.constant 0 : i32
      %dma_start3A_268 = tpu.memref_slice %arg6[%dma_start3A_266, %dma_start3A_267] : memref<20x64xf32, #tpu.memory_space<vmem>> -> memref<1x64xf32, #tpu.memory_space<vmem>>
      %dma_start3A_269 = tpu.memref_squeeze %dma_start3A_268 : memref<1x64xf32, #tpu.memory_space<vmem>> -> memref<64xf32, #tpu.memory_space<vmem>>
      %dma_start3A_270 = arith.constant 0 : i32
      %dma_start3A_271 = tpu.memref_slice %arg2[%squeeze3A_41, %dma_start3A_270] : memref<100000x64xf32, #tpu.memory_space<hbm>> -> memref<1x64xf32, #tpu.memory_space<hbm>>
      %dma_start3A_272 = tpu.memref_squeeze %dma_start3A_271 : memref<1x64xf32, #tpu.memory_space<hbm>> -> memref<64xf32, #tpu.memory_space<hbm>>
      %dma_start3A_273 = arith.constant 0 : i32
      %dma_start3A_274 = tpu.memref_slice %arg6[%dma_start3A_266, %dma_start3A_273] : memref<20x64xf32, #tpu.memory_space<vmem>> -> memref<1x64xf32, #tpu.memory_space<vmem>>
      %dma_start3A_275 = tpu.memref_squeeze %dma_start3A_274 : memref<1x64xf32, #tpu.memory_space<vmem>> -> memref<64xf32, #tpu.memory_space<vmem>>
      %dma_start3A_276 = arith.constant 0 : i32
      %dma_start3A_277 = tpu.memref_slice %arg2[%squeeze3A_41, %dma_start3A_276] : memref<100000x64xf32, #tpu.memory_space<hbm>> -> memref<1x64xf32, #tpu.memory_space<hbm>>
      %dma_start3A_278 = tpu.memref_squeeze %dma_start3A_277 : memref<1x64xf32, #tpu.memory_space<hbm>> -> memref<64xf32, #tpu.memory_space<hbm>>
      tpu.enqueue_dma source(%dma_start3A_278 : memref<64xf32, #tpu.memory_space<hbm>>) target(%dma_start3A_275 : memref<64xf32, #tpu.memory_space<vmem>>) target_semaphore(%arg7 : memref<!tpu.dma_semaphore, #tpu.memory_space<semaphore_mem>>)
      %dma_start3A_279 = arith.constant 18 : i32
      %dma_start3A_280 = arith.constant 0 : i32
      %dma_start3A_281 = tpu.memref_slice %arg6[%dma_start3A_279, %dma_start3A_280] : memref<20x64xf32, #tpu.memory_space<vmem>> -> memref<1x64xf32, #tpu.memory_space<vmem>>
      %dma_start3A_282 = tpu.memref_squeeze %dma_start3A_281 : memref<1x64xf32, #tpu.memory_space<vmem>> -> memref<64xf32, #tpu.memory_space<vmem>>
      %dma_start3A_283 = arith.constant 0 : i32
      %dma_start3A_284 = tpu.memref_slice %arg2[%squeeze3A_43, %dma_start3A_283] : memref<100000x64xf32, #tpu.memory_space<hbm>> -> memref<1x64xf32, #tpu.memory_space<hbm>>
      %dma_start3A_285 = tpu.memref_squeeze %dma_start3A_284 : memref<1x64xf32, #tpu.memory_space<hbm>> -> memref<64xf32, #tpu.memory_space<hbm>>
      %dma_start3A_286 = arith.constant 0 : i32
      %dma_start3A_287 = tpu.memref_slice %arg6[%dma_start3A_279, %dma_start3A_286] : memref<20x64xf32, #tpu.memory_space<vmem>> -> memref<1x64xf32, #tpu.memory_space<vmem>>
      %dma_start3A_288 = tpu.memref_squeeze %dma_start3A_287 : memref<1x64xf32, #tpu.memory_space<vmem>> -> memref<64xf32, #tpu.memory_space<vmem>>
      %dma_start3A_289 = arith.constant 0 : i32
      %dma_start3A_290 = tpu.memref_slice %arg2[%squeeze3A_43, %dma_start3A_289] : memref<100000x64xf32, #tpu.memory_space<hbm>> -> memref<1x64xf32, #tpu.memory_space<hbm>>
      %dma_start3A_291 = tpu.memref_squeeze %dma_start3A_290 : memref<1x64xf32, #tpu.memory_space<hbm>> -> memref<64xf32, #tpu.memory_space<hbm>>
      tpu.enqueue_dma source(%dma_start3A_291 : memref<64xf32, #tpu.memory_space<hbm>>) target(%dma_start3A_288 : memref<64xf32, #tpu.memory_space<vmem>>) target_semaphore(%arg7 : memref<!tpu.dma_semaphore, #tpu.memory_space<semaphore_mem>>)
      %dma_start3A_292 = arith.constant 19 : i32
      %dma_start3A_293 = arith.constant 0 : i32
      %dma_start3A_294 = tpu.memref_slice %arg6[%dma_start3A_292, %dma_start3A_293] : memref<20x64xf32, #tpu.memory_space<vmem>> -> memref<1x64xf32, #tpu.memory_space<vmem>>
      %dma_start3A_295 = tpu.memref_squeeze %dma_start3A_294 : memref<1x64xf32, #tpu.memory_space<vmem>> -> memref<64xf32, #tpu.memory_space<vmem>>
      %dma_start3A_296 = arith.constant 0 : i32
      %dma_start3A_297 = tpu.memref_slice %arg2[%squeeze3A_45, %dma_start3A_296] : memref<100000x64xf32, #tpu.memory_space<hbm>> -> memref<1x64xf32, #tpu.memory_space<hbm>>
      %dma_start3A_298 = tpu.memref_squeeze %dma_start3A_297 : memref<1x64xf32, #tpu.memory_space<hbm>> -> memref<64xf32, #tpu.memory_space<hbm>>
      %dma_start3A_299 = arith.constant 0 : i32
      %dma_start3A_300 = tpu.memref_slice %arg6[%dma_start3A_292, %dma_start3A_299] : memref<20x64xf32, #tpu.memory_space<vmem>> -> memref<1x64xf32, #tpu.memory_space<vmem>>
      %dma_start3A_301 = tpu.memref_squeeze %dma_start3A_300 : memref<1x64xf32, #tpu.memory_space<vmem>> -> memref<64xf32, #tpu.memory_space<vmem>>
      %dma_start3A_302 = arith.constant 0 : i32
      %dma_start3A_303 = tpu.memref_slice %arg2[%squeeze3A_45, %dma_start3A_302] : memref<100000x64xf32, #tpu.memory_space<hbm>> -> memref<1x64xf32, #tpu.memory_space<hbm>>
      %dma_start3A_304 = tpu.memref_squeeze %dma_start3A_303 : memref<1x64xf32, #tpu.memory_space<hbm>> -> memref<64xf32, #tpu.memory_space<hbm>>
      tpu.enqueue_dma source(%dma_start3A_304 : memref<64xf32, #tpu.memory_space<hbm>>) target(%dma_start3A_301 : memref<64xf32, #tpu.memory_space<vmem>>) target_semaphore(%arg7 : memref<!tpu.dma_semaphore, #tpu.memory_space<semaphore_mem>>)
      %dma_wait3A = arith.constant 0 : i32
      %dma_wait3A_305 = arith.constant 0 : i32
      %dma_wait3A_306 = tpu.memref_slice %arg6[%dma_wait3A, %dma_wait3A_305] : memref<20x64xf32, #tpu.memory_space<vmem>> -> memref<1x64xf32, #tpu.memory_space<vmem>>
      %dma_wait3A_307 = tpu.memref_squeeze %dma_wait3A_306 : memref<1x64xf32, #tpu.memory_space<vmem>> -> memref<64xf32, #tpu.memory_space<vmem>>
      %dma_wait3A_308 = arith.constant 0 : i32
      %dma_wait3A_309 = tpu.memref_slice %arg2[%squeeze3A, %dma_wait3A_308] : memref<100000x64xf32, #tpu.memory_space<hbm>> -> memref<1x64xf32, #tpu.memory_space<hbm>>
      %dma_wait3A_310 = tpu.memref_squeeze %dma_wait3A_309 : memref<1x64xf32, #tpu.memory_space<hbm>> -> memref<64xf32, #tpu.memory_space<hbm>>
      %dma_wait3A_311 = arith.constant 0 : i32
      %dma_wait3A_312 = tpu.memref_slice %arg6[%dma_wait3A, %dma_wait3A_311] : memref<20x64xf32, #tpu.memory_space<vmem>> -> memref<1x64xf32, #tpu.memory_space<vmem>>
      %dma_wait3A_313 = tpu.memref_squeeze %dma_wait3A_312 : memref<1x64xf32, #tpu.memory_space<vmem>> -> memref<64xf32, #tpu.memory_space<vmem>>
      %dma_wait3A_314 = arith.constant 0 : i32
      %dma_wait3A_315 = tpu.memref_slice %arg2[%squeeze3A, %dma_wait3A_314] : memref<100000x64xf32, #tpu.memory_space<hbm>> -> memref<1x64xf32, #tpu.memory_space<hbm>>
      %dma_wait3A_316 = tpu.memref_squeeze %dma_wait3A_315 : memref<1x64xf32, #tpu.memory_space<hbm>> -> memref<64xf32, #tpu.memory_space<hbm>>
      tpu.wait_dma2 semaphore(%arg7 : memref<!tpu.dma_semaphore, #tpu.memory_space<semaphore_mem>>) src(%dma_wait3A_316 : memref<64xf32, #tpu.memory_space<hbm>>) dst(%dma_wait3A_313 : memref<64xf32, #tpu.memory_space<vmem>>)
      %dma_wait3A_317 = arith.constant 1 : i32
      %dma_wait3A_318 = arith.constant 0 : i32
      %dma_wait3A_319 = tpu.memref_slice %arg6[%dma_wait3A_317, %dma_wait3A_318] : memref<20x64xf32, #tpu.memory_space<vmem>> -> memref<1x64xf32, #tpu.memory_space<vmem>>
      %dma_wait3A_320 = tpu.memref_squeeze %dma_wait3A_319 : memref<1x64xf32, #tpu.memory_space<vmem>> -> memref<64xf32, #tpu.memory_space<vmem>>
      %dma_wait3A_321 = arith.constant 0 : i32
      %dma_wait3A_322 = tpu.memref_slice %arg2[%squeeze3A_9, %dma_wait3A_321] : memref<100000x64xf32, #tpu.memory_space<hbm>> -> memref<1x64xf32, #tpu.memory_space<hbm>>
      %dma_wait3A_323 = tpu.memref_squeeze %dma_wait3A_322 : memref<1x64xf32, #tpu.memory_space<hbm>> -> memref<64xf32, #tpu.memory_space<hbm>>
      %dma_wait3A_324 = arith.constant 0 : i32
      %dma_wait3A_325 = tpu.memref_slice %arg6[%dma_wait3A_317, %dma_wait3A_324] : memref<20x64xf32, #tpu.memory_space<vmem>> -> memref<1x64xf32, #tpu.memory_space<vmem>>
      %dma_wait3A_326 = tpu.memref_squeeze %dma_wait3A_325 : memref<1x64xf32, #tpu.memory_space<vmem>> -> memref<64xf32, #tpu.memory_space<vmem>>
      %dma_wait3A_327 = arith.constant 0 : i32
      %dma_wait3A_328 = tpu.memref_slice %arg2[%squeeze3A_9, %dma_wait3A_327] : memref<100000x64xf32, #tpu.memory_space<hbm>> -> memref<1x64xf32, #tpu.memory_space<hbm>>
      %dma_wait3A_329 = tpu.memref_squeeze %dma_wait3A_328 : memref<1x64xf32, #tpu.memory_space<hbm>> -> memref<64xf32, #tpu.memory_space<hbm>>
      tpu.wait_dma2 semaphore(%arg7 : memref<!tpu.dma_semaphore, #tpu.memory_space<semaphore_mem>>) src(%dma_wait3A_329 : memref<64xf32, #tpu.memory_space<hbm>>) dst(%dma_wait3A_326 : memref<64xf32, #tpu.memory_space<vmem>>)
      %dma_wait3A_330 = arith.constant 2 : i32
      %dma_wait3A_331 = arith.constant 0 : i32
      %dma_wait3A_332 = tpu.memref_slice %arg6[%dma_wait3A_330, %dma_wait3A_331] : memref<20x64xf32, #tpu.memory_space<vmem>> -> memref<1x64xf32, #tpu.memory_space<vmem>>
      %dma_wait3A_333 = tpu.memref_squeeze %dma_wait3A_332 : memref<1x64xf32, #tpu.memory_space<vmem>> -> memref<64xf32, #tpu.memory_space<vmem>>
      %dma_wait3A_334 = arith.constant 0 : i32
      %dma_wait3A_335 = tpu.memref_slice %arg2[%squeeze3A_11, %dma_wait3A_334] : memref<100000x64xf32, #tpu.memory_space<hbm>> -> memref<1x64xf32, #tpu.memory_space<hbm>>
      %dma_wait3A_336 = tpu.memref_squeeze %dma_wait3A_335 : memref<1x64xf32, #tpu.memory_space<hbm>> -> memref<64xf32, #tpu.memory_space<hbm>>
      %dma_wait3A_337 = arith.constant 0 : i32
      %dma_wait3A_338 = tpu.memref_slice %arg6[%dma_wait3A_330, %dma_wait3A_337] : memref<20x64xf32, #tpu.memory_space<vmem>> -> memref<1x64xf32, #tpu.memory_space<vmem>>
      %dma_wait3A_339 = tpu.memref_squeeze %dma_wait3A_338 : memref<1x64xf32, #tpu.memory_space<vmem>> -> memref<64xf32, #tpu.memory_space<vmem>>
      %dma_wait3A_340 = arith.constant 0 : i32
      %dma_wait3A_341 = tpu.memref_slice %arg2[%squeeze3A_11, %dma_wait3A_340] : memref<100000x64xf32, #tpu.memory_space<hbm>> -> memref<1x64xf32, #tpu.memory_space<hbm>>
      %dma_wait3A_342 = tpu.memref_squeeze %dma_wait3A_341 : memref<1x64xf32, #tpu.memory_space<hbm>> -> memref<64xf32, #tpu.memory_space<hbm>>
      tpu.wait_dma2 semaphore(%arg7 : memref<!tpu.dma_semaphore, #tpu.memory_space<semaphore_mem>>) src(%dma_wait3A_342 : memref<64xf32, #tpu.memory_space<hbm>>) dst(%dma_wait3A_339 : memref<64xf32, #tpu.memory_space<vmem>>)
      %dma_wait3A_343 = arith.constant 3 : i32
      %dma_wait3A_344 = arith.constant 0 : i32
      %dma_wait3A_345 = tpu.memref_slice %arg6[%dma_wait3A_343, %dma_wait3A_344] : memref<20x64xf32, #tpu.memory_space<vmem>> -> memref<1x64xf32, #tpu.memory_space<vmem>>
      %dma_wait3A_346 = tpu.memref_squeeze %dma_wait3A_345 : memref<1x64xf32, #tpu.memory_space<vmem>> -> memref<64xf32, #tpu.memory_space<vmem>>
      %dma_wait3A_347 = arith.constant 0 : i32
      %dma_wait3A_348 = tpu.memref_slice %arg2[%squeeze3A_13, %dma_wait3A_347] : memref<100000x64xf32, #tpu.memory_space<hbm>> -> memref<1x64xf32, #tpu.memory_space<hbm>>
      %dma_wait3A_349 = tpu.memref_squeeze %dma_wait3A_348 : memref<1x64xf32, #tpu.memory_space<hbm>> -> memref<64xf32, #tpu.memory_space<hbm>>
      %dma_wait3A_350 = arith.constant 0 : i32
      %dma_wait3A_351 = tpu.memref_slice %arg6[%dma_wait3A_343, %dma_wait3A_350] : memref<20x64xf32, #tpu.memory_space<vmem>> -> memref<1x64xf32, #tpu.memory_space<vmem>>
      %dma_wait3A_352 = tpu.memref_squeeze %dma_wait3A_351 : memref<1x64xf32, #tpu.memory_space<vmem>> -> memref<64xf32, #tpu.memory_space<vmem>>
      %dma_wait3A_353 = arith.constant 0 : i32
      %dma_wait3A_354 = tpu.memref_slice %arg2[%squeeze3A_13, %dma_wait3A_353] : memref<100000x64xf32, #tpu.memory_space<hbm>> -> memref<1x64xf32, #tpu.memory_space<hbm>>
      %dma_wait3A_355 = tpu.memref_squeeze %dma_wait3A_354 : memref<1x64xf32, #tpu.memory_space<hbm>> -> memref<64xf32, #tpu.memory_space<hbm>>
      tpu.wait_dma2 semaphore(%arg7 : memref<!tpu.dma_semaphore, #tpu.memory_space<semaphore_mem>>) src(%dma_wait3A_355 : memref<64xf32, #tpu.memory_space<hbm>>) dst(%dma_wait3A_352 : memref<64xf32, #tpu.memory_space<vmem>>)
      %dma_wait3A_356 = arith.constant 4 : i32
      %dma_wait3A_357 = arith.constant 0 : i32
      %dma_wait3A_358 = tpu.memref_slice %arg6[%dma_wait3A_356, %dma_wait3A_357] : memref<20x64xf32, #tpu.memory_space<vmem>> -> memref<1x64xf32, #tpu.memory_space<vmem>>
      %dma_wait3A_359 = tpu.memref_squeeze %dma_wait3A_358 : memref<1x64xf32, #tpu.memory_space<vmem>> -> memref<64xf32, #tpu.memory_space<vmem>>
      %dma_wait3A_360 = arith.constant 0 : i32
      %dma_wait3A_361 = tpu.memref_slice %arg2[%squeeze3A_15, %dma_wait3A_360] : memref<100000x64xf32, #tpu.memory_space<hbm>> -> memref<1x64xf32, #tpu.memory_space<hbm>>
      %dma_wait3A_362 = tpu.memref_squeeze %dma_wait3A_361 : memref<1x64xf32, #tpu.memory_space<hbm>> -> memref<64xf32, #tpu.memory_space<hbm>>
      %dma_wait3A_363 = arith.constant 0 : i32
      %dma_wait3A_364 = tpu.memref_slice %arg6[%dma_wait3A_356, %dma_wait3A_363] : memref<20x64xf32, #tpu.memory_space<vmem>> -> memref<1x64xf32, #tpu.memory_space<vmem>>
      %dma_wait3A_365 = tpu.memref_squeeze %dma_wait3A_364 : memref<1x64xf32, #tpu.memory_space<vmem>> -> memref<64xf32, #tpu.memory_space<vmem>>
      %dma_wait3A_366 = arith.constant 0 : i32
      %dma_wait3A_367 = tpu.memref_slice %arg2[%squeeze3A_15, %dma_wait3A_366] : memref<100000x64xf32, #tpu.memory_space<hbm>> -> memref<1x64xf32, #tpu.memory_space<hbm>>
      %dma_wait3A_368 = tpu.memref_squeeze %dma_wait3A_367 : memref<1x64xf32, #tpu.memory_space<hbm>> -> memref<64xf32, #tpu.memory_space<hbm>>
      tpu.wait_dma2 semaphore(%arg7 : memref<!tpu.dma_semaphore, #tpu.memory_space<semaphore_mem>>) src(%dma_wait3A_368 : memref<64xf32, #tpu.memory_space<hbm>>) dst(%dma_wait3A_365 : memref<64xf32, #tpu.memory_space<vmem>>)
      %dma_wait3A_369 = arith.constant 5 : i32
      %dma_wait3A_370 = arith.constant 0 : i32
      %dma_wait3A_371 = tpu.memref_slice %arg6[%dma_wait3A_369, %dma_wait3A_370] : memref<20x64xf32, #tpu.memory_space<vmem>> -> memref<1x64xf32, #tpu.memory_space<vmem>>
      %dma_wait3A_372 = tpu.memref_squeeze %dma_wait3A_371 : memref<1x64xf32, #tpu.memory_space<vmem>> -> memref<64xf32, #tpu.memory_space<vmem>>
      %dma_wait3A_373 = arith.constant 0 : i32
      %dma_wait3A_374 = tpu.memref_slice %arg2[%squeeze3A_17, %dma_wait3A_373] : memref<100000x64xf32, #tpu.memory_space<hbm>> -> memref<1x64xf32, #tpu.memory_space<hbm>>
      %dma_wait3A_375 = tpu.memref_squeeze %dma_wait3A_374 : memref<1x64xf32, #tpu.memory_space<hbm>> -> memref<64xf32, #tpu.memory_space<hbm>>
      %dma_wait3A_376 = arith.constant 0 : i32
      %dma_wait3A_377 = tpu.memref_slice %arg6[%dma_wait3A_369, %dma_wait3A_376] : memref<20x64xf32, #tpu.memory_space<vmem>> -> memref<1x64xf32, #tpu.memory_space<vmem>>
      %dma_wait3A_378 = tpu.memref_squeeze %dma_wait3A_377 : memref<1x64xf32, #tpu.memory_space<vmem>> -> memref<64xf32, #tpu.memory_space<vmem>>
      %dma_wait3A_379 = arith.constant 0 : i32
      %dma_wait3A_380 = tpu.memref_slice %arg2[%squeeze3A_17, %dma_wait3A_379] : memref<100000x64xf32, #tpu.memory_space<hbm>> -> memref<1x64xf32, #tpu.memory_space<hbm>>
      %dma_wait3A_381 = tpu.memref_squeeze %dma_wait3A_380 : memref<1x64xf32, #tpu.memory_space<hbm>> -> memref<64xf32, #tpu.memory_space<hbm>>
      tpu.wait_dma2 semaphore(%arg7 : memref<!tpu.dma_semaphore, #tpu.memory_space<semaphore_mem>>) src(%dma_wait3A_381 : memref<64xf32, #tpu.memory_space<hbm>>) dst(%dma_wait3A_378 : memref<64xf32, #tpu.memory_space<vmem>>)
      %dma_wait3A_382 = arith.constant 6 : i32
      %dma_wait3A_383 = arith.constant 0 : i32
      %dma_wait3A_384 = tpu.memref_slice %arg6[%dma_wait3A_382, %dma_wait3A_383] : memref<20x64xf32, #tpu.memory_space<vmem>> -> memref<1x64xf32, #tpu.memory_space<vmem>>
      %dma_wait3A_385 = tpu.memref_squeeze %dma_wait3A_384 : memref<1x64xf32, #tpu.memory_space<vmem>> -> memref<64xf32, #tpu.memory_space<vmem>>
      %dma_wait3A_386 = arith.constant 0 : i32
      %dma_wait3A_387 = tpu.memref_slice %arg2[%squeeze3A_19, %dma_wait3A_386] : memref<100000x64xf32, #tpu.memory_space<hbm>> -> memref<1x64xf32, #tpu.memory_space<hbm>>
      %dma_wait3A_388 = tpu.memref_squeeze %dma_wait3A_387 : memref<1x64xf32, #tpu.memory_space<hbm>> -> memref<64xf32, #tpu.memory_space<hbm>>
      %dma_wait3A_389 = arith.constant 0 : i32
      %dma_wait3A_390 = tpu.memref_slice %arg6[%dma_wait3A_382, %dma_wait3A_389] : memref<20x64xf32, #tpu.memory_space<vmem>> -> memref<1x64xf32, #tpu.memory_space<vmem>>
      %dma_wait3A_391 = tpu.memref_squeeze %dma_wait3A_390 : memref<1x64xf32, #tpu.memory_space<vmem>> -> memref<64xf32, #tpu.memory_space<vmem>>
      %dma_wait3A_392 = arith.constant 0 : i32
      %dma_wait3A_393 = tpu.memref_slice %arg2[%squeeze3A_19, %dma_wait3A_392] : memref<100000x64xf32, #tpu.memory_space<hbm>> -> memref<1x64xf32, #tpu.memory_space<hbm>>
      %dma_wait3A_394 = tpu.memref_squeeze %dma_wait3A_393 : memref<1x64xf32, #tpu.memory_space<hbm>> -> memref<64xf32, #tpu.memory_space<hbm>>
      tpu.wait_dma2 semaphore(%arg7 : memref<!tpu.dma_semaphore, #tpu.memory_space<semaphore_mem>>) src(%dma_wait3A_394 : memref<64xf32, #tpu.memory_space<hbm>>) dst(%dma_wait3A_391 : memref<64xf32, #tpu.memory_space<vmem>>)
      %dma_wait3A_395 = arith.constant 7 : i32
      %dma_wait3A_396 = arith.constant 0 : i32
      %dma_wait3A_397 = tpu.memref_slice %arg6[%dma_wait3A_395, %dma_wait3A_396] : memref<20x64xf32, #tpu.memory_space<vmem>> -> memref<1x64xf32, #tpu.memory_space<vmem>>
      %dma_wait3A_398 = tpu.memref_squeeze %dma_wait3A_397 : memref<1x64xf32, #tpu.memory_space<vmem>> -> memref<64xf32, #tpu.memory_space<vmem>>
      %dma_wait3A_399 = arith.constant 0 : i32
      %dma_wait3A_400 = tpu.memref_slice %arg2[%squeeze3A_21, %dma_wait3A_399] : memref<100000x64xf32, #tpu.memory_space<hbm>> -> memref<1x64xf32, #tpu.memory_space<hbm>>
      %dma_wait3A_401 = tpu.memref_squeeze %dma_wait3A_400 : memref<1x64xf32, #tpu.memory_space<hbm>> -> memref<64xf32, #tpu.memory_space<hbm>>
      %dma_wait3A_402 = arith.constant 0 : i32
      %dma_wait3A_403 = tpu.memref_slice %arg6[%dma_wait3A_395, %dma_wait3A_402] : memref<20x64xf32, #tpu.memory_space<vmem>> -> memref<1x64xf32, #tpu.memory_space<vmem>>
      %dma_wait3A_404 = tpu.memref_squeeze %dma_wait3A_403 : memref<1x64xf32, #tpu.memory_space<vmem>> -> memref<64xf32, #tpu.memory_space<vmem>>
      %dma_wait3A_405 = arith.constant 0 : i32
      %dma_wait3A_406 = tpu.memref_slice %arg2[%squeeze3A_21, %dma_wait3A_405] : memref<100000x64xf32, #tpu.memory_space<hbm>> -> memref<1x64xf32, #tpu.memory_space<hbm>>
      %dma_wait3A_407 = tpu.memref_squeeze %dma_wait3A_406 : memref<1x64xf32, #tpu.memory_space<hbm>> -> memref<64xf32, #tpu.memory_space<hbm>>
      tpu.wait_dma2 semaphore(%arg7 : memref<!tpu.dma_semaphore, #tpu.memory_space<semaphore_mem>>) src(%dma_wait3A_407 : memref<64xf32, #tpu.memory_space<hbm>>) dst(%dma_wait3A_404 : memref<64xf32, #tpu.memory_space<vmem>>)
      %dma_wait3A_408 = arith.constant 8 : i32
      %dma_wait3A_409 = arith.constant 0 : i32
      %dma_wait3A_410 = tpu.memref_slice %arg6[%dma_wait3A_408, %dma_wait3A_409] : memref<20x64xf32, #tpu.memory_space<vmem>> -> memref<1x64xf32, #tpu.memory_space<vmem>>
      %dma_wait3A_411 = tpu.memref_squeeze %dma_wait3A_410 : memref<1x64xf32, #tpu.memory_space<vmem>> -> memref<64xf32, #tpu.memory_space<vmem>>
      %dma_wait3A_412 = arith.constant 0 : i32
      %dma_wait3A_413 = tpu.memref_slice %arg2[%squeeze3A_23, %dma_wait3A_412] : memref<100000x64xf32, #tpu.memory_space<hbm>> -> memref<1x64xf32, #tpu.memory_space<hbm>>
      %dma_wait3A_414 = tpu.memref_squeeze %dma_wait3A_413 : memref<1x64xf32, #tpu.memory_space<hbm>> -> memref<64xf32, #tpu.memory_space<hbm>>
      %dma_wait3A_415 = arith.constant 0 : i32
      %dma_wait3A_416 = tpu.memref_slice %arg6[%dma_wait3A_408, %dma_wait3A_415] : memref<20x64xf32, #tpu.memory_space<vmem>> -> memref<1x64xf32, #tpu.memory_space<vmem>>
      %dma_wait3A_417 = tpu.memref_squeeze %dma_wait3A_416 : memref<1x64xf32, #tpu.memory_space<vmem>> -> memref<64xf32, #tpu.memory_space<vmem>>
      %dma_wait3A_418 = arith.constant 0 : i32
      %dma_wait3A_419 = tpu.memref_slice %arg2[%squeeze3A_23, %dma_wait3A_418] : memref<100000x64xf32, #tpu.memory_space<hbm>> -> memref<1x64xf32, #tpu.memory_space<hbm>>
      %dma_wait3A_420 = tpu.memref_squeeze %dma_wait3A_419 : memref<1x64xf32, #tpu.memory_space<hbm>> -> memref<64xf32, #tpu.memory_space<hbm>>
      tpu.wait_dma2 semaphore(%arg7 : memref<!tpu.dma_semaphore, #tpu.memory_space<semaphore_mem>>) src(%dma_wait3A_420 : memref<64xf32, #tpu.memory_space<hbm>>) dst(%dma_wait3A_417 : memref<64xf32, #tpu.memory_space<vmem>>)
      %dma_wait3A_421 = arith.constant 9 : i32
      %dma_wait3A_422 = arith.constant 0 : i32
      %dma_wait3A_423 = tpu.memref_slice %arg6[%dma_wait3A_421, %dma_wait3A_422] : memref<20x64xf32, #tpu.memory_space<vmem>> -> memref<1x64xf32, #tpu.memory_space<vmem>>
      %dma_wait3A_424 = tpu.memref_squeeze %dma_wait3A_423 : memref<1x64xf32, #tpu.memory_space<vmem>> -> memref<64xf32, #tpu.memory_space<vmem>>
      %dma_wait3A_425 = arith.constant 0 : i32
      %dma_wait3A_426 = tpu.memref_slice %arg2[%squeeze3A_25, %dma_wait3A_425] : memref<100000x64xf32, #tpu.memory_space<hbm>> -> memref<1x64xf32, #tpu.memory_space<hbm>>
      %dma_wait3A_427 = tpu.memref_squeeze %dma_wait3A_426 : memref<1x64xf32, #tpu.memory_space<hbm>> -> memref<64xf32, #tpu.memory_space<hbm>>
      %dma_wait3A_428 = arith.constant 0 : i32
      %dma_wait3A_429 = tpu.memref_slice %arg6[%dma_wait3A_421, %dma_wait3A_428] : memref<20x64xf32, #tpu.memory_space<vmem>> -> memref<1x64xf32, #tpu.memory_space<vmem>>
      %dma_wait3A_430 = tpu.memref_squeeze %dma_wait3A_429 : memref<1x64xf32, #tpu.memory_space<vmem>> -> memref<64xf32, #tpu.memory_space<vmem>>
      %dma_wait3A_431 = arith.constant 0 : i32
      %dma_wait3A_432 = tpu.memref_slice %arg2[%squeeze3A_25, %dma_wait3A_431] : memref<100000x64xf32, #tpu.memory_space<hbm>> -> memref<1x64xf32, #tpu.memory_space<hbm>>
      %dma_wait3A_433 = tpu.memref_squeeze %dma_wait3A_432 : memref<1x64xf32, #tpu.memory_space<hbm>> -> memref<64xf32, #tpu.memory_space<hbm>>
      tpu.wait_dma2 semaphore(%arg7 : memref<!tpu.dma_semaphore, #tpu.memory_space<semaphore_mem>>) src(%dma_wait3A_433 : memref<64xf32, #tpu.memory_space<hbm>>) dst(%dma_wait3A_430 : memref<64xf32, #tpu.memory_space<vmem>>)
      %dma_wait3A_434 = arith.constant 10 : i32
      %dma_wait3A_435 = arith.constant 0 : i32
      %dma_wait3A_436 = tpu.memref_slice %arg6[%dma_wait3A_434, %dma_wait3A_435] : memref<20x64xf32, #tpu.memory_space<vmem>> -> memref<1x64xf32, #tpu.memory_space<vmem>>
      %dma_wait3A_437 = tpu.memref_squeeze %dma_wait3A_436 : memref<1x64xf32, #tpu.memory_space<vmem>> -> memref<64xf32, #tpu.memory_space<vmem>>
      %dma_wait3A_438 = arith.constant 0 : i32
      %dma_wait3A_439 = tpu.memref_slice %arg2[%squeeze3A_27, %dma_wait3A_438] : memref<100000x64xf32, #tpu.memory_space<hbm>> -> memref<1x64xf32, #tpu.memory_space<hbm>>
      %dma_wait3A_440 = tpu.memref_squeeze %dma_wait3A_439 : memref<1x64xf32, #tpu.memory_space<hbm>> -> memref<64xf32, #tpu.memory_space<hbm>>
      %dma_wait3A_441 = arith.constant 0 : i32
      %dma_wait3A_442 = tpu.memref_slice %arg6[%dma_wait3A_434, %dma_wait3A_441] : memref<20x64xf32, #tpu.memory_space<vmem>> -> memref<1x64xf32, #tpu.memory_space<vmem>>
      %dma_wait3A_443 = tpu.memref_squeeze %dma_wait3A_442 : memref<1x64xf32, #tpu.memory_space<vmem>> -> memref<64xf32, #tpu.memory_space<vmem>>
      %dma_wait3A_444 = arith.constant 0 : i32
      %dma_wait3A_445 = tpu.memref_slice %arg2[%squeeze3A_27, %dma_wait3A_444] : memref<100000x64xf32, #tpu.memory_space<hbm>> -> memref<1x64xf32, #tpu.memory_space<hbm>>
      %dma_wait3A_446 = tpu.memref_squeeze %dma_wait3A_445 : memref<1x64xf32, #tpu.memory_space<hbm>> -> memref<64xf32, #tpu.memory_space<hbm>>
      tpu.wait_dma2 semaphore(%arg7 : memref<!tpu.dma_semaphore, #tpu.memory_space<semaphore_mem>>) src(%dma_wait3A_446 : memref<64xf32, #tpu.memory_space<hbm>>) dst(%dma_wait3A_443 : memref<64xf32, #tpu.memory_space<vmem>>)
      %dma_wait3A_447 = arith.constant 11 : i32
      %dma_wait3A_448 = arith.constant 0 : i32
      %dma_wait3A_449 = tpu.memref_slice %arg6[%dma_wait3A_447, %dma_wait3A_448] : memref<20x64xf32, #tpu.memory_space<vmem>> -> memref<1x64xf32, #tpu.memory_space<vmem>>
      %dma_wait3A_450 = tpu.memref_squeeze %dma_wait3A_449 : memref<1x64xf32, #tpu.memory_space<vmem>> -> memref<64xf32, #tpu.memory_space<vmem>>
      %dma_wait3A_451 = arith.constant 0 : i32
      %dma_wait3A_452 = tpu.memref_slice %arg2[%squeeze3A_29, %dma_wait3A_451] : memref<100000x64xf32, #tpu.memory_space<hbm>> -> memref<1x64xf32, #tpu.memory_space<hbm>>
      %dma_wait3A_453 = tpu.memref_squeeze %dma_wait3A_452 : memref<1x64xf32, #tpu.memory_space<hbm>> -> memref<64xf32, #tpu.memory_space<hbm>>
      %dma_wait3A_454 = arith.constant 0 : i32
      %dma_wait3A_455 = tpu.memref_slice %arg6[%dma_wait3A_447, %dma_wait3A_454] : memref<20x64xf32, #tpu.memory_space<vmem>> -> memref<1x64xf32, #tpu.memory_space<vmem>>
      %dma_wait3A_456 = tpu.memref_squeeze %dma_wait3A_455 : memref<1x64xf32, #tpu.memory_space<vmem>> -> memref<64xf32, #tpu.memory_space<vmem>>
      %dma_wait3A_457 = arith.constant 0 : i32
      %dma_wait3A_458 = tpu.memref_slice %arg2[%squeeze3A_29, %dma_wait3A_457] : memref<100000x64xf32, #tpu.memory_space<hbm>> -> memref<1x64xf32, #tpu.memory_space<hbm>>
      %dma_wait3A_459 = tpu.memref_squeeze %dma_wait3A_458 : memref<1x64xf32, #tpu.memory_space<hbm>> -> memref<64xf32, #tpu.memory_space<hbm>>
      tpu.wait_dma2 semaphore(%arg7 : memref<!tpu.dma_semaphore, #tpu.memory_space<semaphore_mem>>) src(%dma_wait3A_459 : memref<64xf32, #tpu.memory_space<hbm>>) dst(%dma_wait3A_456 : memref<64xf32, #tpu.memory_space<vmem>>)
      %dma_wait3A_460 = arith.constant 12 : i32
      %dma_wait3A_461 = arith.constant 0 : i32
      %dma_wait3A_462 = tpu.memref_slice %arg6[%dma_wait3A_460, %dma_wait3A_461] : memref<20x64xf32, #tpu.memory_space<vmem>> -> memref<1x64xf32, #tpu.memory_space<vmem>>
      %dma_wait3A_463 = tpu.memref_squeeze %dma_wait3A_462 : memref<1x64xf32, #tpu.memory_space<vmem>> -> memref<64xf32, #tpu.memory_space<vmem>>
      %dma_wait3A_464 = arith.constant 0 : i32
      %dma_wait3A_465 = tpu.memref_slice %arg2[%squeeze3A_31, %dma_wait3A_464] : memref<100000x64xf32, #tpu.memory_space<hbm>> -> memref<1x64xf32, #tpu.memory_space<hbm>>
      %dma_wait3A_466 = tpu.memref_squeeze %dma_wait3A_465 : memref<1x64xf32, #tpu.memory_space<hbm>> -> memref<64xf32, #tpu.memory_space<hbm>>
      %dma_wait3A_467 = arith.constant 0 : i32
      %dma_wait3A_468 = tpu.memref_slice %arg6[%dma_wait3A_460, %dma_wait3A_467] : memref<20x64xf32, #tpu.memory_space<vmem>> -> memref<1x64xf32, #tpu.memory_space<vmem>>
      %dma_wait3A_469 = tpu.memref_squeeze %dma_wait3A_468 : memref<1x64xf32, #tpu.memory_space<vmem>> -> memref<64xf32, #tpu.memory_space<vmem>>
      %dma_wait3A_470 = arith.constant 0 : i32
      %dma_wait3A_471 = tpu.memref_slice %arg2[%squeeze3A_31, %dma_wait3A_470] : memref<100000x64xf32, #tpu.memory_space<hbm>> -> memref<1x64xf32, #tpu.memory_space<hbm>>
      %dma_wait3A_472 = tpu.memref_squeeze %dma_wait3A_471 : memref<1x64xf32, #tpu.memory_space<hbm>> -> memref<64xf32, #tpu.memory_space<hbm>>
      tpu.wait_dma2 semaphore(%arg7 : memref<!tpu.dma_semaphore, #tpu.memory_space<semaphore_mem>>) src(%dma_wait3A_472 : memref<64xf32, #tpu.memory_space<hbm>>) dst(%dma_wait3A_469 : memref<64xf32, #tpu.memory_space<vmem>>)
      %dma_wait3A_473 = arith.constant 13 : i32
      %dma_wait3A_474 = arith.constant 0 : i32
      %dma_wait3A_475 = tpu.memref_slice %arg6[%dma_wait3A_473, %dma_wait3A_474] : memref<20x64xf32, #tpu.memory_space<vmem>> -> memref<1x64xf32, #tpu.memory_space<vmem>>
      %dma_wait3A_476 = tpu.memref_squeeze %dma_wait3A_475 : memref<1x64xf32, #tpu.memory_space<vmem>> -> memref<64xf32, #tpu.memory_space<vmem>>
      %dma_wait3A_477 = arith.constant 0 : i32
      %dma_wait3A_478 = tpu.memref_slice %arg2[%squeeze3A_33, %dma_wait3A_477] : memref<100000x64xf32, #tpu.memory_space<hbm>> -> memref<1x64xf32, #tpu.memory_space<hbm>>
      %dma_wait3A_479 = tpu.memref_squeeze %dma_wait3A_478 : memref<1x64xf32, #tpu.memory_space<hbm>> -> memref<64xf32, #tpu.memory_space<hbm>>
      %dma_wait3A_480 = arith.constant 0 : i32
      %dma_wait3A_481 = tpu.memref_slice %arg6[%dma_wait3A_473, %dma_wait3A_480] : memref<20x64xf32, #tpu.memory_space<vmem>> -> memref<1x64xf32, #tpu.memory_space<vmem>>
      %dma_wait3A_482 = tpu.memref_squeeze %dma_wait3A_481 : memref<1x64xf32, #tpu.memory_space<vmem>> -> memref<64xf32, #tpu.memory_space<vmem>>
      %dma_wait3A_483 = arith.constant 0 : i32
      %dma_wait3A_484 = tpu.memref_slice %arg2[%squeeze3A_33, %dma_wait3A_483] : memref<100000x64xf32, #tpu.memory_space<hbm>> -> memref<1x64xf32, #tpu.memory_space<hbm>>
      %dma_wait3A_485 = tpu.memref_squeeze %dma_wait3A_484 : memref<1x64xf32, #tpu.memory_space<hbm>> -> memref<64xf32, #tpu.memory_space<hbm>>
      tpu.wait_dma2 semaphore(%arg7 : memref<!tpu.dma_semaphore, #tpu.memory_space<semaphore_mem>>) src(%dma_wait3A_485 : memref<64xf32, #tpu.memory_space<hbm>>) dst(%dma_wait3A_482 : memref<64xf32, #tpu.memory_space<vmem>>)
      %dma_wait3A_486 = arith.constant 14 : i32
      %dma_wait3A_487 = arith.constant 0 : i32
      %dma_wait3A_488 = tpu.memref_slice %arg6[%dma_wait3A_486, %dma_wait3A_487] : memref<20x64xf32, #tpu.memory_space<vmem>> -> memref<1x64xf32, #tpu.memory_space<vmem>>
      %dma_wait3A_489 = tpu.memref_squeeze %dma_wait3A_488 : memref<1x64xf32, #tpu.memory_space<vmem>> -> memref<64xf32, #tpu.memory_space<vmem>>
      %dma_wait3A_490 = arith.constant 0 : i32
      %dma_wait3A_491 = tpu.memref_slice %arg2[%squeeze3A_35, %dma_wait3A_490] : memref<100000x64xf32, #tpu.memory_space<hbm>> -> memref<1x64xf32, #tpu.memory_space<hbm>>
      %dma_wait3A_492 = tpu.memref_squeeze %dma_wait3A_491 : memref<1x64xf32, #tpu.memory_space<hbm>> -> memref<64xf32, #tpu.memory_space<hbm>>
      %dma_wait3A_493 = arith.constant 0 : i32
      %dma_wait3A_494 = tpu.memref_slice %arg6[%dma_wait3A_486, %dma_wait3A_493] : memref<20x64xf32, #tpu.memory_space<vmem>> -> memref<1x64xf32, #tpu.memory_space<vmem>>
      %dma_wait3A_495 = tpu.memref_squeeze %dma_wait3A_494 : memref<1x64xf32, #tpu.memory_space<vmem>> -> memref<64xf32, #tpu.memory_space<vmem>>
      %dma_wait3A_496 = arith.constant 0 : i32
      %dma_wait3A_497 = tpu.memref_slice %arg2[%squeeze3A_35, %dma_wait3A_496] : memref<100000x64xf32, #tpu.memory_space<hbm>> -> memref<1x64xf32, #tpu.memory_space<hbm>>
      %dma_wait3A_498 = tpu.memref_squeeze %dma_wait3A_497 : memref<1x64xf32, #tpu.memory_space<hbm>> -> memref<64xf32, #tpu.memory_space<hbm>>
      tpu.wait_dma2 semaphore(%arg7 : memref<!tpu.dma_semaphore, #tpu.memory_space<semaphore_mem>>) src(%dma_wait3A_498 : memref<64xf32, #tpu.memory_space<hbm>>) dst(%dma_wait3A_495 : memref<64xf32, #tpu.memory_space<vmem>>)
      %dma_wait3A_499 = arith.constant 15 : i32
      %dma_wait3A_500 = arith.constant 0 : i32
      %dma_wait3A_501 = tpu.memref_slice %arg6[%dma_wait3A_499, %dma_wait3A_500] : memref<20x64xf32, #tpu.memory_space<vmem>> -> memref<1x64xf32, #tpu.memory_space<vmem>>
      %dma_wait3A_502 = tpu.memref_squeeze %dma_wait3A_501 : memref<1x64xf32, #tpu.memory_space<vmem>> -> memref<64xf32, #tpu.memory_space<vmem>>
      %dma_wait3A_503 = arith.constant 0 : i32
      %dma_wait3A_504 = tpu.memref_slice %arg2[%squeeze3A_37, %dma_wait3A_503] : memref<100000x64xf32, #tpu.memory_space<hbm>> -> memref<1x64xf32, #tpu.memory_space<hbm>>
      %dma_wait3A_505 = tpu.memref_squeeze %dma_wait3A_504 : memref<1x64xf32, #tpu.memory_space<hbm>> -> memref<64xf32, #tpu.memory_space<hbm>>
      %dma_wait3A_506 = arith.constant 0 : i32
      %dma_wait3A_507 = tpu.memref_slice %arg6[%dma_wait3A_499, %dma_wait3A_506] : memref<20x64xf32, #tpu.memory_space<vmem>> -> memref<1x64xf32, #tpu.memory_space<vmem>>
      %dma_wait3A_508 = tpu.memref_squeeze %dma_wait3A_507 : memref<1x64xf32, #tpu.memory_space<vmem>> -> memref<64xf32, #tpu.memory_space<vmem>>
      %dma_wait3A_509 = arith.constant 0 : i32
      %dma_wait3A_510 = tpu.memref_slice %arg2[%squeeze3A_37, %dma_wait3A_509] : memref<100000x64xf32, #tpu.memory_space<hbm>> -> memref<1x64xf32, #tpu.memory_space<hbm>>
      %dma_wait3A_511 = tpu.memref_squeeze %dma_wait3A_510 : memref<1x64xf32, #tpu.memory_space<hbm>> -> memref<64xf32, #tpu.memory_space<hbm>>
      tpu.wait_dma2 semaphore(%arg7 : memref<!tpu.dma_semaphore, #tpu.memory_space<semaphore_mem>>) src(%dma_wait3A_511 : memref<64xf32, #tpu.memory_space<hbm>>) dst(%dma_wait3A_508 : memref<64xf32, #tpu.memory_space<vmem>>)
      %dma_wait3A_512 = arith.constant 16 : i32
      %dma_wait3A_513 = arith.constant 0 : i32
      %dma_wait3A_514 = tpu.memref_slice %arg6[%dma_wait3A_512, %dma_wait3A_513] : memref<20x64xf32, #tpu.memory_space<vmem>> -> memref<1x64xf32, #tpu.memory_space<vmem>>
      %dma_wait3A_515 = tpu.memref_squeeze %dma_wait3A_514 : memref<1x64xf32, #tpu.memory_space<vmem>> -> memref<64xf32, #tpu.memory_space<vmem>>
      %dma_wait3A_516 = arith.constant 0 : i32
      %dma_wait3A_517 = tpu.memref_slice %arg2[%squeeze3A_39, %dma_wait3A_516] : memref<100000x64xf32, #tpu.memory_space<hbm>> -> memref<1x64xf32, #tpu.memory_space<hbm>>
      %dma_wait3A_518 = tpu.memref_squeeze %dma_wait3A_517 : memref<1x64xf32, #tpu.memory_space<hbm>> -> memref<64xf32, #tpu.memory_space<hbm>>
      %dma_wait3A_519 = arith.constant 0 : i32
      %dma_wait3A_520 = tpu.memref_slice %arg6[%dma_wait3A_512, %dma_wait3A_519] : memref<20x64xf32, #tpu.memory_space<vmem>> -> memref<1x64xf32, #tpu.memory_space<vmem>>
      %dma_wait3A_521 = tpu.memref_squeeze %dma_wait3A_520 : memref<1x64xf32, #tpu.memory_space<vmem>> -> memref<64xf32, #tpu.memory_space<vmem>>
      %dma_wait3A_522 = arith.constant 0 : i32
      %dma_wait3A_523 = tpu.memref_slice %arg2[%squeeze3A_39, %dma_wait3A_522] : memref<100000x64xf32, #tpu.memory_space<hbm>> -> memref<1x64xf32, #tpu.memory_space<hbm>>
      %dma_wait3A_524 = tpu.memref_squeeze %dma_wait3A_523 : memref<1x64xf32, #tpu.memory_space<hbm>> -> memref<64xf32, #tpu.memory_space<hbm>>
      tpu.wait_dma2 semaphore(%arg7 : memref<!tpu.dma_semaphore, #tpu.memory_space<semaphore_mem>>) src(%dma_wait3A_524 : memref<64xf32, #tpu.memory_space<hbm>>) dst(%dma_wait3A_521 : memref<64xf32, #tpu.memory_space<vmem>>)
      %dma_wait3A_525 = arith.constant 17 : i32
      %dma_wait3A_526 = arith.constant 0 : i32
      %dma_wait3A_527 = tpu.memref_slice %arg6[%dma_wait3A_525, %dma_wait3A_526] : memref<20x64xf32, #tpu.memory_space<vmem>> -> memref<1x64xf32, #tpu.memory_space<vmem>>
      %dma_wait3A_528 = tpu.memref_squeeze %dma_wait3A_527 : memref<1x64xf32, #tpu.memory_space<vmem>> -> memref<64xf32, #tpu.memory_space<vmem>>
      %dma_wait3A_529 = arith.constant 0 : i32
      %dma_wait3A_530 = tpu.memref_slice %arg2[%squeeze3A_41, %dma_wait3A_529] : memref<100000x64xf32, #tpu.memory_space<hbm>> -> memref<1x64xf32, #tpu.memory_space<hbm>>
      %dma_wait3A_531 = tpu.memref_squeeze %dma_wait3A_530 : memref<1x64xf32, #tpu.memory_space<hbm>> -> memref<64xf32, #tpu.memory_space<hbm>>
      %dma_wait3A_532 = arith.constant 0 : i32
      %dma_wait3A_533 = tpu.memref_slice %arg6[%dma_wait3A_525, %dma_wait3A_532] : memref<20x64xf32, #tpu.memory_space<vmem>> -> memref<1x64xf32, #tpu.memory_space<vmem>>
      %dma_wait3A_534 = tpu.memref_squeeze %dma_wait3A_533 : memref<1x64xf32, #tpu.memory_space<vmem>> -> memref<64xf32, #tpu.memory_space<vmem>>
      %dma_wait3A_535 = arith.constant 0 : i32
      %dma_wait3A_536 = tpu.memref_slice %arg2[%squeeze3A_41, %dma_wait3A_535] : memref<100000x64xf32, #tpu.memory_space<hbm>> -> memref<1x64xf32, #tpu.memory_space<hbm>>
      %dma_wait3A_537 = tpu.memref_squeeze %dma_wait3A_536 : memref<1x64xf32, #tpu.memory_space<hbm>> -> memref<64xf32, #tpu.memory_space<hbm>>
      tpu.wait_dma2 semaphore(%arg7 : memref<!tpu.dma_semaphore, #tpu.memory_space<semaphore_mem>>) src(%dma_wait3A_537 : memref<64xf32, #tpu.memory_space<hbm>>) dst(%dma_wait3A_534 : memref<64xf32, #tpu.memory_space<vmem>>)
      %dma_wait3A_538 = arith.constant 18 : i32
      %dma_wait3A_539 = arith.constant 0 : i32
      %dma_wait3A_540 = tpu.memref_slice %arg6[%dma_wait3A_538, %dma_wait3A_539] : memref<20x64xf32, #tpu.memory_space<vmem>> -> memref<1x64xf32, #tpu.memory_space<vmem>>
      %dma_wait3A_541 = tpu.memref_squeeze %dma_wait3A_540 : memref<1x64xf32, #tpu.memory_space<vmem>> -> memref<64xf32, #tpu.memory_space<vmem>>
      %dma_wait3A_542 = arith.constant 0 : i32
      %dma_wait3A_543 = tpu.memref_slice %arg2[%squeeze3A_43, %dma_wait3A_542] : memref<100000x64xf32, #tpu.memory_space<hbm>> -> memref<1x64xf32, #tpu.memory_space<hbm>>
      %dma_wait3A_544 = tpu.memref_squeeze %dma_wait3A_543 : memref<1x64xf32, #tpu.memory_space<hbm>> -> memref<64xf32, #tpu.memory_space<hbm>>
      %dma_wait3A_545 = arith.constant 0 : i32
      %dma_wait3A_546 = tpu.memref_slice %arg6[%dma_wait3A_538, %dma_wait3A_545] : memref<20x64xf32, #tpu.memory_space<vmem>> -> memref<1x64xf32, #tpu.memory_space<vmem>>
      %dma_wait3A_547 = tpu.memref_squeeze %dma_wait3A_546 : memref<1x64xf32, #tpu.memory_space<vmem>> -> memref<64xf32, #tpu.memory_space<vmem>>
      %dma_wait3A_548 = arith.constant 0 : i32
      %dma_wait3A_549 = tpu.memref_slice %arg2[%squeeze3A_43, %dma_wait3A_548] : memref<100000x64xf32, #tpu.memory_space<hbm>> -> memref<1x64xf32, #tpu.memory_space<hbm>>
      %dma_wait3A_550 = tpu.memref_squeeze %dma_wait3A_549 : memref<1x64xf32, #tpu.memory_space<hbm>> -> memref<64xf32, #tpu.memory_space<hbm>>
      tpu.wait_dma2 semaphore(%arg7 : memref<!tpu.dma_semaphore, #tpu.memory_space<semaphore_mem>>) src(%dma_wait3A_550 : memref<64xf32, #tpu.memory_space<hbm>>) dst(%dma_wait3A_547 : memref<64xf32, #tpu.memory_space<vmem>>)
      %dma_wait3A_551 = arith.constant 19 : i32
      %dma_wait3A_552 = arith.constant 0 : i32
      %dma_wait3A_553 = tpu.memref_slice %arg6[%dma_wait3A_551, %dma_wait3A_552] : memref<20x64xf32, #tpu.memory_space<vmem>> -> memref<1x64xf32, #tpu.memory_space<vmem>>
      %dma_wait3A_554 = tpu.memref_squeeze %dma_wait3A_553 : memref<1x64xf32, #tpu.memory_space<vmem>> -> memref<64xf32, #tpu.memory_space<vmem>>
      %dma_wait3A_555 = arith.constant 0 : i32
      %dma_wait3A_556 = tpu.memref_slice %arg2[%squeeze3A_45, %dma_wait3A_555] : memref<100000x64xf32, #tpu.memory_space<hbm>> -> memref<1x64xf32, #tpu.memory_space<hbm>>
      %dma_wait3A_557 = tpu.memref_squeeze %dma_wait3A_556 : memref<1x64xf32, #tpu.memory_space<hbm>> -> memref<64xf32, #tpu.memory_space<hbm>>
      %dma_wait3A_558 = arith.constant 0 : i32
      %dma_wait3A_559 = tpu.memref_slice %arg6[%dma_wait3A_551, %dma_wait3A_558] : memref<20x64xf32, #tpu.memory_space<vmem>> -> memref<1x64xf32, #tpu.memory_space<vmem>>
      %dma_wait3A_560 = tpu.memref_squeeze %dma_wait3A_559 : memref<1x64xf32, #tpu.memory_space<vmem>> -> memref<64xf32, #tpu.memory_space<vmem>>
      %dma_wait3A_561 = arith.constant 0 : i32
      %dma_wait3A_562 = tpu.memref_slice %arg2[%squeeze3A_45, %dma_wait3A_561] : memref<100000x64xf32, #tpu.memory_space<hbm>> -> memref<1x64xf32, #tpu.memory_space<hbm>>
      %dma_wait3A_563 = tpu.memref_squeeze %dma_wait3A_562 : memref<1x64xf32, #tpu.memory_space<hbm>> -> memref<64xf32, #tpu.memory_space<hbm>>
      tpu.wait_dma2 semaphore(%arg7 : memref<!tpu.dma_semaphore, #tpu.memory_space<semaphore_mem>>) src(%dma_wait3A_563 : memref<64xf32, #tpu.memory_space<hbm>>) dst(%dma_wait3A_560 : memref<64xf32, #tpu.memory_space<vmem>>)
      %dma_start3A_564 = arith.constant 0 : i32
      %dma_start3A_565 = arith.constant 0 : i32
      %dma_start3A_566 = tpu.memref_slice %arg6[%dma_start3A_564, %dma_start3A_565] : memref<20x64xf32, #tpu.memory_space<vmem>> -> memref<1x64xf32, #tpu.memory_space<vmem>>
      %dma_start3A_567 = tpu.memref_squeeze %dma_start3A_566 : memref<1x64xf32, #tpu.memory_space<vmem>> -> memref<64xf32, #tpu.memory_space<vmem>>
      %dma_start3A_568 = arith.constant 0 : i32
      %dma_start3A_569 = tpu.memref_slice %arg4[%dma_start3A_568] : memref<1280xf32, #tpu.memory_space<hbm>> -> memref<64xf32, #tpu.memory_space<hbm>>
      %dma_start3A_570 = arith.constant 0 : i32
      %dma_start3A_571 = tpu.memref_slice %arg4[%dma_start3A_570] : memref<1280xf32, #tpu.memory_space<hbm>> -> memref<64xf32, #tpu.memory_space<hbm>>
      %dma_start3A_572 = arith.constant 0 : i32
      %dma_start3A_573 = tpu.memref_slice %arg6[%dma_start3A_564, %dma_start3A_572] : memref<20x64xf32, #tpu.memory_space<vmem>> -> memref<1x64xf32, #tpu.memory_space<vmem>>
      %dma_start3A_574 = tpu.memref_squeeze %dma_start3A_573 : memref<1x64xf32, #tpu.memory_space<vmem>> -> memref<64xf32, #tpu.memory_space<vmem>>
      tpu.enqueue_dma source(%dma_start3A_574 : memref<64xf32, #tpu.memory_space<vmem>>) target(%dma_start3A_571 : memref<64xf32, #tpu.memory_space<hbm>>) target_semaphore(%arg7 : memref<!tpu.dma_semaphore, #tpu.memory_space<semaphore_mem>>)
      %dma_start3A_575 = arith.constant 1 : i32
      %dma_start3A_576 = arith.constant 0 : i32
      %dma_start3A_577 = tpu.memref_slice %arg6[%dma_start3A_575, %dma_start3A_576] : memref<20x64xf32, #tpu.memory_space<vmem>> -> memref<1x64xf32, #tpu.memory_space<vmem>>
      %dma_start3A_578 = tpu.memref_squeeze %dma_start3A_577 : memref<1x64xf32, #tpu.memory_space<vmem>> -> memref<64xf32, #tpu.memory_space<vmem>>
      %dma_start3A_579 = arith.constant 64 : i32
      %dma_start3A_580 = tpu.memref_slice %arg4[%dma_start3A_579] : memref<1280xf32, #tpu.memory_space<hbm>> -> memref<64xf32, #tpu.memory_space<hbm>>
      %dma_start3A_581 = arith.constant 64 : i32
      %dma_start3A_582 = tpu.memref_slice %arg4[%dma_start3A_581] : memref<1280xf32, #tpu.memory_space<hbm>> -> memref<64xf32, #tpu.memory_space<hbm>>
      %dma_start3A_583 = arith.constant 0 : i32
      %dma_start3A_584 = tpu.memref_slice %arg6[%dma_start3A_575, %dma_start3A_583] : memref<20x64xf32, #tpu.memory_space<vmem>> -> memref<1x64xf32, #tpu.memory_space<vmem>>
      %dma_start3A_585 = tpu.memref_squeeze %dma_start3A_584 : memref<1x64xf32, #tpu.memory_space<vmem>> -> memref<64xf32, #tpu.memory_space<vmem>>
      tpu.enqueue_dma source(%dma_start3A_585 : memref<64xf32, #tpu.memory_space<vmem>>) target(%dma_start3A_582 : memref<64xf32, #tpu.memory_space<hbm>>) target_semaphore(%arg7 : memref<!tpu.dma_semaphore, #tpu.memory_space<semaphore_mem>>)
      %dma_start3A_586 = arith.constant 2 : i32
      %dma_start3A_587 = arith.constant 0 : i32
      %dma_start3A_588 = tpu.memref_slice %arg6[%dma_start3A_586, %dma_start3A_587] : memref<20x64xf32, #tpu.memory_space<vmem>> -> memref<1x64xf32, #tpu.memory_space<vmem>>
      %dma_start3A_589 = tpu.memref_squeeze %dma_start3A_588 : memref<1x64xf32, #tpu.memory_space<vmem>> -> memref<64xf32, #tpu.memory_space<vmem>>
      %dma_start3A_590 = arith.constant 128 : i32
      %dma_start3A_591 = tpu.memref_slice %arg4[%dma_start3A_590] : memref<1280xf32, #tpu.memory_space<hbm>> -> memref<64xf32, #tpu.memory_space<hbm>>
      %dma_start3A_592 = arith.constant 128 : i32
      %dma_start3A_593 = tpu.memref_slice %arg4[%dma_start3A_592] : memref<1280xf32, #tpu.memory_space<hbm>> -> memref<64xf32, #tpu.memory_space<hbm>>
      %dma_start3A_594 = arith.constant 0 : i32
      %dma_start3A_595 = tpu.memref_slice %arg6[%dma_start3A_586, %dma_start3A_594] : memref<20x64xf32, #tpu.memory_space<vmem>> -> memref<1x64xf32, #tpu.memory_space<vmem>>
      %dma_start3A_596 = tpu.memref_squeeze %dma_start3A_595 : memref<1x64xf32, #tpu.memory_space<vmem>> -> memref<64xf32, #tpu.memory_space<vmem>>
      tpu.enqueue_dma source(%dma_start3A_596 : memref<64xf32, #tpu.memory_space<vmem>>) target(%dma_start3A_593 : memref<64xf32, #tpu.memory_space<hbm>>) target_semaphore(%arg7 : memref<!tpu.dma_semaphore, #tpu.memory_space<semaphore_mem>>)
      %dma_start3A_597 = arith.constant 3 : i32
      %dma_start3A_598 = arith.constant 0 : i32
      %dma_start3A_599 = tpu.memref_slice %arg6[%dma_start3A_597, %dma_start3A_598] : memref<20x64xf32, #tpu.memory_space<vmem>> -> memref<1x64xf32, #tpu.memory_space<vmem>>
      %dma_start3A_600 = tpu.memref_squeeze %dma_start3A_599 : memref<1x64xf32, #tpu.memory_space<vmem>> -> memref<64xf32, #tpu.memory_space<vmem>>
      %dma_start3A_601 = arith.constant 192 : i32
      %dma_start3A_602 = tpu.memref_slice %arg4[%dma_start3A_601] : memref<1280xf32, #tpu.memory_space<hbm>> -> memref<64xf32, #tpu.memory_space<hbm>>
      %dma_start3A_603 = arith.constant 192 : i32
      %dma_start3A_604 = tpu.memref_slice %arg4[%dma_start3A_603] : memref<1280xf32, #tpu.memory_space<hbm>> -> memref<64xf32, #tpu.memory_space<hbm>>
      %dma_start3A_605 = arith.constant 0 : i32
      %dma_start3A_606 = tpu.memref_slice %arg6[%dma_start3A_597, %dma_start3A_605] : memref<20x64xf32, #tpu.memory_space<vmem>> -> memref<1x64xf32, #tpu.memory_space<vmem>>
      %dma_start3A_607 = tpu.memref_squeeze %dma_start3A_606 : memref<1x64xf32, #tpu.memory_space<vmem>> -> memref<64xf32, #tpu.memory_space<vmem>>
      tpu.enqueue_dma source(%dma_start3A_607 : memref<64xf32, #tpu.memory_space<vmem>>) target(%dma_start3A_604 : memref<64xf32, #tpu.memory_space<hbm>>) target_semaphore(%arg7 : memref<!tpu.dma_semaphore, #tpu.memory_space<semaphore_mem>>)
      %dma_start3A_608 = arith.constant 4 : i32
      %dma_start3A_609 = arith.constant 0 : i32
      %dma_start3A_610 = tpu.memref_slice %arg6[%dma_start3A_608, %dma_start3A_609] : memref<20x64xf32, #tpu.memory_space<vmem>> -> memref<1x64xf32, #tpu.memory_space<vmem>>
      %dma_start3A_611 = tpu.memref_squeeze %dma_start3A_610 : memref<1x64xf32, #tpu.memory_space<vmem>> -> memref<64xf32, #tpu.memory_space<vmem>>
      %dma_start3A_612 = arith.constant 256 : i32
      %dma_start3A_613 = tpu.memref_slice %arg4[%dma_start3A_612] : memref<1280xf32, #tpu.memory_space<hbm>> -> memref<64xf32, #tpu.memory_space<hbm>>
      %dma_start3A_614 = arith.constant 256 : i32
      %dma_start3A_615 = tpu.memref_slice %arg4[%dma_start3A_614] : memref<1280xf32, #tpu.memory_space<hbm>> -> memref<64xf32, #tpu.memory_space<hbm>>
      %dma_start3A_616 = arith.constant 0 : i32
      %dma_start3A_617 = tpu.memref_slice %arg6[%dma_start3A_608, %dma_start3A_616] : memref<20x64xf32, #tpu.memory_space<vmem>> -> memref<1x64xf32, #tpu.memory_space<vmem>>
      %dma_start3A_618 = tpu.memref_squeeze %dma_start3A_617 : memref<1x64xf32, #tpu.memory_space<vmem>> -> memref<64xf32, #tpu.memory_space<vmem>>
      tpu.enqueue_dma source(%dma_start3A_618 : memref<64xf32, #tpu.memory_space<vmem>>) target(%dma_start3A_615 : memref<64xf32, #tpu.memory_space<hbm>>) target_semaphore(%arg7 : memref<!tpu.dma_semaphore, #tpu.memory_space<semaphore_mem>>)
      %dma_start3A_619 = arith.constant 5 : i32
      %dma_start3A_620 = arith.constant 0 : i32
      %dma_start3A_621 = tpu.memref_slice %arg6[%dma_start3A_619, %dma_start3A_620] : memref<20x64xf32, #tpu.memory_space<vmem>> -> memref<1x64xf32, #tpu.memory_space<vmem>>
      %dma_start3A_622 = tpu.memref_squeeze %dma_start3A_621 : memref<1x64xf32, #tpu.memory_space<vmem>> -> memref<64xf32, #tpu.memory_space<vmem>>
      %dma_start3A_623 = arith.constant 320 : i32
      %dma_start3A_624 = tpu.memref_slice %arg4[%dma_start3A_623] : memref<1280xf32, #tpu.memory_space<hbm>> -> memref<64xf32, #tpu.memory_space<hbm>>
      %dma_start3A_625 = arith.constant 320 : i32
      %dma_start3A_626 = tpu.memref_slice %arg4[%dma_start3A_625] : memref<1280xf32, #tpu.memory_space<hbm>> -> memref<64xf32, #tpu.memory_space<hbm>>
      %dma_start3A_627 = arith.constant 0 : i32
      %dma_start3A_628 = tpu.memref_slice %arg6[%dma_start3A_619, %dma_start3A_627] : memref<20x64xf32, #tpu.memory_space<vmem>> -> memref<1x64xf32, #tpu.memory_space<vmem>>
      %dma_start3A_629 = tpu.memref_squeeze %dma_start3A_628 : memref<1x64xf32, #tpu.memory_space<vmem>> -> memref<64xf32, #tpu.memory_space<vmem>>
      tpu.enqueue_dma source(%dma_start3A_629 : memref<64xf32, #tpu.memory_space<vmem>>) target(%dma_start3A_626 : memref<64xf32, #tpu.memory_space<hbm>>) target_semaphore(%arg7 : memref<!tpu.dma_semaphore, #tpu.memory_space<semaphore_mem>>)
      %dma_start3A_630 = arith.constant 6 : i32
      %dma_start3A_631 = arith.constant 0 : i32
      %dma_start3A_632 = tpu.memref_slice %arg6[%dma_start3A_630, %dma_start3A_631] : memref<20x64xf32, #tpu.memory_space<vmem>> -> memref<1x64xf32, #tpu.memory_space<vmem>>
      %dma_start3A_633 = tpu.memref_squeeze %dma_start3A_632 : memref<1x64xf32, #tpu.memory_space<vmem>> -> memref<64xf32, #tpu.memory_space<vmem>>
      %dma_start3A_634 = arith.constant 384 : i32
      %dma_start3A_635 = tpu.memref_slice %arg4[%dma_start3A_634] : memref<1280xf32, #tpu.memory_space<hbm>> -> memref<64xf32, #tpu.memory_space<hbm>>
      %dma_start3A_636 = arith.constant 384 : i32
      %dma_start3A_637 = tpu.memref_slice %arg4[%dma_start3A_636] : memref<1280xf32, #tpu.memory_space<hbm>> -> memref<64xf32, #tpu.memory_space<hbm>>
      %dma_start3A_638 = arith.constant 0 : i32
      %dma_start3A_639 = tpu.memref_slice %arg6[%dma_start3A_630, %dma_start3A_638] : memref<20x64xf32, #tpu.memory_space<vmem>> -> memref<1x64xf32, #tpu.memory_space<vmem>>
      %dma_start3A_640 = tpu.memref_squeeze %dma_start3A_639 : memref<1x64xf32, #tpu.memory_space<vmem>> -> memref<64xf32, #tpu.memory_space<vmem>>
      tpu.enqueue_dma source(%dma_start3A_640 : memref<64xf32, #tpu.memory_space<vmem>>) target(%dma_start3A_637 : memref<64xf32, #tpu.memory_space<hbm>>) target_semaphore(%arg7 : memref<!tpu.dma_semaphore, #tpu.memory_space<semaphore_mem>>)
      %dma_start3A_641 = arith.constant 7 : i32
      %dma_start3A_642 = arith.constant 0 : i32
      %dma_start3A_643 = tpu.memref_slice %arg6[%dma_start3A_641, %dma_start3A_642] : memref<20x64xf32, #tpu.memory_space<vmem>> -> memref<1x64xf32, #tpu.memory_space<vmem>>
      %dma_start3A_644 = tpu.memref_squeeze %dma_start3A_643 : memref<1x64xf32, #tpu.memory_space<vmem>> -> memref<64xf32, #tpu.memory_space<vmem>>
      %dma_start3A_645 = arith.constant 448 : i32
      %dma_start3A_646 = tpu.memref_slice %arg4[%dma_start3A_645] : memref<1280xf32, #tpu.memory_space<hbm>> -> memref<64xf32, #tpu.memory_space<hbm>>
      %dma_start3A_647 = arith.constant 448 : i32
      %dma_start3A_648 = tpu.memref_slice %arg4[%dma_start3A_647] : memref<1280xf32, #tpu.memory_space<hbm>> -> memref<64xf32, #tpu.memory_space<hbm>>
      %dma_start3A_649 = arith.constant 0 : i32
      %dma_start3A_650 = tpu.memref_slice %arg6[%dma_start3A_641, %dma_start3A_649] : memref<20x64xf32, #tpu.memory_space<vmem>> -> memref<1x64xf32, #tpu.memory_space<vmem>>
      %dma_start3A_651 = tpu.memref_squeeze %dma_start3A_650 : memref<1x64xf32, #tpu.memory_space<vmem>> -> memref<64xf32, #tpu.memory_space<vmem>>
      tpu.enqueue_dma source(%dma_start3A_651 : memref<64xf32, #tpu.memory_space<vmem>>) target(%dma_start3A_648 : memref<64xf32, #tpu.memory_space<hbm>>) target_semaphore(%arg7 : memref<!tpu.dma_semaphore, #tpu.memory_space<semaphore_mem>>)
      %dma_start3A_652 = arith.constant 8 : i32
      %dma_start3A_653 = arith.constant 0 : i32
      %dma_start3A_654 = tpu.memref_slice %arg6[%dma_start3A_652, %dma_start3A_653] : memref<20x64xf32, #tpu.memory_space<vmem>> -> memref<1x64xf32, #tpu.memory_space<vmem>>
      %dma_start3A_655 = tpu.memref_squeeze %dma_start3A_654 : memref<1x64xf32, #tpu.memory_space<vmem>> -> memref<64xf32, #tpu.memory_space<vmem>>
      %dma_start3A_656 = arith.constant 512 : i32
      %dma_start3A_657 = tpu.memref_slice %arg4[%dma_start3A_656] : memref<1280xf32, #tpu.memory_space<hbm>> -> memref<64xf32, #tpu.memory_space<hbm>>
      %dma_start3A_658 = arith.constant 512 : i32
      %dma_start3A_659 = tpu.memref_slice %arg4[%dma_start3A_658] : memref<1280xf32, #tpu.memory_space<hbm>> -> memref<64xf32, #tpu.memory_space<hbm>>
      %dma_start3A_660 = arith.constant 0 : i32
      %dma_start3A_661 = tpu.memref_slice %arg6[%dma_start3A_652, %dma_start3A_660] : memref<20x64xf32, #tpu.memory_space<vmem>> -> memref<1x64xf32, #tpu.memory_space<vmem>>
      %dma_start3A_662 = tpu.memref_squeeze %dma_start3A_661 : memref<1x64xf32, #tpu.memory_space<vmem>> -> memref<64xf32, #tpu.memory_space<vmem>>
      tpu.enqueue_dma source(%dma_start3A_662 : memref<64xf32, #tpu.memory_space<vmem>>) target(%dma_start3A_659 : memref<64xf32, #tpu.memory_space<hbm>>) target_semaphore(%arg7 : memref<!tpu.dma_semaphore, #tpu.memory_space<semaphore_mem>>)
      %dma_start3A_663 = arith.constant 9 : i32
      %dma_start3A_664 = arith.constant 0 : i32
      %dma_start3A_665 = tpu.memref_slice %arg6[%dma_start3A_663, %dma_start3A_664] : memref<20x64xf32, #tpu.memory_space<vmem>> -> memref<1x64xf32, #tpu.memory_space<vmem>>
      %dma_start3A_666 = tpu.memref_squeeze %dma_start3A_665 : memref<1x64xf32, #tpu.memory_space<vmem>> -> memref<64xf32, #tpu.memory_space<vmem>>
      %dma_start3A_667 = arith.constant 576 : i32
      %dma_start3A_668 = tpu.memref_slice %arg4[%dma_start3A_667] : memref<1280xf32, #tpu.memory_space<hbm>> -> memref<64xf32, #tpu.memory_space<hbm>>
      %dma_start3A_669 = arith.constant 576 : i32
      %dma_start3A_670 = tpu.memref_slice %arg4[%dma_start3A_669] : memref<1280xf32, #tpu.memory_space<hbm>> -> memref<64xf32, #tpu.memory_space<hbm>>
      %dma_start3A_671 = arith.constant 0 : i32
      %dma_start3A_672 = tpu.memref_slice %arg6[%dma_start3A_663, %dma_start3A_671] : memref<20x64xf32, #tpu.memory_space<vmem>> -> memref<1x64xf32, #tpu.memory_space<vmem>>
      %dma_start3A_673 = tpu.memref_squeeze %dma_start3A_672 : memref<1x64xf32, #tpu.memory_space<vmem>> -> memref<64xf32, #tpu.memory_space<vmem>>
      tpu.enqueue_dma source(%dma_start3A_673 : memref<64xf32, #tpu.memory_space<vmem>>) target(%dma_start3A_670 : memref<64xf32, #tpu.memory_space<hbm>>) target_semaphore(%arg7 : memref<!tpu.dma_semaphore, #tpu.memory_space<semaphore_mem>>)
      %dma_start3A_674 = arith.constant 10 : i32
      %dma_start3A_675 = arith.constant 0 : i32
      %dma_start3A_676 = tpu.memref_slice %arg6[%dma_start3A_674, %dma_start3A_675] : memref<20x64xf32, #tpu.memory_space<vmem>> -> memref<1x64xf32, #tpu.memory_space<vmem>>
      %dma_start3A_677 = tpu.memref_squeeze %dma_start3A_676 : memref<1x64xf32, #tpu.memory_space<vmem>> -> memref<64xf32, #tpu.memory_space<vmem>>
      %dma_start3A_678 = arith.constant 640 : i32
      %dma_start3A_679 = tpu.memref_slice %arg4[%dma_start3A_678] : memref<1280xf32, #tpu.memory_space<hbm>> -> memref<64xf32, #tpu.memory_space<hbm>>
      %dma_start3A_680 = arith.constant 640 : i32
      %dma_start3A_681 = tpu.memref_slice %arg4[%dma_start3A_680] : memref<1280xf32, #tpu.memory_space<hbm>> -> memref<64xf32, #tpu.memory_space<hbm>>
      %dma_start3A_682 = arith.constant 0 : i32
      %dma_start3A_683 = tpu.memref_slice %arg6[%dma_start3A_674, %dma_start3A_682] : memref<20x64xf32, #tpu.memory_space<vmem>> -> memref<1x64xf32, #tpu.memory_space<vmem>>
      %dma_start3A_684 = tpu.memref_squeeze %dma_start3A_683 : memref<1x64xf32, #tpu.memory_space<vmem>> -> memref<64xf32, #tpu.memory_space<vmem>>
      tpu.enqueue_dma source(%dma_start3A_684 : memref<64xf32, #tpu.memory_space<vmem>>) target(%dma_start3A_681 : memref<64xf32, #tpu.memory_space<hbm>>) target_semaphore(%arg7 : memref<!tpu.dma_semaphore, #tpu.memory_space<semaphore_mem>>)
      %dma_start3A_685 = arith.constant 11 : i32
      %dma_start3A_686 = arith.constant 0 : i32
      %dma_start3A_687 = tpu.memref_slice %arg6[%dma_start3A_685, %dma_start3A_686] : memref<20x64xf32, #tpu.memory_space<vmem>> -> memref<1x64xf32, #tpu.memory_space<vmem>>
      %dma_start3A_688 = tpu.memref_squeeze %dma_start3A_687 : memref<1x64xf32, #tpu.memory_space<vmem>> -> memref<64xf32, #tpu.memory_space<vmem>>
      %dma_start3A_689 = arith.constant 704 : i32
      %dma_start3A_690 = tpu.memref_slice %arg4[%dma_start3A_689] : memref<1280xf32, #tpu.memory_space<hbm>> -> memref<64xf32, #tpu.memory_space<hbm>>
      %dma_start3A_691 = arith.constant 704 : i32
      %dma_start3A_692 = tpu.memref_slice %arg4[%dma_start3A_691] : memref<1280xf32, #tpu.memory_space<hbm>> -> memref<64xf32, #tpu.memory_space<hbm>>
      %dma_start3A_693 = arith.constant 0 : i32
      %dma_start3A_694 = tpu.memref_slice %arg6[%dma_start3A_685, %dma_start3A_693] : memref<20x64xf32, #tpu.memory_space<vmem>> -> memref<1x64xf32, #tpu.memory_space<vmem>>
      %dma_start3A_695 = tpu.memref_squeeze %dma_start3A_694 : memref<1x64xf32, #tpu.memory_space<vmem>> -> memref<64xf32, #tpu.memory_space<vmem>>
      tpu.enqueue_dma source(%dma_start3A_695 : memref<64xf32, #tpu.memory_space<vmem>>) target(%dma_start3A_692 : memref<64xf32, #tpu.memory_space<hbm>>) target_semaphore(%arg7 : memref<!tpu.dma_semaphore, #tpu.memory_space<semaphore_mem>>)
      %dma_start3A_696 = arith.constant 12 : i32
      %dma_start3A_697 = arith.constant 0 : i32
      %dma_start3A_698 = tpu.memref_slice %arg6[%dma_start3A_696, %dma_start3A_697] : memref<20x64xf32, #tpu.memory_space<vmem>> -> memref<1x64xf32, #tpu.memory_space<vmem>>
      %dma_start3A_699 = tpu.memref_squeeze %dma_start3A_698 : memref<1x64xf32, #tpu.memory_space<vmem>> -> memref<64xf32, #tpu.memory_space<vmem>>
      %dma_start3A_700 = arith.constant 768 : i32
      %dma_start3A_701 = tpu.memref_slice %arg4[%dma_start3A_700] : memref<1280xf32, #tpu.memory_space<hbm>> -> memref<64xf32, #tpu.memory_space<hbm>>
      %dma_start3A_702 = arith.constant 768 : i32
      %dma_start3A_703 = tpu.memref_slice %arg4[%dma_start3A_702] : memref<1280xf32, #tpu.memory_space<hbm>> -> memref<64xf32, #tpu.memory_space<hbm>>
      %dma_start3A_704 = arith.constant 0 : i32
      %dma_start3A_705 = tpu.memref_slice %arg6[%dma_start3A_696, %dma_start3A_704] : memref<20x64xf32, #tpu.memory_space<vmem>> -> memref<1x64xf32, #tpu.memory_space<vmem>>
      %dma_start3A_706 = tpu.memref_squeeze %dma_start3A_705 : memref<1x64xf32, #tpu.memory_space<vmem>> -> memref<64xf32, #tpu.memory_space<vmem>>
      tpu.enqueue_dma source(%dma_start3A_706 : memref<64xf32, #tpu.memory_space<vmem>>) target(%dma_start3A_703 : memref<64xf32, #tpu.memory_space<hbm>>) target_semaphore(%arg7 : memref<!tpu.dma_semaphore, #tpu.memory_space<semaphore_mem>>)
      %dma_start3A_707 = arith.constant 13 : i32
      %dma_start3A_708 = arith.constant 0 : i32
      %dma_start3A_709 = tpu.memref_slice %arg6[%dma_start3A_707, %dma_start3A_708] : memref<20x64xf32, #tpu.memory_space<vmem>> -> memref<1x64xf32, #tpu.memory_space<vmem>>
      %dma_start3A_710 = tpu.memref_squeeze %dma_start3A_709 : memref<1x64xf32, #tpu.memory_space<vmem>> -> memref<64xf32, #tpu.memory_space<vmem>>
      %dma_start3A_711 = arith.constant 832 : i32
      %dma_start3A_712 = tpu.memref_slice %arg4[%dma_start3A_711] : memref<1280xf32, #tpu.memory_space<hbm>> -> memref<64xf32, #tpu.memory_space<hbm>>
      %dma_start3A_713 = arith.constant 832 : i32
      %dma_start3A_714 = tpu.memref_slice %arg4[%dma_start3A_713] : memref<1280xf32, #tpu.memory_space<hbm>> -> memref<64xf32, #tpu.memory_space<hbm>>
      %dma_start3A_715 = arith.constant 0 : i32
      %dma_start3A_716 = tpu.memref_slice %arg6[%dma_start3A_707, %dma_start3A_715] : memref<20x64xf32, #tpu.memory_space<vmem>> -> memref<1x64xf32, #tpu.memory_space<vmem>>
      %dma_start3A_717 = tpu.memref_squeeze %dma_start3A_716 : memref<1x64xf32, #tpu.memory_space<vmem>> -> memref<64xf32, #tpu.memory_space<vmem>>
      tpu.enqueue_dma source(%dma_start3A_717 : memref<64xf32, #tpu.memory_space<vmem>>) target(%dma_start3A_714 : memref<64xf32, #tpu.memory_space<hbm>>) target_semaphore(%arg7 : memref<!tpu.dma_semaphore, #tpu.memory_space<semaphore_mem>>)
      %dma_start3A_718 = arith.constant 14 : i32
      %dma_start3A_719 = arith.constant 0 : i32
      %dma_start3A_720 = tpu.memref_slice %arg6[%dma_start3A_718, %dma_start3A_719] : memref<20x64xf32, #tpu.memory_space<vmem>> -> memref<1x64xf32, #tpu.memory_space<vmem>>
      %dma_start3A_721 = tpu.memref_squeeze %dma_start3A_720 : memref<1x64xf32, #tpu.memory_space<vmem>> -> memref<64xf32, #tpu.memory_space<vmem>>
      %dma_start3A_722 = arith.constant 896 : i32
      %dma_start3A_723 = tpu.memref_slice %arg4[%dma_start3A_722] : memref<1280xf32, #tpu.memory_space<hbm>> -> memref<64xf32, #tpu.memory_space<hbm>>
      %dma_start3A_724 = arith.constant 896 : i32
      %dma_start3A_725 = tpu.memref_slice %arg4[%dma_start3A_724] : memref<1280xf32, #tpu.memory_space<hbm>> -> memref<64xf32, #tpu.memory_space<hbm>>
      %dma_start3A_726 = arith.constant 0 : i32
      %dma_start3A_727 = tpu.memref_slice %arg6[%dma_start3A_718, %dma_start3A_726] : memref<20x64xf32, #tpu.memory_space<vmem>> -> memref<1x64xf32, #tpu.memory_space<vmem>>
      %dma_start3A_728 = tpu.memref_squeeze %dma_start3A_727 : memref<1x64xf32, #tpu.memory_space<vmem>> -> memref<64xf32, #tpu.memory_space<vmem>>
      tpu.enqueue_dma source(%dma_start3A_728 : memref<64xf32, #tpu.memory_space<vmem>>) target(%dma_start3A_725 : memref<64xf32, #tpu.memory_space<hbm>>) target_semaphore(%arg7 : memref<!tpu.dma_semaphore, #tpu.memory_space<semaphore_mem>>)
      %dma_start3A_729 = arith.constant 15 : i32
      %dma_start3A_730 = arith.constant 0 : i32
      %dma_start3A_731 = tpu.memref_slice %arg6[%dma_start3A_729, %dma_start3A_730] : memref<20x64xf32, #tpu.memory_space<vmem>> -> memref<1x64xf32, #tpu.memory_space<vmem>>
      %dma_start3A_732 = tpu.memref_squeeze %dma_start3A_731 : memref<1x64xf32, #tpu.memory_space<vmem>> -> memref<64xf32, #tpu.memory_space<vmem>>
      %dma_start3A_733 = arith.constant 960 : i32
      %dma_start3A_734 = tpu.memref_slice %arg4[%dma_start3A_733] : memref<1280xf32, #tpu.memory_space<hbm>> -> memref<64xf32, #tpu.memory_space<hbm>>
      %dma_start3A_735 = arith.constant 960 : i32
      %dma_start3A_736 = tpu.memref_slice %arg4[%dma_start3A_735] : memref<1280xf32, #tpu.memory_space<hbm>> -> memref<64xf32, #tpu.memory_space<hbm>>
      %dma_start3A_737 = arith.constant 0 : i32
      %dma_start3A_738 = tpu.memref_slice %arg6[%dma_start3A_729, %dma_start3A_737] : memref<20x64xf32, #tpu.memory_space<vmem>> -> memref<1x64xf32, #tpu.memory_space<vmem>>
      %dma_start3A_739 = tpu.memref_squeeze %dma_start3A_738 : memref<1x64xf32, #tpu.memory_space<vmem>> -> memref<64xf32, #tpu.memory_space<vmem>>
      tpu.enqueue_dma source(%dma_start3A_739 : memref<64xf32, #tpu.memory_space<vmem>>) target(%dma_start3A_736 : memref<64xf32, #tpu.memory_space<hbm>>) target_semaphore(%arg7 : memref<!tpu.dma_semaphore, #tpu.memory_space<semaphore_mem>>)
      %dma_start3A_740 = arith.constant 16 : i32
      %dma_start3A_741 = arith.constant 0 : i32
      %dma_start3A_742 = tpu.memref_slice %arg6[%dma_start3A_740, %dma_start3A_741] : memref<20x64xf32, #tpu.memory_space<vmem>> -> memref<1x64xf32, #tpu.memory_space<vmem>>
      %dma_start3A_743 = tpu.memref_squeeze %dma_start3A_742 : memref<1x64xf32, #tpu.memory_space<vmem>> -> memref<64xf32, #tpu.memory_space<vmem>>
      %dma_start3A_744 = arith.constant 1024 : i32
      %dma_start3A_745 = tpu.memref_slice %arg4[%dma_start3A_744] : memref<1280xf32, #tpu.memory_space<hbm>> -> memref<64xf32, #tpu.memory_space<hbm>>
      %dma_start3A_746 = arith.constant 1024 : i32
      %dma_start3A_747 = tpu.memref_slice %arg4[%dma_start3A_746] : memref<1280xf32, #tpu.memory_space<hbm>> -> memref<64xf32, #tpu.memory_space<hbm>>
      %dma_start3A_748 = arith.constant 0 : i32
      %dma_start3A_749 = tpu.memref_slice %arg6[%dma_start3A_740, %dma_start3A_748] : memref<20x64xf32, #tpu.memory_space<vmem>> -> memref<1x64xf32, #tpu.memory_space<vmem>>
      %dma_start3A_750 = tpu.memref_squeeze %dma_start3A_749 : memref<1x64xf32, #tpu.memory_space<vmem>> -> memref<64xf32, #tpu.memory_space<vmem>>
      tpu.enqueue_dma source(%dma_start3A_750 : memref<64xf32, #tpu.memory_space<vmem>>) target(%dma_start3A_747 : memref<64xf32, #tpu.memory_space<hbm>>) target_semaphore(%arg7 : memref<!tpu.dma_semaphore, #tpu.memory_space<semaphore_mem>>)
      %dma_start3A_751 = arith.constant 17 : i32
      %dma_start3A_752 = arith.constant 0 : i32
      %dma_start3A_753 = tpu.memref_slice %arg6[%dma_start3A_751, %dma_start3A_752] : memref<20x64xf32, #tpu.memory_space<vmem>> -> memref<1x64xf32, #tpu.memory_space<vmem>>
      %dma_start3A_754 = tpu.memref_squeeze %dma_start3A_753 : memref<1x64xf32, #tpu.memory_space<vmem>> -> memref<64xf32, #tpu.memory_space<vmem>>
      %dma_start3A_755 = arith.constant 1088 : i32
      %dma_start3A_756 = tpu.memref_slice %arg4[%dma_start3A_755] : memref<1280xf32, #tpu.memory_space<hbm>> -> memref<64xf32, #tpu.memory_space<hbm>>
      %dma_start3A_757 = arith.constant 1088 : i32
      %dma_start3A_758 = tpu.memref_slice %arg4[%dma_start3A_757] : memref<1280xf32, #tpu.memory_space<hbm>> -> memref<64xf32, #tpu.memory_space<hbm>>
      %dma_start3A_759 = arith.constant 0 : i32
      %dma_start3A_760 = tpu.memref_slice %arg6[%dma_start3A_751, %dma_start3A_759] : memref<20x64xf32, #tpu.memory_space<vmem>> -> memref<1x64xf32, #tpu.memory_space<vmem>>
      %dma_start3A_761 = tpu.memref_squeeze %dma_start3A_760 : memref<1x64xf32, #tpu.memory_space<vmem>> -> memref<64xf32, #tpu.memory_space<vmem>>
      tpu.enqueue_dma source(%dma_start3A_761 : memref<64xf32, #tpu.memory_space<vmem>>) target(%dma_start3A_758 : memref<64xf32, #tpu.memory_space<hbm>>) target_semaphore(%arg7 : memref<!tpu.dma_semaphore, #tpu.memory_space<semaphore_mem>>)
      %dma_start3A_762 = arith.constant 18 : i32
      %dma_start3A_763 = arith.constant 0 : i32
      %dma_start3A_764 = tpu.memref_slice %arg6[%dma_start3A_762, %dma_start3A_763] : memref<20x64xf32, #tpu.memory_space<vmem>> -> memref<1x64xf32, #tpu.memory_space<vmem>>
      %dma_start3A_765 = tpu.memref_squeeze %dma_start3A_764 : memref<1x64xf32, #tpu.memory_space<vmem>> -> memref<64xf32, #tpu.memory_space<vmem>>
      %dma_start3A_766 = arith.constant 1152 : i32
      %dma_start3A_767 = tpu.memref_slice %arg4[%dma_start3A_766] : memref<1280xf32, #tpu.memory_space<hbm>> -> memref<64xf32, #tpu.memory_space<hbm>>
      %dma_start3A_768 = arith.constant 1152 : i32
      %dma_start3A_769 = tpu.memref_slice %arg4[%dma_start3A_768] : memref<1280xf32, #tpu.memory_space<hbm>> -> memref<64xf32, #tpu.memory_space<hbm>>
      %dma_start3A_770 = arith.constant 0 : i32
      %dma_start3A_771 = tpu.memref_slice %arg6[%dma_start3A_762, %dma_start3A_770] : memref<20x64xf32, #tpu.memory_space<vmem>> -> memref<1x64xf32, #tpu.memory_space<vmem>>
      %dma_start3A_772 = tpu.memref_squeeze %dma_start3A_771 : memref<1x64xf32, #tpu.memory_space<vmem>> -> memref<64xf32, #tpu.memory_space<vmem>>
      tpu.enqueue_dma source(%dma_start3A_772 : memref<64xf32, #tpu.memory_space<vmem>>) target(%dma_start3A_769 : memref<64xf32, #tpu.memory_space<hbm>>) target_semaphore(%arg7 : memref<!tpu.dma_semaphore, #tpu.memory_space<semaphore_mem>>)
      %dma_start3A_773 = arith.constant 19 : i32
      %dma_start3A_774 = arith.constant 0 : i32
      %dma_start3A_775 = tpu.memref_slice %arg6[%dma_start3A_773, %dma_start3A_774] : memref<20x64xf32, #tpu.memory_space<vmem>> -> memref<1x64xf32, #tpu.memory_space<vmem>>
      %dma_start3A_776 = tpu.memref_squeeze %dma_start3A_775 : memref<1x64xf32, #tpu.memory_space<vmem>> -> memref<64xf32, #tpu.memory_space<vmem>>
      %dma_start3A_777 = arith.constant 1216 : i32
      %dma_start3A_778 = tpu.memref_slice %arg4[%dma_start3A_777] : memref<1280xf32, #tpu.memory_space<hbm>> -> memref<64xf32, #tpu.memory_space<hbm>>
      %dma_start3A_779 = arith.constant 1216 : i32
      %dma_start3A_780 = tpu.memref_slice %arg4[%dma_start3A_779] : memref<1280xf32, #tpu.memory_space<hbm>> -> memref<64xf32, #tpu.memory_space<hbm>>
      %dma_start3A_781 = arith.constant 0 : i32
      %dma_start3A_782 = tpu.memref_slice %arg6[%dma_start3A_773, %dma_start3A_781] : memref<20x64xf32, #tpu.memory_space<vmem>> -> memref<1x64xf32, #tpu.memory_space<vmem>>
      %dma_start3A_783 = tpu.memref_squeeze %dma_start3A_782 : memref<1x64xf32, #tpu.memory_space<vmem>> -> memref<64xf32, #tpu.memory_space<vmem>>
      tpu.enqueue_dma source(%dma_start3A_783 : memref<64xf32, #tpu.memory_space<vmem>>) target(%dma_start3A_780 : memref<64xf32, #tpu.memory_space<hbm>>) target_semaphore(%arg7 : memref<!tpu.dma_semaphore, #tpu.memory_space<semaphore_mem>>)
      %dma_wait3A_784 = arith.constant 0 : i32
      %dma_wait3A_785 = arith.constant 0 : i32
      %dma_wait3A_786 = tpu.memref_slice %arg6[%dma_wait3A_784, %dma_wait3A_785] : memref<20x64xf32, #tpu.memory_space<vmem>> -> memref<1x64xf32, #tpu.memory_space<vmem>>
      %dma_wait3A_787 = tpu.memref_squeeze %dma_wait3A_786 : memref<1x64xf32, #tpu.memory_space<vmem>> -> memref<64xf32, #tpu.memory_space<vmem>>
      %dma_wait3A_788 = arith.constant 0 : i32
      %dma_wait3A_789 = tpu.memref_slice %arg4[%dma_wait3A_788] : memref<1280xf32, #tpu.memory_space<hbm>> -> memref<64xf32, #tpu.memory_space<hbm>>
      %dma_wait3A_790 = arith.constant 0 : i32
      %dma_wait3A_791 = tpu.memref_slice %arg4[%dma_wait3A_790] : memref<1280xf32, #tpu.memory_space<hbm>> -> memref<64xf32, #tpu.memory_space<hbm>>
      %dma_wait3A_792 = arith.constant 0 : i32
      %dma_wait3A_793 = tpu.memref_slice %arg6[%dma_wait3A_784, %dma_wait3A_792] : memref<20x64xf32, #tpu.memory_space<vmem>> -> memref<1x64xf32, #tpu.memory_space<vmem>>
      %dma_wait3A_794 = tpu.memref_squeeze %dma_wait3A_793 : memref<1x64xf32, #tpu.memory_space<vmem>> -> memref<64xf32, #tpu.memory_space<vmem>>
      tpu.wait_dma2 semaphore(%arg7 : memref<!tpu.dma_semaphore, #tpu.memory_space<semaphore_mem>>) src(%dma_wait3A_794 : memref<64xf32, #tpu.memory_space<vmem>>) dst(%dma_wait3A_791 : memref<64xf32, #tpu.memory_space<hbm>>)
      %dma_wait3A_795 = arith.constant 1 : i32
      %dma_wait3A_796 = arith.constant 0 : i32
      %dma_wait3A_797 = tpu.memref_slice %arg6[%dma_wait3A_795, %dma_wait3A_796] : memref<20x64xf32, #tpu.memory_space<vmem>> -> memref<1x64xf32, #tpu.memory_space<vmem>>
      %dma_wait3A_798 = tpu.memref_squeeze %dma_wait3A_797 : memref<1x64xf32, #tpu.memory_space<vmem>> -> memref<64xf32, #tpu.memory_space<vmem>>
      %dma_wait3A_799 = arith.constant 64 : i32
      %dma_wait3A_800 = tpu.memref_slice %arg4[%dma_wait3A_799] : memref<1280xf32, #tpu.memory_space<hbm>> -> memref<64xf32, #tpu.memory_space<hbm>>
      %dma_wait3A_801 = arith.constant 64 : i32
      %dma_wait3A_802 = tpu.memref_slice %arg4[%dma_wait3A_801] : memref<1280xf32, #tpu.memory_space<hbm>> -> memref<64xf32, #tpu.memory_space<hbm>>
      %dma_wait3A_803 = arith.constant 0 : i32
      %dma_wait3A_804 = tpu.memref_slice %arg6[%dma_wait3A_795, %dma_wait3A_803] : memref<20x64xf32, #tpu.memory_space<vmem>> -> memref<1x64xf32, #tpu.memory_space<vmem>>
      %dma_wait3A_805 = tpu.memref_squeeze %dma_wait3A_804 : memref<1x64xf32, #tpu.memory_space<vmem>> -> memref<64xf32, #tpu.memory_space<vmem>>
      tpu.wait_dma2 semaphore(%arg7 : memref<!tpu.dma_semaphore, #tpu.memory_space<semaphore_mem>>) src(%dma_wait3A_805 : memref<64xf32, #tpu.memory_space<vmem>>) dst(%dma_wait3A_802 : memref<64xf32, #tpu.memory_space<hbm>>)
      %dma_wait3A_806 = arith.constant 2 : i32
      %dma_wait3A_807 = arith.constant 0 : i32
      %dma_wait3A_808 = tpu.memref_slice %arg6[%dma_wait3A_806, %dma_wait3A_807] : memref<20x64xf32, #tpu.memory_space<vmem>> -> memref<1x64xf32, #tpu.memory_space<vmem>>
      %dma_wait3A_809 = tpu.memref_squeeze %dma_wait3A_808 : memref<1x64xf32, #tpu.memory_space<vmem>> -> memref<64xf32, #tpu.memory_space<vmem>>
      %dma_wait3A_810 = arith.constant 128 : i32
      %dma_wait3A_811 = tpu.memref_slice %arg4[%dma_wait3A_810] : memref<1280xf32, #tpu.memory_space<hbm>> -> memref<64xf32, #tpu.memory_space<hbm>>
      %dma_wait3A_812 = arith.constant 128 : i32
      %dma_wait3A_813 = tpu.memref_slice %arg4[%dma_wait3A_812] : memref<1280xf32, #tpu.memory_space<hbm>> -> memref<64xf32, #tpu.memory_space<hbm>>
      %dma_wait3A_814 = arith.constant 0 : i32
      %dma_wait3A_815 = tpu.memref_slice %arg6[%dma_wait3A_806, %dma_wait3A_814] : memref<20x64xf32, #tpu.memory_space<vmem>> -> memref<1x64xf32, #tpu.memory_space<vmem>>
      %dma_wait3A_816 = tpu.memref_squeeze %dma_wait3A_815 : memref<1x64xf32, #tpu.memory_space<vmem>> -> memref<64xf32, #tpu.memory_space<vmem>>
      tpu.wait_dma2 semaphore(%arg7 : memref<!tpu.dma_semaphore, #tpu.memory_space<semaphore_mem>>) src(%dma_wait3A_816 : memref<64xf32, #tpu.memory_space<vmem>>) dst(%dma_wait3A_813 : memref<64xf32, #tpu.memory_space<hbm>>)
      %dma_wait3A_817 = arith.constant 3 : i32
      %dma_wait3A_818 = arith.constant 0 : i32
      %dma_wait3A_819 = tpu.memref_slice %arg6[%dma_wait3A_817, %dma_wait3A_818] : memref<20x64xf32, #tpu.memory_space<vmem>> -> memref<1x64xf32, #tpu.memory_space<vmem>>
      %dma_wait3A_820 = tpu.memref_squeeze %dma_wait3A_819 : memref<1x64xf32, #tpu.memory_space<vmem>> -> memref<64xf32, #tpu.memory_space<vmem>>
      %dma_wait3A_821 = arith.constant 192 : i32
      %dma_wait3A_822 = tpu.memref_slice %arg4[%dma_wait3A_821] : memref<1280xf32, #tpu.memory_space<hbm>> -> memref<64xf32, #tpu.memory_space<hbm>>
      %dma_wait3A_823 = arith.constant 192 : i32
      %dma_wait3A_824 = tpu.memref_slice %arg4[%dma_wait3A_823] : memref<1280xf32, #tpu.memory_space<hbm>> -> memref<64xf32, #tpu.memory_space<hbm>>
      %dma_wait3A_825 = arith.constant 0 : i32
      %dma_wait3A_826 = tpu.memref_slice %arg6[%dma_wait3A_817, %dma_wait3A_825] : memref<20x64xf32, #tpu.memory_space<vmem>> -> memref<1x64xf32, #tpu.memory_space<vmem>>
      %dma_wait3A_827 = tpu.memref_squeeze %dma_wait3A_826 : memref<1x64xf32, #tpu.memory_space<vmem>> -> memref<64xf32, #tpu.memory_space<vmem>>
      tpu.wait_dma2 semaphore(%arg7 : memref<!tpu.dma_semaphore, #tpu.memory_space<semaphore_mem>>) src(%dma_wait3A_827 : memref<64xf32, #tpu.memory_space<vmem>>) dst(%dma_wait3A_824 : memref<64xf32, #tpu.memory_space<hbm>>)
      %dma_wait3A_828 = arith.constant 4 : i32
      %dma_wait3A_829 = arith.constant 0 : i32
      %dma_wait3A_830 = tpu.memref_slice %arg6[%dma_wait3A_828, %dma_wait3A_829] : memref<20x64xf32, #tpu.memory_space<vmem>> -> memref<1x64xf32, #tpu.memory_space<vmem>>
      %dma_wait3A_831 = tpu.memref_squeeze %dma_wait3A_830 : memref<1x64xf32, #tpu.memory_space<vmem>> -> memref<64xf32, #tpu.memory_space<vmem>>
      %dma_wait3A_832 = arith.constant 256 : i32
      %dma_wait3A_833 = tpu.memref_slice %arg4[%dma_wait3A_832] : memref<1280xf32, #tpu.memory_space<hbm>> -> memref<64xf32, #tpu.memory_space<hbm>>
      %dma_wait3A_834 = arith.constant 256 : i32
      %dma_wait3A_835 = tpu.memref_slice %arg4[%dma_wait3A_834] : memref<1280xf32, #tpu.memory_space<hbm>> -> memref<64xf32, #tpu.memory_space<hbm>>
      %dma_wait3A_836 = arith.constant 0 : i32
      %dma_wait3A_837 = tpu.memref_slice %arg6[%dma_wait3A_828, %dma_wait3A_836] : memref<20x64xf32, #tpu.memory_space<vmem>> -> memref<1x64xf32, #tpu.memory_space<vmem>>
      %dma_wait3A_838 = tpu.memref_squeeze %dma_wait3A_837 : memref<1x64xf32, #tpu.memory_space<vmem>> -> memref<64xf32, #tpu.memory_space<vmem>>
      tpu.wait_dma2 semaphore(%arg7 : memref<!tpu.dma_semaphore, #tpu.memory_space<semaphore_mem>>) src(%dma_wait3A_838 : memref<64xf32, #tpu.memory_space<vmem>>) dst(%dma_wait3A_835 : memref<64xf32, #tpu.memory_space<hbm>>)
      %dma_wait3A_839 = arith.constant 5 : i32
      %dma_wait3A_840 = arith.constant 0 : i32
      %dma_wait3A_841 = tpu.memref_slice %arg6[%dma_wait3A_839, %dma_wait3A_840] : memref<20x64xf32, #tpu.memory_space<vmem>> -> memref<1x64xf32, #tpu.memory_space<vmem>>
      %dma_wait3A_842 = tpu.memref_squeeze %dma_wait3A_841 : memref<1x64xf32, #tpu.memory_space<vmem>> -> memref<64xf32, #tpu.memory_space<vmem>>
      %dma_wait3A_843 = arith.constant 320 : i32
      %dma_wait3A_844 = tpu.memref_slice %arg4[%dma_wait3A_843] : memref<1280xf32, #tpu.memory_space<hbm>> -> memref<64xf32, #tpu.memory_space<hbm>>
      %dma_wait3A_845 = arith.constant 320 : i32
      %dma_wait3A_846 = tpu.memref_slice %arg4[%dma_wait3A_845] : memref<1280xf32, #tpu.memory_space<hbm>> -> memref<64xf32, #tpu.memory_space<hbm>>
      %dma_wait3A_847 = arith.constant 0 : i32
      %dma_wait3A_848 = tpu.memref_slice %arg6[%dma_wait3A_839, %dma_wait3A_847] : memref<20x64xf32, #tpu.memory_space<vmem>> -> memref<1x64xf32, #tpu.memory_space<vmem>>
      %dma_wait3A_849 = tpu.memref_squeeze %dma_wait3A_848 : memref<1x64xf32, #tpu.memory_space<vmem>> -> memref<64xf32, #tpu.memory_space<vmem>>
      tpu.wait_dma2 semaphore(%arg7 : memref<!tpu.dma_semaphore, #tpu.memory_space<semaphore_mem>>) src(%dma_wait3A_849 : memref<64xf32, #tpu.memory_space<vmem>>) dst(%dma_wait3A_846 : memref<64xf32, #tpu.memory_space<hbm>>)
      %dma_wait3A_850 = arith.constant 6 : i32
      %dma_wait3A_851 = arith.constant 0 : i32
      %dma_wait3A_852 = tpu.memref_slice %arg6[%dma_wait3A_850, %dma_wait3A_851] : memref<20x64xf32, #tpu.memory_space<vmem>> -> memref<1x64xf32, #tpu.memory_space<vmem>>
      %dma_wait3A_853 = tpu.memref_squeeze %dma_wait3A_852 : memref<1x64xf32, #tpu.memory_space<vmem>> -> memref<64xf32, #tpu.memory_space<vmem>>
      %dma_wait3A_854 = arith.constant 384 : i32
      %dma_wait3A_855 = tpu.memref_slice %arg4[%dma_wait3A_854] : memref<1280xf32, #tpu.memory_space<hbm>> -> memref<64xf32, #tpu.memory_space<hbm>>
      %dma_wait3A_856 = arith.constant 384 : i32
      %dma_wait3A_857 = tpu.memref_slice %arg4[%dma_wait3A_856] : memref<1280xf32, #tpu.memory_space<hbm>> -> memref<64xf32, #tpu.memory_space<hbm>>
      %dma_wait3A_858 = arith.constant 0 : i32
      %dma_wait3A_859 = tpu.memref_slice %arg6[%dma_wait3A_850, %dma_wait3A_858] : memref<20x64xf32, #tpu.memory_space<vmem>> -> memref<1x64xf32, #tpu.memory_space<vmem>>
      %dma_wait3A_860 = tpu.memref_squeeze %dma_wait3A_859 : memref<1x64xf32, #tpu.memory_space<vmem>> -> memref<64xf32, #tpu.memory_space<vmem>>
      tpu.wait_dma2 semaphore(%arg7 : memref<!tpu.dma_semaphore, #tpu.memory_space<semaphore_mem>>) src(%dma_wait3A_860 : memref<64xf32, #tpu.memory_space<vmem>>) dst(%dma_wait3A_857 : memref<64xf32, #tpu.memory_space<hbm>>)
      %dma_wait3A_861 = arith.constant 7 : i32
      %dma_wait3A_862 = arith.constant 0 : i32
      %dma_wait3A_863 = tpu.memref_slice %arg6[%dma_wait3A_861, %dma_wait3A_862] : memref<20x64xf32, #tpu.memory_space<vmem>> -> memref<1x64xf32, #tpu.memory_space<vmem>>
      %dma_wait3A_864 = tpu.memref_squeeze %dma_wait3A_863 : memref<1x64xf32, #tpu.memory_space<vmem>> -> memref<64xf32, #tpu.memory_space<vmem>>
      %dma_wait3A_865 = arith.constant 448 : i32
      %dma_wait3A_866 = tpu.memref_slice %arg4[%dma_wait3A_865] : memref<1280xf32, #tpu.memory_space<hbm>> -> memref<64xf32, #tpu.memory_space<hbm>>
      %dma_wait3A_867 = arith.constant 448 : i32
      %dma_wait3A_868 = tpu.memref_slice %arg4[%dma_wait3A_867] : memref<1280xf32, #tpu.memory_space<hbm>> -> memref<64xf32, #tpu.memory_space<hbm>>
      %dma_wait3A_869 = arith.constant 0 : i32
      %dma_wait3A_870 = tpu.memref_slice %arg6[%dma_wait3A_861, %dma_wait3A_869] : memref<20x64xf32, #tpu.memory_space<vmem>> -> memref<1x64xf32, #tpu.memory_space<vmem>>
      %dma_wait3A_871 = tpu.memref_squeeze %dma_wait3A_870 : memref<1x64xf32, #tpu.memory_space<vmem>> -> memref<64xf32, #tpu.memory_space<vmem>>
      tpu.wait_dma2 semaphore(%arg7 : memref<!tpu.dma_semaphore, #tpu.memory_space<semaphore_mem>>) src(%dma_wait3A_871 : memref<64xf32, #tpu.memory_space<vmem>>) dst(%dma_wait3A_868 : memref<64xf32, #tpu.memory_space<hbm>>)
      %dma_wait3A_872 = arith.constant 8 : i32
      %dma_wait3A_873 = arith.constant 0 : i32
      %dma_wait3A_874 = tpu.memref_slice %arg6[%dma_wait3A_872, %dma_wait3A_873] : memref<20x64xf32, #tpu.memory_space<vmem>> -> memref<1x64xf32, #tpu.memory_space<vmem>>
      %dma_wait3A_875 = tpu.memref_squeeze %dma_wait3A_874 : memref<1x64xf32, #tpu.memory_space<vmem>> -> memref<64xf32, #tpu.memory_space<vmem>>
      %dma_wait3A_876 = arith.constant 512 : i32
      %dma_wait3A_877 = tpu.memref_slice %arg4[%dma_wait3A_876] : memref<1280xf32, #tpu.memory_space<hbm>> -> memref<64xf32, #tpu.memory_space<hbm>>
      %dma_wait3A_878 = arith.constant 512 : i32
      %dma_wait3A_879 = tpu.memref_slice %arg4[%dma_wait3A_878] : memref<1280xf32, #tpu.memory_space<hbm>> -> memref<64xf32, #tpu.memory_space<hbm>>
      %dma_wait3A_880 = arith.constant 0 : i32
      %dma_wait3A_881 = tpu.memref_slice %arg6[%dma_wait3A_872, %dma_wait3A_880] : memref<20x64xf32, #tpu.memory_space<vmem>> -> memref<1x64xf32, #tpu.memory_space<vmem>>
      %dma_wait3A_882 = tpu.memref_squeeze %dma_wait3A_881 : memref<1x64xf32, #tpu.memory_space<vmem>> -> memref<64xf32, #tpu.memory_space<vmem>>
      tpu.wait_dma2 semaphore(%arg7 : memref<!tpu.dma_semaphore, #tpu.memory_space<semaphore_mem>>) src(%dma_wait3A_882 : memref<64xf32, #tpu.memory_space<vmem>>) dst(%dma_wait3A_879 : memref<64xf32, #tpu.memory_space<hbm>>)
      %dma_wait3A_883 = arith.constant 9 : i32
      %dma_wait3A_884 = arith.constant 0 : i32
      %dma_wait3A_885 = tpu.memref_slice %arg6[%dma_wait3A_883, %dma_wait3A_884] : memref<20x64xf32, #tpu.memory_space<vmem>> -> memref<1x64xf32, #tpu.memory_space<vmem>>
      %dma_wait3A_886 = tpu.memref_squeeze %dma_wait3A_885 : memref<1x64xf32, #tpu.memory_space<vmem>> -> memref<64xf32, #tpu.memory_space<vmem>>
      %dma_wait3A_887 = arith.constant 576 : i32
      %dma_wait3A_888 = tpu.memref_slice %arg4[%dma_wait3A_887] : memref<1280xf32, #tpu.memory_space<hbm>> -> memref<64xf32, #tpu.memory_space<hbm>>
      %dma_wait3A_889 = arith.constant 576 : i32
      %dma_wait3A_890 = tpu.memref_slice %arg4[%dma_wait3A_889] : memref<1280xf32, #tpu.memory_space<hbm>> -> memref<64xf32, #tpu.memory_space<hbm>>
      %dma_wait3A_891 = arith.constant 0 : i32
      %dma_wait3A_892 = tpu.memref_slice %arg6[%dma_wait3A_883, %dma_wait3A_891] : memref<20x64xf32, #tpu.memory_space<vmem>> -> memref<1x64xf32, #tpu.memory_space<vmem>>
      %dma_wait3A_893 = tpu.memref_squeeze %dma_wait3A_892 : memref<1x64xf32, #tpu.memory_space<vmem>> -> memref<64xf32, #tpu.memory_space<vmem>>
      tpu.wait_dma2 semaphore(%arg7 : memref<!tpu.dma_semaphore, #tpu.memory_space<semaphore_mem>>) src(%dma_wait3A_893 : memref<64xf32, #tpu.memory_space<vmem>>) dst(%dma_wait3A_890 : memref<64xf32, #tpu.memory_space<hbm>>)
      %dma_wait3A_894 = arith.constant 10 : i32
      %dma_wait3A_895 = arith.constant 0 : i32
      %dma_wait3A_896 = tpu.memref_slice %arg6[%dma_wait3A_894, %dma_wait3A_895] : memref<20x64xf32, #tpu.memory_space<vmem>> -> memref<1x64xf32, #tpu.memory_space<vmem>>
      %dma_wait3A_897 = tpu.memref_squeeze %dma_wait3A_896 : memref<1x64xf32, #tpu.memory_space<vmem>> -> memref<64xf32, #tpu.memory_space<vmem>>
      %dma_wait3A_898 = arith.constant 640 : i32
      %dma_wait3A_899 = tpu.memref_slice %arg4[%dma_wait3A_898] : memref<1280xf32, #tpu.memory_space<hbm>> -> memref<64xf32, #tpu.memory_space<hbm>>
      %dma_wait3A_900 = arith.constant 640 : i32
      %dma_wait3A_901 = tpu.memref_slice %arg4[%dma_wait3A_900] : memref<1280xf32, #tpu.memory_space<hbm>> -> memref<64xf32, #tpu.memory_space<hbm>>
      %dma_wait3A_902 = arith.constant 0 : i32
      %dma_wait3A_903 = tpu.memref_slice %arg6[%dma_wait3A_894, %dma_wait3A_902] : memref<20x64xf32, #tpu.memory_space<vmem>> -> memref<1x64xf32, #tpu.memory_space<vmem>>
      %dma_wait3A_904 = tpu.memref_squeeze %dma_wait3A_903 : memref<1x64xf32, #tpu.memory_space<vmem>> -> memref<64xf32, #tpu.memory_space<vmem>>
      tpu.wait_dma2 semaphore(%arg7 : memref<!tpu.dma_semaphore, #tpu.memory_space<semaphore_mem>>) src(%dma_wait3A_904 : memref<64xf32, #tpu.memory_space<vmem>>) dst(%dma_wait3A_901 : memref<64xf32, #tpu.memory_space<hbm>>)
      %dma_wait3A_905 = arith.constant 11 : i32
      %dma_wait3A_906 = arith.constant 0 : i32
      %dma_wait3A_907 = tpu.memref_slice %arg6[%dma_wait3A_905, %dma_wait3A_906] : memref<20x64xf32, #tpu.memory_space<vmem>> -> memref<1x64xf32, #tpu.memory_space<vmem>>
      %dma_wait3A_908 = tpu.memref_squeeze %dma_wait3A_907 : memref<1x64xf32, #tpu.memory_space<vmem>> -> memref<64xf32, #tpu.memory_space<vmem>>
      %dma_wait3A_909 = arith.constant 704 : i32
      %dma_wait3A_910 = tpu.memref_slice %arg4[%dma_wait3A_909] : memref<1280xf32, #tpu.memory_space<hbm>> -> memref<64xf32, #tpu.memory_space<hbm>>
      %dma_wait3A_911 = arith.constant 704 : i32
      %dma_wait3A_912 = tpu.memref_slice %arg4[%dma_wait3A_911] : memref<1280xf32, #tpu.memory_space<hbm>> -> memref<64xf32, #tpu.memory_space<hbm>>
      %dma_wait3A_913 = arith.constant 0 : i32
      %dma_wait3A_914 = tpu.memref_slice %arg6[%dma_wait3A_905, %dma_wait3A_913] : memref<20x64xf32, #tpu.memory_space<vmem>> -> memref<1x64xf32, #tpu.memory_space<vmem>>
      %dma_wait3A_915 = tpu.memref_squeeze %dma_wait3A_914 : memref<1x64xf32, #tpu.memory_space<vmem>> -> memref<64xf32, #tpu.memory_space<vmem>>
      tpu.wait_dma2 semaphore(%arg7 : memref<!tpu.dma_semaphore, #tpu.memory_space<semaphore_mem>>) src(%dma_wait3A_915 : memref<64xf32, #tpu.memory_space<vmem>>) dst(%dma_wait3A_912 : memref<64xf32, #tpu.memory_space<hbm>>)
      %dma_wait3A_916 = arith.constant 12 : i32
      %dma_wait3A_917 = arith.constant 0 : i32
      %dma_wait3A_918 = tpu.memref_slice %arg6[%dma_wait3A_916, %dma_wait3A_917] : memref<20x64xf32, #tpu.memory_space<vmem>> -> memref<1x64xf32, #tpu.memory_space<vmem>>
      %dma_wait3A_919 = tpu.memref_squeeze %dma_wait3A_918 : memref<1x64xf32, #tpu.memory_space<vmem>> -> memref<64xf32, #tpu.memory_space<vmem>>
      %dma_wait3A_920 = arith.constant 768 : i32
      %dma_wait3A_921 = tpu.memref_slice %arg4[%dma_wait3A_920] : memref<1280xf32, #tpu.memory_space<hbm>> -> memref<64xf32, #tpu.memory_space<hbm>>
      %dma_wait3A_922 = arith.constant 768 : i32
      %dma_wait3A_923 = tpu.memref_slice %arg4[%dma_wait3A_922] : memref<1280xf32, #tpu.memory_space<hbm>> -> memref<64xf32, #tpu.memory_space<hbm>>
      %dma_wait3A_924 = arith.constant 0 : i32
      %dma_wait3A_925 = tpu.memref_slice %arg6[%dma_wait3A_916, %dma_wait3A_924] : memref<20x64xf32, #tpu.memory_space<vmem>> -> memref<1x64xf32, #tpu.memory_space<vmem>>
      %dma_wait3A_926 = tpu.memref_squeeze %dma_wait3A_925 : memref<1x64xf32, #tpu.memory_space<vmem>> -> memref<64xf32, #tpu.memory_space<vmem>>
      tpu.wait_dma2 semaphore(%arg7 : memref<!tpu.dma_semaphore, #tpu.memory_space<semaphore_mem>>) src(%dma_wait3A_926 : memref<64xf32, #tpu.memory_space<vmem>>) dst(%dma_wait3A_923 : memref<64xf32, #tpu.memory_space<hbm>>)
      %dma_wait3A_927 = arith.constant 13 : i32
      %dma_wait3A_928 = arith.constant 0 : i32
      %dma_wait3A_929 = tpu.memref_slice %arg6[%dma_wait3A_927, %dma_wait3A_928] : memref<20x64xf32, #tpu.memory_space<vmem>> -> memref<1x64xf32, #tpu.memory_space<vmem>>
      %dma_wait3A_930 = tpu.memref_squeeze %dma_wait3A_929 : memref<1x64xf32, #tpu.memory_space<vmem>> -> memref<64xf32, #tpu.memory_space<vmem>>
      %dma_wait3A_931 = arith.constant 832 : i32
      %dma_wait3A_932 = tpu.memref_slice %arg4[%dma_wait3A_931] : memref<1280xf32, #tpu.memory_space<hbm>> -> memref<64xf32, #tpu.memory_space<hbm>>
      %dma_wait3A_933 = arith.constant 832 : i32
      %dma_wait3A_934 = tpu.memref_slice %arg4[%dma_wait3A_933] : memref<1280xf32, #tpu.memory_space<hbm>> -> memref<64xf32, #tpu.memory_space<hbm>>
      %dma_wait3A_935 = arith.constant 0 : i32
      %dma_wait3A_936 = tpu.memref_slice %arg6[%dma_wait3A_927, %dma_wait3A_935] : memref<20x64xf32, #tpu.memory_space<vmem>> -> memref<1x64xf32, #tpu.memory_space<vmem>>
      %dma_wait3A_937 = tpu.memref_squeeze %dma_wait3A_936 : memref<1x64xf32, #tpu.memory_space<vmem>> -> memref<64xf32, #tpu.memory_space<vmem>>
      tpu.wait_dma2 semaphore(%arg7 : memref<!tpu.dma_semaphore, #tpu.memory_space<semaphore_mem>>) src(%dma_wait3A_937 : memref<64xf32, #tpu.memory_space<vmem>>) dst(%dma_wait3A_934 : memref<64xf32, #tpu.memory_space<hbm>>)
      %dma_wait3A_938 = arith.constant 14 : i32
      %dma_wait3A_939 = arith.constant 0 : i32
      %dma_wait3A_940 = tpu.memref_slice %arg6[%dma_wait3A_938, %dma_wait3A_939] : memref<20x64xf32, #tpu.memory_space<vmem>> -> memref<1x64xf32, #tpu.memory_space<vmem>>
      %dma_wait3A_941 = tpu.memref_squeeze %dma_wait3A_940 : memref<1x64xf32, #tpu.memory_space<vmem>> -> memref<64xf32, #tpu.memory_space<vmem>>
      %dma_wait3A_942 = arith.constant 896 : i32
      %dma_wait3A_943 = tpu.memref_slice %arg4[%dma_wait3A_942] : memref<1280xf32, #tpu.memory_space<hbm>> -> memref<64xf32, #tpu.memory_space<hbm>>
      %dma_wait3A_944 = arith.constant 896 : i32
      %dma_wait3A_945 = tpu.memref_slice %arg4[%dma_wait3A_944] : memref<1280xf32, #tpu.memory_space<hbm>> -> memref<64xf32, #tpu.memory_space<hbm>>
      %dma_wait3A_946 = arith.constant 0 : i32
      %dma_wait3A_947 = tpu.memref_slice %arg6[%dma_wait3A_938, %dma_wait3A_946] : memref<20x64xf32, #tpu.memory_space<vmem>> -> memref<1x64xf32, #tpu.memory_space<vmem>>
      %dma_wait3A_948 = tpu.memref_squeeze %dma_wait3A_947 : memref<1x64xf32, #tpu.memory_space<vmem>> -> memref<64xf32, #tpu.memory_space<vmem>>
      tpu.wait_dma2 semaphore(%arg7 : memref<!tpu.dma_semaphore, #tpu.memory_space<semaphore_mem>>) src(%dma_wait3A_948 : memref<64xf32, #tpu.memory_space<vmem>>) dst(%dma_wait3A_945 : memref<64xf32, #tpu.memory_space<hbm>>)
      %dma_wait3A_949 = arith.constant 15 : i32
      %dma_wait3A_950 = arith.constant 0 : i32
      %dma_wait3A_951 = tpu.memref_slice %arg6[%dma_wait3A_949, %dma_wait3A_950] : memref<20x64xf32, #tpu.memory_space<vmem>> -> memref<1x64xf32, #tpu.memory_space<vmem>>
      %dma_wait3A_952 = tpu.memref_squeeze %dma_wait3A_951 : memref<1x64xf32, #tpu.memory_space<vmem>> -> memref<64xf32, #tpu.memory_space<vmem>>
      %dma_wait3A_953 = arith.constant 960 : i32
      %dma_wait3A_954 = tpu.memref_slice %arg4[%dma_wait3A_953] : memref<1280xf32, #tpu.memory_space<hbm>> -> memref<64xf32, #tpu.memory_space<hbm>>
      %dma_wait3A_955 = arith.constant 960 : i32
      %dma_wait3A_956 = tpu.memref_slice %arg4[%dma_wait3A_955] : memref<1280xf32, #tpu.memory_space<hbm>> -> memref<64xf32, #tpu.memory_space<hbm>>
      %dma_wait3A_957 = arith.constant 0 : i32
      %dma_wait3A_958 = tpu.memref_slice %arg6[%dma_wait3A_949, %dma_wait3A_957] : memref<20x64xf32, #tpu.memory_space<vmem>> -> memref<1x64xf32, #tpu.memory_space<vmem>>
      %dma_wait3A_959 = tpu.memref_squeeze %dma_wait3A_958 : memref<1x64xf32, #tpu.memory_space<vmem>> -> memref<64xf32, #tpu.memory_space<vmem>>
      tpu.wait_dma2 semaphore(%arg7 : memref<!tpu.dma_semaphore, #tpu.memory_space<semaphore_mem>>) src(%dma_wait3A_959 : memref<64xf32, #tpu.memory_space<vmem>>) dst(%dma_wait3A_956 : memref<64xf32, #tpu.memory_space<hbm>>)
      %dma_wait3A_960 = arith.constant 16 : i32
      %dma_wait3A_961 = arith.constant 0 : i32
      %dma_wait3A_962 = tpu.memref_slice %arg6[%dma_wait3A_960, %dma_wait3A_961] : memref<20x64xf32, #tpu.memory_space<vmem>> -> memref<1x64xf32, #tpu.memory_space<vmem>>
      %dma_wait3A_963 = tpu.memref_squeeze %dma_wait3A_962 : memref<1x64xf32, #tpu.memory_space<vmem>> -> memref<64xf32, #tpu.memory_space<vmem>>
      %dma_wait3A_964 = arith.constant 1024 : i32
      %dma_wait3A_965 = tpu.memref_slice %arg4[%dma_wait3A_964] : memref<1280xf32, #tpu.memory_space<hbm>> -> memref<64xf32, #tpu.memory_space<hbm>>
      %dma_wait3A_966 = arith.constant 1024 : i32
      %dma_wait3A_967 = tpu.memref_slice %arg4[%dma_wait3A_966] : memref<1280xf32, #tpu.memory_space<hbm>> -> memref<64xf32, #tpu.memory_space<hbm>>
      %dma_wait3A_968 = arith.constant 0 : i32
      %dma_wait3A_969 = tpu.memref_slice %arg6[%dma_wait3A_960, %dma_wait3A_968] : memref<20x64xf32, #tpu.memory_space<vmem>> -> memref<1x64xf32, #tpu.memory_space<vmem>>
      %dma_wait3A_970 = tpu.memref_squeeze %dma_wait3A_969 : memref<1x64xf32, #tpu.memory_space<vmem>> -> memref<64xf32, #tpu.memory_space<vmem>>
      tpu.wait_dma2 semaphore(%arg7 : memref<!tpu.dma_semaphore, #tpu.memory_space<semaphore_mem>>) src(%dma_wait3A_970 : memref<64xf32, #tpu.memory_space<vmem>>) dst(%dma_wait3A_967 : memref<64xf32, #tpu.memory_space<hbm>>)
      %dma_wait3A_971 = arith.constant 17 : i32
      %dma_wait3A_972 = arith.constant 0 : i32
      %dma_wait3A_973 = tpu.memref_slice %arg6[%dma_wait3A_971, %dma_wait3A_972] : memref<20x64xf32, #tpu.memory_space<vmem>> -> memref<1x64xf32, #tpu.memory_space<vmem>>
      %dma_wait3A_974 = tpu.memref_squeeze %dma_wait3A_973 : memref<1x64xf32, #tpu.memory_space<vmem>> -> memref<64xf32, #tpu.memory_space<vmem>>
      %dma_wait3A_975 = arith.constant 1088 : i32
      %dma_wait3A_976 = tpu.memref_slice %arg4[%dma_wait3A_975] : memref<1280xf32, #tpu.memory_space<hbm>> -> memref<64xf32, #tpu.memory_space<hbm>>
      %dma_wait3A_977 = arith.constant 1088 : i32
      %dma_wait3A_978 = tpu.memref_slice %arg4[%dma_wait3A_977] : memref<1280xf32, #tpu.memory_space<hbm>> -> memref<64xf32, #tpu.memory_space<hbm>>
      %dma_wait3A_979 = arith.constant 0 : i32
      %dma_wait3A_980 = tpu.memref_slice %arg6[%dma_wait3A_971, %dma_wait3A_979] : memref<20x64xf32, #tpu.memory_space<vmem>> -> memref<1x64xf32, #tpu.memory_space<vmem>>
      %dma_wait3A_981 = tpu.memref_squeeze %dma_wait3A_980 : memref<1x64xf32, #tpu.memory_space<vmem>> -> memref<64xf32, #tpu.memory_space<vmem>>
      tpu.wait_dma2 semaphore(%arg7 : memref<!tpu.dma_semaphore, #tpu.memory_space<semaphore_mem>>) src(%dma_wait3A_981 : memref<64xf32, #tpu.memory_space<vmem>>) dst(%dma_wait3A_978 : memref<64xf32, #tpu.memory_space<hbm>>)
      %dma_wait3A_982 = arith.constant 18 : i32
      %dma_wait3A_983 = arith.constant 0 : i32
      %dma_wait3A_984 = tpu.memref_slice %arg6[%dma_wait3A_982, %dma_wait3A_983] : memref<20x64xf32, #tpu.memory_space<vmem>> -> memref<1x64xf32, #tpu.memory_space<vmem>>
      %dma_wait3A_985 = tpu.memref_squeeze %dma_wait3A_984 : memref<1x64xf32, #tpu.memory_space<vmem>> -> memref<64xf32, #tpu.memory_space<vmem>>
      %dma_wait3A_986 = arith.constant 1152 : i32
      %dma_wait3A_987 = tpu.memref_slice %arg4[%dma_wait3A_986] : memref<1280xf32, #tpu.memory_space<hbm>> -> memref<64xf32, #tpu.memory_space<hbm>>
      %dma_wait3A_988 = arith.constant 1152 : i32
      %dma_wait3A_989 = tpu.memref_slice %arg4[%dma_wait3A_988] : memref<1280xf32, #tpu.memory_space<hbm>> -> memref<64xf32, #tpu.memory_space<hbm>>
      %dma_wait3A_990 = arith.constant 0 : i32
      %dma_wait3A_991 = tpu.memref_slice %arg6[%dma_wait3A_982, %dma_wait3A_990] : memref<20x64xf32, #tpu.memory_space<vmem>> -> memref<1x64xf32, #tpu.memory_space<vmem>>
      %dma_wait3A_992 = tpu.memref_squeeze %dma_wait3A_991 : memref<1x64xf32, #tpu.memory_space<vmem>> -> memref<64xf32, #tpu.memory_space<vmem>>
      tpu.wait_dma2 semaphore(%arg7 : memref<!tpu.dma_semaphore, #tpu.memory_space<semaphore_mem>>) src(%dma_wait3A_992 : memref<64xf32, #tpu.memory_space<vmem>>) dst(%dma_wait3A_989 : memref<64xf32, #tpu.memory_space<hbm>>)
      %dma_wait3A_993 = arith.constant 19 : i32
      %dma_wait3A_994 = arith.constant 0 : i32
      %dma_wait3A_995 = tpu.memref_slice %arg6[%dma_wait3A_993, %dma_wait3A_994] : memref<20x64xf32, #tpu.memory_space<vmem>> -> memref<1x64xf32, #tpu.memory_space<vmem>>
      %dma_wait3A_996 = tpu.memref_squeeze %dma_wait3A_995 : memref<1x64xf32, #tpu.memory_space<vmem>> -> memref<64xf32, #tpu.memory_space<vmem>>
      %dma_wait3A_997 = arith.constant 1216 : i32
      %dma_wait3A_998 = tpu.memref_slice %arg4[%dma_wait3A_997] : memref<1280xf32, #tpu.memory_space<hbm>> -> memref<64xf32, #tpu.memory_space<hbm>>
      %dma_wait3A_999 = arith.constant 1216 : i32
      %dma_wait3A_1000 = tpu.memref_slice %arg4[%dma_wait3A_999] : memref<1280xf32, #tpu.memory_space<hbm>> -> memref<64xf32, #tpu.memory_space<hbm>>
      %dma_wait3A_1001 = arith.constant 0 : i32
      %dma_wait3A_1002 = tpu.memref_slice %arg6[%dma_wait3A_993, %dma_wait3A_1001] : memref<20x64xf32, #tpu.memory_space<vmem>> -> memref<1x64xf32, #tpu.memory_space<vmem>>
      %dma_wait3A_1003 = tpu.memref_squeeze %dma_wait3A_1002 : memref<1x64xf32, #tpu.memory_space<vmem>> -> memref<64xf32, #tpu.memory_space<vmem>>
      tpu.wait_dma2 semaphore(%arg7 : memref<!tpu.dma_semaphore, #tpu.memory_space<semaphore_mem>>) src(%dma_wait3A_1003 : memref<64xf32, #tpu.memory_space<vmem>>) dst(%dma_wait3A_1000 : memref<64xf32, #tpu.memory_space<hbm>>)
    } else {
    }
    return
  }
}

module attributes {stable_mosaic.version = 14 : i64} {
  func.func @_mlp_body(%arg0: i32, %arg1: memref<1280xf32, #tpu.memory_space<vmem>>, %arg2: memref<128x1280xf32, #tpu.memory_space<vmem>>, %arg3: memref<128xf32, #tpu.memory_space<vmem>>, %arg4: memref<16384x128xf32, #tpu.memory_space<vmem>>, %arg5: memref<16384xf32, #tpu.memory_space<vmem>>, %arg6: memref<1x16384xf32, #tpu.memory_space<vmem>>, %arg7: memref<1x128xf32, #tpu.memory_space<vmem>>) attributes {dimension_semantics = [#tpu.dimension_semantics<arbitrary>], iteration_bounds = array<i64: 7>, scalar_prefetch = 0 : i64, scratch_operands = 1 : i64, tpu.core_type = #tpu.core_type<tc>, window_params = [{pipeline_mode = #tpu.pipeline_mode<synchronous>, transform_indices = @transform_0, window_bounds = array<i64: 1280>}, {pipeline_mode = #tpu.pipeline_mode<synchronous>, transform_indices = @transform_1, window_bounds = array<i64: 128, 1280>}, {pipeline_mode = #tpu.pipeline_mode<synchronous>, transform_indices = @transform_2, window_bounds = array<i64: 128>}, {transform_indices = @transform_3, window_bounds = array<i64: 16384, 128>}, {transform_indices = @transform_4, window_bounds = array<i64: 16384>}, {transform_indices = @transform_5, window_bounds = array<i64: 1, 16384>}]} {
    %eq3A = arith.constant 0 : i32
    %eq3A_0 = arith.cmpi eq, %arg0, %eq3A : i32
    %convert_element_type3A = arith.extui %eq3A_0 : i1 to i32
    %cond3A = arith.constant 0 : i32
    %cond3A_1 = arith.cmpi ne, %convert_element_type3A, %cond3A : i32
    scf.if %cond3A_1 {
      %get3A_12 = arith.constant 0 : index
      %get3A_13 = vector.load %arg1[%get3A_12] : memref<1280xf32, #tpu.memory_space<vmem>>, vector<1280xf32>
      %broadcast_in_dim3A_14 = vector.shape_cast %get3A_13 : vector<1280xf32> to vector<1x1280xf32>
      %get3A_15 = arith.constant 0 : index
      %get3A_16 = arith.constant 0 : index
      %get3A_17 = vector.load %arg2[%get3A_15, %get3A_16] : memref<128x1280xf32, #tpu.memory_space<vmem>>, vector<128x1280xf32>
      %dot_general3A_18 = arith.constant dense<0.000000e+00> : vector<1x128xf32>
      %dot_general3A_19 = tpu.matmul %broadcast_in_dim3A_14, %get3A_17, %dot_general3A_18 {dimension_numbers = #tpu.dot_dimension_numbers<[1], [1], [0], [0], [0, 0, 1, 0], [], []>, transpose_lhs_hint = false} : vector<1x1280xf32>, vector<128x1280xf32>, vector<1x128xf32> -> vector<1x128xf32>
      %get3A_20 = arith.constant 0 : index
      %get3A_21 = vector.load %arg3[%get3A_20] : memref<128xf32, #tpu.memory_space<vmem>>, vector<128xf32>
      %broadcast_in_dim3A_22 = vector.shape_cast %get3A_21 : vector<128xf32> to vector<1x128xf32>
      %add3A_23 = arith.addf %dot_general3A_19, %broadcast_in_dim3A_22 : vector<1x128xf32>
      %max3A = arith.constant 0.000000e+00 : f32
      %max3A_24 = vector.broadcast %max3A : f32 to vector<1x128xf32>
      %max3A_25 = arith.maximumf %add3A_23, %max3A_24 : vector<1x128xf32>
      %swap3A_26 = arith.constant 0 : index
      %swap3A_27 = arith.constant 0 : index
      %swap3A_28 = vector.load %arg7[%swap3A_26, %swap3A_27] : memref<1x128xf32, #tpu.memory_space<vmem>>, vector<1x128xf32>
      tpu.vector_store %arg7[%swap3A_26, %swap3A_27], %max3A_25 {strides = array<i32>} : memref<1x128xf32, #tpu.memory_space<vmem>>, vector<1x128xf32>,
    } else {
    }
    %get3A = arith.constant 0 : index
    %get3A_2 = arith.constant 0 : index
    %get3A_3 = vector.load %arg7[%get3A, %get3A_2] : memref<1x128xf32, #tpu.memory_space<vmem>>, vector<1x128xf32>
    %get3A_4 = arith.constant 0 : index
    %get3A_5 = arith.constant 0 : index
    %get3A_6 = vector.load %arg4[%get3A_4, %get3A_5] : memref<16384x128xf32, #tpu.memory_space<vmem>>, vector<16384x128xf32>
    %dot_general3A = arith.constant dense<0.000000e+00> : vector<1x16384xf32>
    %dot_general3A_7 = tpu.matmul %get3A_3, %get3A_6, %dot_general3A {dimension_numbers = #tpu.dot_dimension_numbers<[1], [1], [0], [0], [0, 0, 1, 0], [], []>, transpose_lhs_hint = false} : vector<1x128xf32>, vector<16384x128xf32>, vector<1x16384xf32> -> vector<1x16384xf32>
    %get3A_8 = arith.constant 0 : index
    %get3A_9 = vector.load %arg5[%get3A_8] : memref<16384xf32, #tpu.memory_space<vmem>>, vector<16384xf32>
    %broadcast_in_dim3A = vector.shape_cast %get3A_9 : vector<16384xf32> to vector<1x16384xf32>
    %add3A = arith.addf %dot_general3A_7, %broadcast_in_dim3A : vector<1x16384xf32>
    %swap3A = arith.constant 0 : index
    %swap3A_10 = arith.constant 0 : index
    %swap3A_11 = vector.load %arg6[%swap3A, %swap3A_10] : memref<1x16384xf32, #tpu.memory_space<vmem>>, vector<1x16384xf32>
    tpu.vector_store %arg6[%swap3A, %swap3A_10], %add3A {strides = array<i32>} : memref<1x16384xf32, #tpu.memory_space<vmem>>, vector<1x16384xf32>,
    return
  }
  func.func @transform_0(%arg0: i32) -> i32 {
    %c0_i32 = arith.constant 0 : i32
    %c0_i32_0 = arith.constant 0 : i32
    return %c0_i32 : i32
  }
  func.func @transform_1(%arg0: i32) -> (i32, i32) {
    %c0_i32 = arith.constant 0 : i32
    %c0_i32_0 = arith.constant 0 : i32
    %c0_i32_1 = arith.constant 0 : i32
    return %c0_i32, %c0_i32_0 : i32, i32
  }
  func.func @transform_2(%arg0: i32) -> i32 {
    %c0_i32 = arith.constant 0 : i32
    %c0_i32_0 = arith.constant 0 : i32
    return %c0_i32 : i32
  }
  func.func @transform_3(%arg0: i32) -> (i32, i32) {
    %c0_i32 = arith.constant 0 : i32
    %c0_i32_0 = arith.constant 0 : i32
    return %arg0, %c0_i32 : i32, i32
  }
  func.func @transform_4(%arg0: i32) -> i32 {
    %c0_i32 = arith.constant 0 : i32
    return %arg0 : i32
  }
  func.func @transform_5(%arg0: i32) -> (i32, i32) {
    %c0_i32 = arith.constant 0 : i32
    %c0_i32_0 = arith.constant 0 : i32
    return %c0_i32, %arg0 : i32, i32
  }
}

</mosaic_0001>

<sc_bundles>
// kernel: kernel.4.cloned.1.call-start
scs
__scs_entry_jumppad:
0x0: {  	(pc) =	sbr.rel $0x88, $3  }
0x1: {  	(tag) =	ssettag $0x0;
	lr =	simm.s32 $0x1  }
0x2: {  	[smem:$0x3F9B] =	sst lr;
	_ =	strace $0xD0000000  }
0x3: {  	_ = 	snop  }
0x4: {  	_ = 	snop  }
0x5: {  	_ = 	snop  }
0x6: {  	_ = 	snop  }
0x7: {  	_ = 	snop  }
__scs_overlays_trampoline_lowered:
0x8: {  	[smem:$0x3FAA] =	sst s0  }
0x9: {  	[smem:$0x3FAB] =	sst s1  }
0xa: {  	[smem:$0x3FAC] =	sst s2  }
0xb: {  	[smem:$0x3FAD] =	sst s3  }
0xc: {  	[smem:$0x3FAE] =	sst s4  }
0xd: {  	[smem:$0x3FAF] =	sst s5  }
0xe: {  	[smem:$0x3FB0] =	sst s6  }
0xf: {  	[smem:$0x3FB1] =	sst s7  }
0x10: {  	[smem:$0x3FB2] =	sst s8  }
0x11: {  	[smem:$0x3FB3] =	sst s9;
	s0 =	simm.s32 @!p0 $0x0  }
0x12: {  	s1 =	sld [smem:$0x3F99];
	s0 =	simm.s32 @p0 $0x1  }
0x13: {  	[smem:$0x3FB4] =	sst s0;
	s0 =	simm.s32 @!p1 $0x0  }
0x14: {  	s2 =	sld [smem:$0x3F98];
	s0 =	simm.s32 @p1 $0x1  }
0x15: {  	[smem:$0x3FB5] =	sst s0;
	s0 =	simm.s32 @!p2 $0x0  }
0x16: {  	s3 =	sld [smem:$0x3FDB];
	s0 =	simm.s32 @p2 $0x1  }
0x17: {  	s4 =	simm.s32 $0x1BF5;
	[smem:$0x3FB7] =	sst s0  }
0x18: {  	s0 =	sld [smem:$0x3F9A];
	_ =	swait.ge [sflag:s4], $0x0  }
0x19: {  	s7 =	sld [smem:$0x3F9B]  }
0x1a: {  	s8 =	sadd.s32 $0xFFFFE003, lr  }
0x1b: {  	s9 =	sadd.s32 $0xFFFFFEF7, lr;
	s5 =	simm.s32 $0xFFFFFFFF;
	p2 =	slt.u32 s8, $0xFFFFF086  }
0x1c: {  	p1 =	slt.u32 s9, $0xF7A;
	s5 =	simm.s32 @!p2 $0x0  }
0x1d: {  	s5 =	simm.s32 @p1 $0x1;
	p0 =	seq.s32 s7, s2  }
0x1e: {  	s7 =	smul.u32 @!p0 $0xF7A, s2;
	p2 =	seq.s32 @!p0 s5, $0x0  }
0x1f: {  	s9 =	smul.u32 $0xF7A, s1;
	s8 =	simm.s32 @!p0 $0x1BF5;
	p2 =	por !p2, p0  }
0x20: {  	[sflag:s8] =	ssyncset.s32 @!p0 $0xFFFFF086;
	s6 =	sadd.s32 @!p0 s3, s7;
	s7 =	simm.s32 @!p0 $0x108  }
0x21: {  	s3 =	sadd.s32 s3, s9;
	s6 =	sadd.s32 @!p0 $0x88, s6;
	s7 =	simm.s32 @p2 $0x1082  }
0x22: {  	[simem:s7], [sflag:s8] =	dma.local @!p0 [hbm:s6], $0xF7A  }
0x23: {  	s9 =	sor.u32 $0xD0000000, s2;
	s6 =	simm.s32 $0x108;
	_ =	swait.ge @!p0 [sflag:s8], $0x0  }
0x24: {  	s3 =	sadd.s32 $0x88, s3;
	s6 =	simm.s32 @!p1 $0x1082;
	[sflag:s4] =	ssyncset.s32 $0xFFFFF086  }
0x25: {  	[simem:s6], [sflag:s4] =	dma.local [hbm:s3], $0xF7A  }
0x26: {  	[smem:$0x3F9B] =	sst s1;
	(tag) =	ssettag s2;
	_ =	strace s9  }
0x27: {  	s1 =	sld [smem:$0x3FAB]  }
0x28: {  	s2 =	sld [smem:$0x3FAC]  }
0x29: {  	s4 =	sld [smem:$0x3FAE]  }
0x2a: {  	p0 =	seq.s32 s5, $0x0;
	s5 =	sld [smem:$0x3FAF]  }
0x2b: {  	s6 =	sld [smem:$0x3FB0]  }
0x2c: {  	s7 =	sld [smem:$0x3FB1]  }
0x2d: {  	s3 =	simm.s32 $0x108;
	s8 =	sld [smem:$0x3FB2]  }
0x2e: {  	s3 =	simm.s32 @!p0 $0x1082;
	s9 =	sld [smem:$0x3FB3]  }
0x2f: {  	lr =	sadd.s32 s0, s3;
	s0 =	sld [smem:$0x3FAA]  }
0x30: {  	s3 =	sld [smem:$0x3FAD]  }
0x31: {  	[smem:$0x3FB6] =	sst s10  }
0x32: {  	s10 =	sld [smem:$0x3FB4];
	_ =	sdelay $0x3  }
0x33: {  	p0 =	seq.s32 s10, $0x1;
	s10 =	sld [smem:$0x3FB6];
	_ =	sdelay $0x3  }
0x34: {  	[smem:$0x3FB6] =	sst s10  }
0x35: {  	s10 =	sld [smem:$0x3FB5];
	_ =	sdelay $0x3  }
0x36: {  	p1 =	seq.s32 s10, $0x1;
	s10 =	sld [smem:$0x3FB6];
	_ =	sdelay $0x3  }
0x37: {  	[smem:$0x3FB6] =	sst s10  }
0x38: {  	s10 =	sld [smem:$0x3FB7]  }
0x39: {  	_ = 	snop;
	(pc) =	sbr.ind lr, $3  }
0x3a: {  	_ = 	snop  }
0x3b: {  	_ = 	snop  }
0x3c: {  	p2 =	seq.s32 s10, $0x1;
	s10 =	sld [smem:$0x3FB6]  }
0x3d: {  	_ =	shalt  }
0x3e: {  	_ =	shalt  }
0x3f: {  	_ =	shalt  }
0x40: {  	_ =	shalt  }
0x41: {  	_ =	shalt  }
0x42: {  	_ =	shalt  }
0x43: {  	_ =	shalt  }
0x44: {  	_ =	shalt  }
0x45: {  	_ =	shalt  }
0x46: {  	_ =	shalt  }
0x47: {  	_ =	shalt  }
0x48: {  	_ =	shalt  }
0x49: {  	_ =	shalt  }
0x4a: {  	_ =	shalt  }
0x4b: {  	_ =	shalt  }
0x4c: {  	_ =	shalt  }
0x4d: {  	_ =	shalt  }
0x4e: {  	_ =	shalt  }
0x4f: {  	_ =	shalt  }
0x50: {  	_ =	shalt  }
0x51: {  	_ =	shalt  }
0x52: {  	_ =	shalt  }
0x53: {  	_ =	shalt  }
0x54: {  	_ =	shalt  }
0x55: {  	_ =	shalt  }
0x56: {  	_ =	shalt  }
0x57: {  	_ =	shalt  }
0x58: {  	_ =	shalt  }
0x59: {  	_ =	shalt  }
0x5a: {  	_ =	shalt  }
0x5b: {  	_ =	shalt  }
0x5c: {  	_ =	shalt  }
0x5d: {  	_ =	shalt  }
0x5e: {  	_ =	shalt  }
0x5f: {  	_ =	shalt  }
0x60: {  	_ =	shalt  }
0x61: {  	_ =	shalt  }
0x62: {  	_ =	shalt  }
0x63: {  	_ =	shalt  }
0x64: {  	_ =	shalt  }
0x65: {  	_ =	shalt  }
0x66: {  	_ =	shalt  }
0x67: {  	_ =	shalt  }
0x68: {  	_ =	shalt  }
0x69: {  	_ =	shalt  }
0x6a: {  	_ =	shalt  }
0x6b: {  	_ =	shalt  }
0x6c: {  	_ =	shalt  }
0x6d: {  	_ =	shalt  }
0x6e: {  	_ =	shalt  }
0x6f: {  	_ =	shalt  }
0x70: {  	_ =	shalt  }
0x71: {  	_ =	shalt  }
0x72: {  	_ =	shalt  }
0x73: {  	_ =	shalt  }
0x74: {  	_ =	shalt  }
0x75: {  	_ =	shalt  }
0x76: {  	_ =	shalt  }
0x77: {  	_ =	shalt  }
0x78: {  	_ =	shalt  }
0x79: {  	_ =	shalt  }
0x7a: {  	_ =	shalt  }
0x7b: {  	_ =	shalt  }
0x7c: {  	_ =	shalt  }
0x7d: {  	_ =	shalt  }
0x7e: {  	_ =	shalt  }
0x7f: {  	_ =	shalt  }
0x80: {  	_ =	shalt  }
0x81: {  	_ =	shalt  }
0x82: {  	_ =	shalt  }
0x83: {  	_ =	shalt  }
0x84: {  	_ =	shalt  }
0x85: {  	_ =	shalt  }
0x86: {  	_ =	shalt  }
0x87: {  	_ =	shalt  }
.Lfunc_end0:
.L_simem_size_0:
called_computation_lowered:
.L_overlay_start_0:
0x88: {  	s2 =	sld [smem:$0x3FD9]  }
0x89: {  	s3 =	sld [smem:$0x3FFE];
	_ =	sdelay $0x1  }
0x8a: {  	s1 =	srdreg.scid  }
0x8b: {  	s0 =	sand.u32 $0x1, s1  }
0x8c: {  	s17 =	sshll.u32 s0, $0xA;
	s2 =	sadd.s32 s3, s2  }
0x8d: {  	s2 =	sadd.s32 s2, s17  }
0x8e: {  	[smem:$0x3FC2] =	sst s2  }
0x8f: {  	_ = 	snop  }
0x90: {  	s2 =	sld [smem:$0x3FC9]  }
0x91: {  	s18 =	sld [smem:$0x3FD0];
	(tm) =	ssettm $0x1  }
0x92: {  	s4 =	sld [smem:$0x3FFB];
	_ =	sdelay $0x3  }
0x93: {  	_ =	strace s4  }
0x94: {  	s4 =	sld [smem:$0x3FFC];
	_ =	sdelay $0x3  }
0x95: {  	_ =	strace s4  }
0x96: {  	s4 =	sld [smem:$0x3FFD];
	_ =	sdelay $0x3  }
0x97: {  	_ =	strace s4  }
0x98: {  	_ =	strace $0x8FFFFFFF  }
0x99: {  	s19 =	sld [smem:$0x3FDB];
	_ =	sdelay $0x1  }
0x9a: {  	s5 =	simm.s32 $_scs_section_size  }
0x9b: {  	s6 =	simm.s32 $_size__tile_overlayer_lowered;
	s7 =	simm.s32 $_tile_overlayer_lowered  }
0x9c: {  	s22 =	simm.s32 $0x1BFF;
	s21 =	sshll.u32 s7, $0x1;
	s4 =	sadd.s32 s5, s19  }
0x9d: {  	s8 =	simm.s32 $0x0;
	s20 =	sshll.u32 s6, $0x1;
	s6 =	sadd.s32 s21, s4  }
0x9e: {  	[timem:s8], [sflag:s22] =	dma.local [hbm:s6], s20  }
0x9f: {  	_ =	swait.ge [sflag:s22], s20  }
0xa0: {  	s5 =	ssub.s32 $0x0, s20;
	[sflag:s22] =	ssyncset.done $0x0  }
0xa1: {  	[sflag:s22] =	ssyncadd.s32 s5;
	_ =	sdelay $0x1  }
0xa2: {  	s23 =	simm.s32 $0x1B8B  }
0xa3: {  	_ =	swait.ge [sflag:s23], $0x1  }
0xa4: {  	[sflag:s23] =	ssyncset.done $0x0  }
0xa5: {  	s25 =	simm.s32 $0x1B8E;
	s24 =	sld [smem:$0x3FFE];
	[sflag:s23] =	ssyncadd.s32 $0xFFFFFFFF  }
0xa6: {  	s26 =	simm.s32 $execute0_lowered;
	[smem:$0x3FD2] =	sst s25  }
0xa7: {  	s6 =	sshll.u32 s26, $0x1;
	_ =	strace $0x80000046;
	[dreg:$0x1] =	wrdreg $0xFFFFFFFF  }
0xa8: {  	s28 =	simm.s32 $_size_execute0_lowered;
	s4 =	sadd.s32 s4, s6;
	[dreg:$0x0] =	wrdreg $0x0  }
0xa9: {  	s6 =	sshll.u32 s28, $0x1;
	[dreg:$0x2] =	wrdreg s4  }
0xaa: {  	[dreg:$0x3] =	wrdreg s6  }
0xab: {  	[dreg:$0x4] =	wrdreg $0xC0  }
0xac: {  	_ =	task [dreg:s8], $0x5FFFF  }
0xad: {  	[dreg:$0x1] =	wrdreg $0xFFFFFFFF  }
0xae: {  	[dreg:$0x0] =	wrdreg $0x60  }
0xaf: {  	[dreg:$0x2] =	wrdreg s24  }
0xb0: {  	[dreg:$0x3] =	wrdreg s2  }
0xb1: {  	[dreg:$0x4] =	wrdreg s18  }
0xb2: {  	[dreg:$0x5] =	wrdreg $0x9  }
0xb3: {  	_ =	task.clear_ibuf [dreg:s8], $0x6FFFF;
	_ =	strace $0x90000046  }
0xb4: {  	s29 =	simm.s32 $0x9;
	_ =	strace $0x80000048  }
0xb5: {  	_ =	swait.ge [sflag:s29], $0x1  }
0xb6: {  	[sflag:s29] =	ssyncadd.s32 $0xFFFFFFFF  }
0xb7: {  	_ =	strace $0x90000048  }
0xb8: {  	_ =	sfence  }
0xb9: {  	s30 =	sld [smem:$0x0];
	_ =	sdelay $0x2  }
0xba: {  	s31 =	sshll.u32 s1, $0xD;
	s1 =	sshrl.u32 s1, $0x2  }
0xbb: {  	s3 =	sand.u32 $0x4000, s31;
	s1 =	sadd.s32 s1, s30  }
0xbc: {  	s0 =	sor.u32 s3, s0;
	s1 =	sshll.u32 s1, $0x11  }
0xbd: {  	s0 =	sor.u32 s1, s0  }
0xbe: {  	s0 =	sadd.s32 $0x8F2B, s0  }
0xbf: {  	[sflag:s0] =	ssyncadd.remote.s32 $0x1  }
0xc0: {  	_ =	sfence.sel $0xFFFF  }
0xc1: {  	[dreg:$0x0] =	wrdreg $0xFFFFFFFF;
	(pc) =	sbr.abs _section_cstart, $3  }
0xc2: {  	[dreg:$0x1] =	wrdreg $0xFFFFFFFF  }
0xc3: {  	_ =	task.clear_ibuf [dreg:s8], $0x2FFFF;
	_ =	strace $0x9FFFFFFF  }
0xc4: {  	(tm) =	ssettm $0x7FFFFFFF  }
0xc5: {  	_ =	shalt  }
tec
execute0_lowered:
.L_overlay_start_1:
0x0: {  	(tag) =	ssettag $0x1  }
0x1: {  	s1 =	srdreg.scid  }
0x2: {  	s5 =	sand.u32 $0x1, s1;
	s1 =	stileid.u32  }
0x3: {  	s6 =	sshll.u32 s1, $0x1;
	s7 =	ssub.s32 $0x0, s5  }
0x4: {  	s3 =	rddreg [dreg:$0x0];
	p0 =	sne.s32 s6, s7  }
.Ltmp0:
0x5: {  	s0 =	rddreg [dreg:$0x1];
	(pc) =	sbr.rel @p0 .LBB2_7-.Ltmp0, $4  }
0x6: {  	s4 =	rddreg [dreg:$0x2]  }
0x7: {  	s2 =	simm.s32 $0x0;
	[dreg:$0x4] =	wrdreg s0  }
0x8: {  	[smem:$0x7FF] =	sst s2  }
0x9: {  	s31 =	rddreg [dreg:$0x3];
	_ =	strace $0x80000047  }
0xa: {  	s6 =	sadd.s32 $0x8, s4  }
0xb: {  	s7 =	sadd.s32 $0x10, s4;
	[dreg:$0x5] =	wrdreg s6  }
0xc: {  	s8 =	sadd.s32 $0x18, s4;
	[dreg:$0x6] =	wrdreg s7  }
0xd: {  	s9 =	sadd.s32 $0x20, s4;
	[dreg:$0x7] =	wrdreg s8  }
0xe: {  	s10 =	sadd.s32 $0x28, s4;
	[dreg:$0x8] =	wrdreg s9  }
0xf: {  	s11 =	sadd.s32 $0x30, s4;
	[dreg:$0x9] =	wrdreg s10  }
0x10: {  	s12 =	sadd.s32 $0x38, s4;
	[dreg:$0xa] =	wrdreg s11  }
0x11: {  	s13 =	sadd.s32 $0x40, s4;
	[dreg:$0xb] =	wrdreg s12  }
0x12: {  	s14 =	sadd.s32 $0x48, s4;
	[dreg:$0xc] =	wrdreg s13  }
0x13: {  	s15 =	sadd.s32 $0x50, s4;
	[dreg:$0xd] =	wrdreg s14  }
0x14: {  	s16 =	sadd.s32 $0x58, s4;
	[dreg:$0xe] =	wrdreg s15  }
0x15: {  	s17 =	sadd.s32 $0x60, s4;
	[dreg:$0xf] =	wrdreg s16  }
0x16: {  	s18 =	sadd.s32 $0x68, s4;
	[dreg:$0x10] =	wrdreg s17  }
0x17: {  	s19 =	sadd.s32 $0x70, s4;
	[dreg:$0x11] =	wrdreg s18  }
0x18: {  	s20 =	sadd.s32 $0x78, s4;
	s25 =	sadd.s32 $0xC00, s3;
	[dreg:$0x12] =	wrdreg s19  }
0x19: {  	s21 =	sadd.s32 $0x80, s4;
	s22 =	sadd.s32 $0x88, s4;
	[dreg:$0x13] =	wrdreg s20  }
0x1a: {  	s5 =	ssub.s32 $0x2, s5;
	s23 =	sadd.s32 $0x90, s4;
	[dreg:$0x14] =	wrdreg s21  }
0x1b: {  	s26 =	sadd.s32 $0x98, s4;
	s3 =	simm.s32 $0x1;
	[dreg:$0x15] =	wrdreg s22  }
0x1c: {  	p0 =	por $0x0, $0x0;
	s24 =	sshrl.u32 s5, $0x1;
	[dreg:$0x16] =	wrdreg s23  }
0x1d: {  	[dreg:$0x17] =	wrdreg s26;
	s26 =	simm.s32 $0x2;
	s23 =	simm.s32 $0x100  }
0x1e: {  	s22 =	simm.s32 $0x180;
	s21 =	simm.s32 $0x200;
	s5 =	ssub.s32 s5, s24  }
0x1f: {  	s20 =	simm.s32 $0x280;
	s19 =	simm.s32 $0x300;
	s28 =	smax.u32 s5, $0x1  }
0x20: {  	s18 =	simm.s32 $0x380;
	s17 =	simm.s32 $0x400;
	p1 =	sne.s32 s28, $0x1  }
.Ltmp1:
0x21: {  	s16 =	simm.s32 $0x480;
	s15 =	simm.s32 $0x500;
	(pc) =	sbr.rel @!p1 .LBB2_6-.Ltmp1, $4  }
0x22: {  	s14 =	simm.s32 $0x580;
	s13 =	simm.s32 $0x600;
	s12 =	simm.s32 $0x680  }
0x23: {  	s11 =	simm.s32 $0x700;
	s10 =	simm.s32 $0x780;
	s9 =	simm.s32 $0x800  }
0x24: {  	s8 =	simm.s32 $0x880;
	s7 =	simm.s32 $0x900;
	s6 =	simm.s32 $0xA00  }
0x25: {  	s24 =	simm.s32 $0x80;
	s5 =	simm.s32 $0x980;
	s28 =	sadd.s32 $0xFFFFFFFF, s28  }
0x26: {  	s29 =	rddreg [dreg:$0x4]  }
0x27: {  	[tilespmem:s2], [sflag:$0x2] =	stream.linear.gather [hbm4b:s29+s2], $0x14, $0x38;
	[tilespmem:$0xC80] =	vst v63  }
0x28: {  	_ =	swait.ge [sflag:s26], $0x14  }
0x29: {  	[sflag:s26] =	ssyncset.done $0x0  }
0x2a: {  	[sflag:s26] =	ssyncadd.s32 $0xFFFFFFEC  }
0x2b: {  	v0 =	vld [tilespmem:$0x10]  }
0x2c: {  	v1 =	vld [tilespmem:$0x0];
	_ =	sdelay $0x3  }
0x2d: {  	v0 =	vshll.u32 v0, $0x4  }
0x2e: {  	v1 =	vshll.u32 v1, $0x4;
	(v2sf) =	vpush v0, $0x0  }
0x2f: {  	(v2sf) =	vpush v1, $0x0;
	_ =	sdelay $0x7  }
0x30: {  	(v2sf) =	vpush v1, $0x1  }
0x31: {  	(v2sf) =	vpush v1, $0x2  }
0x32: {  	p1 =	sne.s32 s28, $0x1;
	(v2sf) =	vpush v1, $0x3  }
.Ltmp2:
0x33: {  	(v2sf) =	vpush v1, $0x4;
	(pc) =	sbr.rel @!p1 .LBB2_3-.Ltmp2, $4  }
0x34: {  	(v2sf) =	vpush v1, $0x5  }
0x35: {  	(v2sf) =	vpush v1, $0x6  }
0x36: {  	s28 =	sadd.s32 $0xFFFFFFFF, s28;
	(v2sf) =	vpush v1, $0x7;
	s29 =	spop (v2sf)  }
0x37: {  	p0 =	por $0x1, $0x1;
	(v2sf) =	vpush v1, $0x8;
	s29 =	sand.u32 $0x1FFFFFF0, s29;
	s30 =	spop (v2sf)  }
.LBB2_4:
0x38: {  	_ =	sdelay $0x5  }
0x39: {  	s30 =	sand.u32 $0x1FFFFFF0, s30  }
0x3a: {  	s30 =	sadd.s32 s25, s30;
	s31 =	spop (v2sf);
	(v2sf) =	vpush v1, $0x9  }
0x3b: {  	[tilespmem:s24], [sflag:$0x1] =	stream.linear.gather [hbm4b:s30+s2], $0x80, $0x38;
	[tilespmem:$0xC80] =	vst v63  }
0x3c: {  	s31 =	sand.u32 $0x1FFFFFF0, s31;
	s0 =	spop (v2sf);
	(v2sf) =	vpush v1, $0xA  }
0x3d: {  	s30 =	sadd.s32 s25, s31;
	s0 =	sand.u32 $0x1FFFFFF0, s0;
	s31 =	spop (v2sf)  }
0x3e: {  	(v2sf) =	vpush v1, $0xB;
	[tilespmem:s23], [sflag:$0x1] =	stream.linear.gather [hbm4b:s30+s2], $0x80, $0x38;
	[tilespmem:$0xC80] =	vst v63  }
0x3f: {  	s0 =	sadd.s32 s25, s0;
	s30 =	sand.u32 $0x1FFFFFF0, s31;
	s31 =	spop (v2sf)  }
0x40: {  	(v2sf) =	vpush v1, $0xC;
	[tilespmem:s22], [sflag:$0x1] =	stream.linear.gather [hbm4b:s0+s2], $0x80, $0x38;
	[tilespmem:$0xC80] =	vst v63  }
0x41: {  	s0 =	sadd.s32 s25, s30;
	s30 =	sand.u32 $0x1FFFFFF0, s31;
	s31 =	spop (v2sf)  }
0x42: {  	(v2sf) =	vpush v1, $0xD;
	[tilespmem:s21], [sflag:$0x1] =	stream.linear.gather [hbm4b:s0+s2], $0x80, $0x38;
	[tilespmem:$0xC80] =	vst v63  }
0x43: {  	s0 =	sadd.s32 s25, s30;
	s30 =	sand.u32 $0x1FFFFFF0, s31;
	s31 =	spop (v2sf)  }
0x44: {  	(v2sf) =	vpush v1, $0xE;
	[tilespmem:s20], [sflag:$0x1] =	stream.linear.gather [hbm4b:s0+s2], $0x80, $0x38;
	[tilespmem:$0xC80] =	vst v63  }
0x45: {  	s0 =	sadd.s32 s25, s30;
	s30 =	sand.u32 $0x1FFFFFF0, s31;
	s31 =	spop (v2sf)  }
0x46: {  	(v2sf) =	vpush v1, $0xF;
	[tilespmem:s19], [sflag:$0x1] =	stream.linear.gather [hbm4b:s0+s2], $0x80, $0x38;
	[tilespmem:$0xC80] =	vst v63  }
0x47: {  	s0 =	sadd.s32 s25, s30;
	s30 =	sand.u32 $0x1FFFFFF0, s31;
	s31 =	spop (v2sf)  }
0x48: {  	(v2sf) =	vpush v0, $0x1;
	[tilespmem:s18], [sflag:$0x1] =	stream.linear.gather [hbm4b:s0+s2], $0x80, $0x38;
	[tilespmem:$0xC80] =	vst v63  }
0x49: {  	s0 =	sadd.s32 s25, s30;
	s30 =	sand.u32 $0x1FFFFFF0, s31;
	s31 =	spop (v2sf)  }
0x4a: {  	[tilespmem:s17], [sflag:$0x1] =	stream.linear.gather [hbm4b:s0+s2], $0x80, $0x38;
	[tilespmem:$0xC80] =	vst v63  }
0x4b: {  	s0 =	sadd.s32 s25, s30;
	s30 =	sand.u32 $0x1FFFFFF0, s31;
	s31 =	spop (v2sf)  }
0x4c: {  	(v2sf) =	vpush v0, $0x2;
	[tilespmem:s16], [sflag:$0x1] =	stream.linear.gather [hbm4b:s0+s2], $0x80, $0x38;
	[tilespmem:$0xC80] =	vst v63  }
0x4d: {  	s0 =	sadd.s32 s25, s30;
	s30 =	sand.u32 $0x1FFFFFF0, s31;
	s31 =	spop (v2sf)  }
0x4e: {  	(v2sf) =	vpush v0, $0x3;
	[tilespmem:s15], [sflag:$0x1] =	stream.linear.gather [hbm4b:s0+s2], $0x80, $0x38;
	[tilespmem:$0xC80] =	vst v63  }
0x4f: {  	s0 =	sadd.s32 s25, s30;
	s30 =	sand.u32 $0x1FFFFFF0, s31;
	s31 =	spop (v2sf)  }
0x50: {  	[tilespmem:s14], [sflag:$0x1] =	stream.linear.gather [hbm4b:s0+s2], $0x80, $0x38;
	[tilespmem:$0xC80] =	vst v63  }
0x51: {  	s0 =	sadd.s32 s25, s30;
	s30 =	sand.u32 $0x1FFFFFF0, s31;
	s31 =	spop (v2sf)  }
0x52: {  	[tilespmem:s13], [sflag:$0x1] =	stream.linear.gather [hbm4b:s0+s2], $0x80, $0x38;
	[tilespmem:$0xC80] =	vst v63  }
0x53: {  	s0 =	sadd.s32 s25, s30;
	s30 =	sand.u32 $0x1FFFFFF0, s31;
	s31 =	spop (v2sf)  }
0x54: {  	[tilespmem:s12], [sflag:$0x1] =	stream.linear.gather [hbm4b:s0+s2], $0x80, $0x38;
	[tilespmem:$0xC80] =	vst v63  }
0x55: {  	s0 =	sadd.s32 s25, s30;
	s30 =	sand.u32 $0x1FFFFFF0, s31;
	s31 =	spop (v2sf)  }
0x56: {  	[tilespmem:s11], [sflag:$0x1] =	stream.linear.gather [hbm4b:s0+s2], $0x80, $0x38;
	[tilespmem:$0xC80] =	vst v63  }
0x57: {  	s0 =	sadd.s32 s25, s30;
	s30 =	sand.u32 $0x1FFFFFF0, s31;
	s31 =	spop (v2sf)  }
0x58: {  	[tilespmem:s10], [sflag:$0x1] =	stream.linear.gather [hbm4b:s0+s2], $0x80, $0x38;
	[tilespmem:$0xC80] =	vst v63  }
0x59: {  	s0 =	sadd.s32 s25, s30;
	s30 =	sand.u32 $0x1FFFFFF0, s31  }
0x5a: {  	[tilespmem:s9], [sflag:$0x1] =	stream.linear.gather [hbm4b:s0+s2], $0x80, $0x38;
	[tilespmem:$0xC80] =	vst v63  }
0x5b: {  	s29 =	sadd.s32 s25, s29;
	s31 =	sadd.s32 s25, s30;
	s30 =	spop (v2sf)  }
0x5c: {  	[tilespmem:s8], [sflag:$0x1] =	stream.linear.gather [hbm4b:s29+s2], $0x80, $0x38;
	[tilespmem:$0xC80] =	vst v63  }
0x5d: {  	s29 =	sand.u32 $0x1FFFFFF0, s30;
	s30 =	spop (v2sf)  }
0x5e: {  	[tilespmem:s7], [sflag:$0x1] =	stream.linear.gather [hbm4b:s31+s2], $0x80, $0x38;
	[tilespmem:$0xC80] =	vst v63  }
0x5f: {  	s31 =	sadd.s32 s25, s29;
	s29 =	sand.u32 $0x1FFFFFF0, s30  }
0x60: {  	[tilespmem:s5], [sflag:$0x1] =	stream.linear.gather [hbm4b:s31+s2], $0x80, $0x38;
	[tilespmem:$0xC80] =	vst v63  }
0x61: {  	s31 =	sadd.s32 s25, s29  }
0x62: {  	[tilespmem:s6], [sflag:$0x1] =	stream.linear.gather [hbm4b:s31+s2], $0x80, $0x38;
	[tilespmem:$0xC80] =	vst v63  }
0x63: {  	_ =	swait.ge [sflag:s3], $0x80  }
0x64: {  	[sflag:s3] =	ssyncset.done $0x0  }
0x65: {  	[sflag:s3] =	ssyncadd.s32 $0xFFFFFF80  }
0x66: {  	_ =	swait.ge [sflag:s3], $0x80  }
0x67: {  	[sflag:s3] =	ssyncset.done $0x0  }
0x68: {  	[sflag:s3] =	ssyncadd.s32 $0xFFFFFF80  }
0x69: {  	_ =	swait.ge [sflag:s3], $0x80  }
0x6a: {  	[sflag:s3] =	ssyncset.done $0x0  }
0x6b: {  	[sflag:s3] =	ssyncadd.s32 $0xFFFFFF80  }
0x6c: {  	_ =	swait.ge [sflag:s3], $0x80  }
0x6d: {  	[sflag:s3] =	ssyncset.done $0x0  }
0x6e: {  	[sflag:s3] =	ssyncadd.s32 $0xFFFFFF80  }
0x6f: {  	_ =	swait.ge [sflag:s3], $0x80  }
0x70: {  	[sflag:s3] =	ssyncset.done $0x0  }
0x71: {  	[sflag:s3] =	ssyncadd.s32 $0xFFFFFF80  }
0x72: {  	_ =	swait.ge [sflag:s3], $0x80  }
0x73: {  	[sflag:s3] =	ssyncset.done $0x0  }
0x74: {  	[sflag:s3] =	ssyncadd.s32 $0xFFFFFF80  }
0x75: {  	_ =	swait.ge [sflag:s3], $0x80  }
0x76: {  	[sflag:s3] =	ssyncset.done $0x0  }
0x77: {  	[sflag:s3] =	ssyncadd.s32 $0xFFFFFF80  }
0x78: {  	_ =	swait.ge [sflag:s3], $0x80  }
0x79: {  	[sflag:s3] =	ssyncset.done $0x0  }
0x7a: {  	[sflag:s3] =	ssyncadd.s32 $0xFFFFFF80  }
0x7b: {  	_ =	swait.ge [sflag:s3], $0x80  }
0x7c: {  	[sflag:s3] =	ssyncset.done $0x0  }
0x7d: {  	[sflag:s3] =	ssyncadd.s32 $0xFFFFFF80  }
0x7e: {  	_ =	swait.ge [sflag:s3], $0x80  }
0x7f: {  	[sflag:s3] =	ssyncset.done $0x0  }
0x80: {  	[sflag:s3] =	ssyncadd.s32 $0xFFFFFF80  }
0x81: {  	_ =	swait.ge [sflag:s3], $0x80  }
0x82: {  	[sflag:s3] =	ssyncset.done $0x0  }
0x83: {  	[sflag:s3] =	ssyncadd.s32 $0xFFFFFF80  }
0x84: {  	_ =	swait.ge [sflag:s3], $0x80  }
0x85: {  	[sflag:s3] =	ssyncset.done $0x0  }
0x86: {  	[sflag:s3] =	ssyncadd.s32 $0xFFFFFF80  }
0x87: {  	_ =	swait.ge [sflag:s3], $0x80  }
0x88: {  	[sflag:s3] =	ssyncset.done $0x0  }
0x89: {  	[sflag:s3] =	ssyncadd.s32 $0xFFFFFF80  }
0x8a: {  	_ =	swait.ge [sflag:s3], $0x80  }
0x8b: {  	[sflag:s3] =	ssyncset.done $0x0  }
0x8c: {  	[sflag:s3] =	ssyncadd.s32 $0xFFFFFF80  }
0x8d: {  	_ =	swait.ge [sflag:s3], $0x80  }
0x8e: {  	[sflag:s3] =	ssyncset.done $0x0  }
0x8f: {  	[sflag:s3] =	ssyncadd.s32 $0xFFFFFF80  }
0x90: {  	_ =	swait.ge [sflag:s3], $0x80  }
0x91: {  	[sflag:s3] =	ssyncset.done $0x0  }
0x92: {  	[sflag:s3] =	ssyncadd.s32 $0xFFFFFF80  }
0x93: {  	_ =	swait.ge [sflag:s3], $0x80  }
0x94: {  	[sflag:s3] =	ssyncset.done $0x0  }
0x95: {  	[sflag:s3] =	ssyncadd.s32 $0xFFFFFF80  }
0x96: {  	_ =	swait.ge [sflag:s3], $0x80  }
0x97: {  	[sflag:s3] =	ssyncset.done $0x0  }
0x98: {  	[sflag:s3] =	ssyncadd.s32 $0xFFFFFF80  }
0x99: {  	_ =	swait.ge [sflag:s3], $0x80  }
0x9a: {  	[sflag:s3] =	ssyncset.done $0x0  }
0x9b: {  	[sflag:s3] =	ssyncadd.s32 $0xFFFFFF80  }
0x9c: {  	_ =	swait.ge [sflag:s3], $0x80  }
0x9d: {  	[sflag:s3] =	ssyncset.done $0x0  }
0x9e: {  	[sflag:s3] =	ssyncadd.s32 $0xFFFFFF80  }
0x9f: {  	[hbm4b:s4+s2] =	stream.linear.scatter [tilespmem:s24], [sflag:$0x1], $0x40, $0x38;
	[tilespmem:$0xC80] =	vst v63  }
0xa0: {  	s31 =	rddreg [dreg:$0x5]  }
0xa1: {  	[hbm4b:s31+s2] =	stream.linear.scatter [tilespmem:s23], [sflag:$0x1], $0x40, $0x38;
	[tilespmem:$0xC80] =	vst v63  }
0xa2: {  	s29 =	rddreg [dreg:$0x6]  }
0xa3: {  	[hbm4b:s29+s2] =	stream.linear.scatter [tilespmem:s22], [sflag:$0x1], $0x40, $0x38;
	[tilespmem:$0xC80] =	vst v63  }
0xa4: {  	s30 =	rddreg [dreg:$0x7]  }
0xa5: {  	[hbm4b:s30+s2] =	stream.linear.scatter [tilespmem:s21], [sflag:$0x1], $0x40, $0x38;
	[tilespmem:$0xC80] =	vst v63  }
0xa6: {  	s31 =	rddreg [dreg:$0x8]  }
0xa7: {  	[hbm4b:s31+s2] =	stream.linear.scatter [tilespmem:s20], [sflag:$0x1], $0x40, $0x38;
	[tilespmem:$0xC80] =	vst v63  }
0xa8: {  	s29 =	rddreg [dreg:$0x9]  }
0xa9: {  	[hbm4b:s29+s2] =	stream.linear.scatter [tilespmem:s19], [sflag:$0x1], $0x40, $0x38;
	[tilespmem:$0xC80] =	vst v63  }
0xaa: {  	s30 =	rddreg [dreg:$0xa]  }
0xab: {  	[hbm4b:s30+s2] =	stream.linear.scatter [tilespmem:s18], [sflag:$0x1], $0x40, $0x38;
	[tilespmem:$0xC80] =	vst v63  }
0xac: {  	s31 =	rddreg [dreg:$0xb]  }
0xad: {  	[hbm4b:s31+s2] =	stream.linear.scatter [tilespmem:s17], [sflag:$0x1], $0x40, $0x38;
	[tilespmem:$0xC80] =	vst v63  }
0xae: {  	s29 =	rddreg [dreg:$0xc]  }
0xaf: {  	[hbm4b:s29+s2] =	stream.linear.scatter [tilespmem:s16], [sflag:$0x1], $0x40, $0x38;
	[tilespmem:$0xC80] =	vst v63  }
0xb0: {  	s30 =	rddreg [dreg:$0xd]  }
0xb1: {  	[hbm4b:s30+s2] =	stream.linear.scatter [tilespmem:s15], [sflag:$0x1], $0x40, $0x38;
	[tilespmem:$0xC80] =	vst v63  }
0xb2: {  	s31 =	rddreg [dreg:$0xe]  }
0xb3: {  	[hbm4b:s31+s2] =	stream.linear.scatter [tilespmem:s14], [sflag:$0x1], $0x40, $0x38;
	[tilespmem:$0xC80] =	vst v63  }
0xb4: {  	s29 =	rddreg [dreg:$0xf]  }
0xb5: {  	[hbm4b:s29+s2] =	stream.linear.scatter [tilespmem:s13], [sflag:$0x1], $0x40, $0x38;
	[tilespmem:$0xC80] =	vst v63  }
0xb6: {  	s30 =	rddreg [dreg:$0x10]  }
0xb7: {  	[hbm4b:s30+s2] =	stream.linear.scatter [tilespmem:s12], [sflag:$0x1], $0x40, $0x38;
	[tilespmem:$0xC80] =	vst v63  }
0xb8: {  	s31 =	rddreg [dreg:$0x11]  }
0xb9: {  	[hbm4b:s31+s2] =	stream.linear.scatter [tilespmem:s11], [sflag:$0x1], $0x40, $0x38;
	[tilespmem:$0xC80] =	vst v63  }
0xba: {  	s29 =	rddreg [dreg:$0x12]  }
0xbb: {  	[hbm4b:s29+s2] =	stream.linear.scatter [tilespmem:s10], [sflag:$0x1], $0x40, $0x38;
	[tilespmem:$0xC80] =	vst v63  }
0xbc: {  	s30 =	rddreg [dreg:$0x13]  }
0xbd: {  	[hbm4b:s30+s2] =	stream.linear.scatter [tilespmem:s9], [sflag:$0x1], $0x40, $0x38;
	[tilespmem:$0xC80] =	vst v63  }
0xbe: {  	s31 =	rddreg [dreg:$0x14]  }
0xbf: {  	[hbm4b:s31+s2] =	stream.linear.scatter [tilespmem:s8], [sflag:$0x1], $0x40, $0x38;
	[tilespmem:$0xC80] =	vst v63  }
0xc0: {  	s29 =	rddreg [dreg:$0x15]  }
0xc1: {  	[hbm4b:s29+s2] =	stream.linear.scatter [tilespmem:s7], [sflag:$0x1], $0x40, $0x38;
	[tilespmem:$0xC80] =	vst v63  }
0xc2: {  	s30 =	rddreg [dreg:$0x16]  }
0xc3: {  	[hbm4b:s30+s2] =	stream.linear.scatter [tilespmem:s5], [sflag:$0x1], $0x40, $0x38;
	[tilespmem:$0xC80] =	vst v63  }
0xc4: {  	s31 =	rddreg [dreg:$0x17]  }
0xc5: {  	[hbm4b:s31+s2] =	stream.linear.scatter [tilespmem:s6], [sflag:$0x1], $0x40, $0x38;
	[tilespmem:$0xC80] =	vst v63  }
0xc6: {  	_ =	swait.ge [sflag:s3], $0x40  }
0xc7: {  	[sflag:s3] =	ssyncset.done $0x0  }
0xc8: {  	[sflag:s3] =	ssyncadd.s32 $0xFFFFFFC0  }
0xc9: {  	_ =	swait.ge [sflag:s3], $0x40  }
0xca: {  	[sflag:s3] =	ssyncset.done $0x0  }
0xcb: {  	[sflag:s3] =	ssyncadd.s32 $0xFFFFFFC0  }
0xcc: {  	_ =	swait.ge [sflag:s3], $0x40  }
0xcd: {  	[sflag:s3] =	ssyncset.done $0x0  }
0xce: {  	[sflag:s3] =	ssyncadd.s32 $0xFFFFFFC0  }
0xcf: {  	_ =	swait.ge [sflag:s3], $0x40  }
0xd0: {  	[sflag:s3] =	ssyncset.done $0x0  }
0xd1: {  	[sflag:s3] =	ssyncadd.s32 $0xFFFFFFC0  }
0xd2: {  	_ =	swait.ge [sflag:s3], $0x40  }
0xd3: {  	[sflag:s3] =	ssyncset.done $0x0  }
0xd4: {  	[sflag:s3] =	ssyncadd.s32 $0xFFFFFFC0  }
0xd5: {  	_ =	swait.ge [sflag:s3], $0x40  }
0xd6: {  	[sflag:s3] =	ssyncset.done $0x0  }
0xd7: {  	[sflag:s3] =	ssyncadd.s32 $0xFFFFFFC0  }
0xd8: {  	_ =	swait.ge [sflag:s3], $0x40  }
0xd9: {  	[sflag:s3] =	ssyncset.done $0x0  }
0xda: {  	[sflag:s3] =	ssyncadd.s32 $0xFFFFFFC0  }
0xdb: {  	_ =	swait.ge [sflag:s3], $0x40  }
0xdc: {  	[sflag:s3] =	ssyncset.done $0x0  }
0xdd: {  	[sflag:s3] =	ssyncadd.s32 $0xFFFFFFC0  }
0xde: {  	_ =	swait.ge [sflag:s3], $0x40  }
0xdf: {  	[sflag:s3] =	ssyncset.done $0x0  }
0xe0: {  	[sflag:s3] =	ssyncadd.s32 $0xFFFFFFC0  }
0xe1: {  	_ =	swait.ge [sflag:s3], $0x40  }
0xe2: {  	[sflag:s3] =	ssyncset.done $0x0  }
0xe3: {  	[sflag:s3] =	ssyncadd.s32 $0xFFFFFFC0  }
0xe4: {  	_ =	swait.ge [sflag:s3], $0x40  }
0xe5: {  	[sflag:s3] =	ssyncset.done $0x0  }
0xe6: {  	[sflag:s3] =	ssyncadd.s32 $0xFFFFFFC0  }
0xe7: {  	_ =	swait.ge [sflag:s3], $0x40  }
0xe8: {  	[sflag:s3] =	ssyncset.done $0x0  }
0xe9: {  	[sflag:s3] =	ssyncadd.s32 $0xFFFFFFC0  }
0xea: {  	_ =	swait.ge [sflag:s3], $0x40  }
0xeb: {  	[sflag:s3] =	ssyncset.done $0x0  }
0xec: {  	[sflag:s3] =	ssyncadd.s32 $0xFFFFFFC0  }
0xed: {  	_ =	swait.ge [sflag:s3], $0x40  }
0xee: {  	[sflag:s3] =	ssyncset.done $0x0  }
0xef: {  	[sflag:s3] =	ssyncadd.s32 $0xFFFFFFC0  }
0xf0: {  	_ =	swait.ge [sflag:s3], $0x40  }
0xf1: {  	[sflag:s3] =	ssyncset.done $0x0  }
0xf2: {  	[sflag:s3] =	ssyncadd.s32 $0xFFFFFFC0  }
0xf3: {  	_ =	swait.ge [sflag:s3], $0x40  }
0xf4: {  	[sflag:s3] =	ssyncset.done $0x0  }
0xf5: {  	[sflag:s3] =	ssyncadd.s32 $0xFFFFFFC0  }
0xf6: {  	_ =	swait.ge [sflag:s3], $0x40  }
0xf7: {  	[sflag:s3] =	ssyncset.done $0x0  }
0xf8: {  	[sflag:s3] =	ssyncadd.s32 $0xFFFFFFC0  }
0xf9: {  	_ =	swait.ge [sflag:s3], $0x40  }
0xfa: {  	[sflag:s3] =	ssyncset.done $0x0  }
0xfb: {  	[sflag:s3] =	ssyncadd.s32 $0xFFFFFFC0  }
0xfc: {  	_ =	swait.ge [sflag:s3], $0x40  }
0xfd: {  	[sflag:s3] =	ssyncset.done $0x0  }
0xfe: {  	[sflag:s3] =	ssyncadd.s32 $0xFFFFFFC0  }
0xff: {  	_ =	swait.ge [sflag:s3], $0x40  }
0x100: {  	[sflag:s3] =	ssyncset.done $0x0  }
0x101: {  	s31 =	rddreg [dreg:$0x4];
	[sflag:s3] =	ssyncadd.s32 $0xFFFFFFC0  }
0x102: {  	[tilespmem:s2], [sflag:$0x2] =	stream.linear.gather [hbm4b:s31+s2], $0x14, $0x38;
	[tilespmem:$0xC80] =	vst v63  }
0x103: {  	_ =	swait.ge [sflag:s26], $0x14  }
0x104: {  	[sflag:s26] =	ssyncset.done $0x0  }
0x105: {  	[sflag:s26] =	ssyncadd.s32 $0xFFFFFFEC  }
0x106: {  	v0 =	vld [tilespmem:$0x10]  }
0x107: {  	v1 =	vld [tilespmem:$0x0];
	_ =	sdelay $0x3  }
0x108: {  	v0 =	vshll.u32 v0, $0x4  }
0x109: {  	v1 =	vshll.u32 v1, $0x4;
	(v2sf) =	vpush v0, $0x0  }
0x10a: {  	(v2sf) =	vpush v1, $0x0;
	_ =	sdelay $0x7  }
0x10b: {  	(v2sf) =	vpush v1, $0x1  }
0x10c: {  	(v2sf) =	vpush v1, $0x2  }
0x10d: {  	p1 =	sne.s32 s28, $0x1;
	(v2sf) =	vpush v1, $0x3  }
.Ltmp3:
0x10e: {  	(v2sf) =	vpush v1, $0x4;
	(pc) =	sbr.rel @p1 .LBB2_4-.Ltmp3, $4  }
0x10f: {  	(v2sf) =	vpush v1, $0x5  }
0x110: {  	(v2sf) =	vpush v1, $0x6  }
0x111: {  	(v2sf) =	vpush v1, $0x7;
	s31 =	spop (v2sf)  }
0x112: {  	s28 =	sadd.s32 $0xFFFFFFFF, s28;
	(v2sf) =	vpush v1, $0x8;
	s29 =	sand.u32 $0x1FFFFFF0, s31;
	s30 =	spop (v2sf)  }
0x113: {  	s31 =	rddreg [dreg:$0x3]  }
.LBB2_6:
0x114: {  	_ =	sdelay $0x2  }
0x115: {  	s0 =	sand.u32 @p0 $0x1FFFFFF0, s30  }
0x116: {  	s0 =	sadd.s32 @p0 s25, s0  }
0x117: {  	[tilespmem:s24], [sflag:$0x1] =	stream.linear.gather @p0 [hbm4b:s0+s2], $0x80, $0x38;
	[tilespmem:$0xC80] =	vst v63  }
0x118: {  	s0 =	spop @p0 (v2sf)  }
0x119: {  	s0 =	sand.u32 @p0 $0x1FFFFFF0, s0  }
0x11a: {  	s0 =	sadd.s32 @p0 s25, s0  }
0x11b: {  	[tilespmem:s23], [sflag:$0x1] =	stream.linear.gather @p0 [hbm4b:s0+s2], $0x80, $0x38;
	[tilespmem:$0xC80] =	vst v63  }
0x11c: {  	s0 =	spop @p0 (v2sf)  }
0x11d: {  	s0 =	sand.u32 @p0 $0x1FFFFFF0, s0  }
0x11e: {  	s0 =	sadd.s32 @p0 s25, s0  }
0x11f: {  	[tilespmem:s22], [sflag:$0x1] =	stream.linear.gather @p0 [hbm4b:s0+s2], $0x80, $0x38;
	[tilespmem:$0xC80] =	vst v63  }
0x120: {  	s0 =	spop @p0 (v2sf)  }
0x121: {  	s0 =	sand.u32 @p0 $0x1FFFFFF0, s0  }
0x122: {  	s0 =	sadd.s32 @p0 s25, s0  }
0x123: {  	[tilespmem:s21], [sflag:$0x1] =	stream.linear.gather @p0 [hbm4b:s0+s2], $0x80, $0x38;
	[tilespmem:$0xC80] =	vst v63  }
0x124: {  	s0 =	spop @p0 (v2sf)  }
0x125: {  	s0 =	sand.u32 @p0 $0x1FFFFFF0, s0  }
0x126: {  	s0 =	sadd.s32 @p0 s25, s0  }
0x127: {  	[tilespmem:s20], [sflag:$0x1] =	stream.linear.gather @p0 [hbm4b:s0+s2], $0x80, $0x38;
	[tilespmem:$0xC80] =	vst v63  }
0x128: {  	s0 =	spop @p0 (v2sf)  }
0x129: {  	(v2sf) =	vpush @p0 v1, $0x9;
	s0 =	sand.u32 @p0 $0x1FFFFFF0, s0  }
0x12a: {  	s0 =	sadd.s32 @p0 s25, s0  }
0x12b: {  	[tilespmem:s19], [sflag:$0x1] =	stream.linear.gather @p0 [hbm4b:s0+s2], $0x80, $0x38;
	[tilespmem:$0xC80] =	vst v63  }
0x12c: {  	s0 =	spop @p0 (v2sf)  }
0x12d: {  	(v2sf) =	vpush @p0 v1, $0xA;
	s0 =	sand.u32 @p0 $0x1FFFFFF0, s0  }
0x12e: {  	s0 =	sadd.s32 @p0 s25, s0  }
0x12f: {  	[tilespmem:s18], [sflag:$0x1] =	stream.linear.gather @p0 [hbm4b:s0+s2], $0x80, $0x38;
	[tilespmem:$0xC80] =	vst v63  }
0x130: {  	s0 =	spop @p0 (v2sf)  }
0x131: {  	(v2sf) =	vpush @p0 v1, $0xB;
	s0 =	sand.u32 @p0 $0x1FFFFFF0, s0  }
0x132: {  	s0 =	sadd.s32 @p0 s25, s0  }
0x133: {  	[tilespmem:s17], [sflag:$0x1] =	stream.linear.gather @p0 [hbm4b:s0+s2], $0x80, $0x38;
	[tilespmem:$0xC80] =	vst v63  }
0x134: {  	s0 =	spop @p0 (v2sf)  }
0x135: {  	(v2sf) =	vpush @p0 v1, $0xC;
	s0 =	sand.u32 @p0 $0x1FFFFFF0, s0  }
0x136: {  	s0 =	sadd.s32 @p0 s25, s0  }
0x137: {  	[tilespmem:s16], [sflag:$0x1] =	stream.linear.gather @p0 [hbm4b:s0+s2], $0x80, $0x38;
	[tilespmem:$0xC80] =	vst v63  }
0x138: {  	s0 =	spop @p0 (v2sf)  }
0x139: {  	(v2sf) =	vpush @p0 v1, $0xD;
	s0 =	sand.u32 @p0 $0x1FFFFFF0, s0  }
0x13a: {  	s0 =	sadd.s32 @p0 s25, s0  }
0x13b: {  	[tilespmem:s15], [sflag:$0x1] =	stream.linear.gather @p0 [hbm4b:s0+s2], $0x80, $0x38;
	[tilespmem:$0xC80] =	vst v63  }
0x13c: {  	s0 =	spop @p0 (v2sf)  }
0x13d: {  	(v2sf) =	vpush @p0 v1, $0xE;
	s0 =	sand.u32 @p0 $0x1FFFFFF0, s0  }
0x13e: {  	s0 =	sadd.s32 @p0 s25, s0  }
0x13f: {  	[tilespmem:s14], [sflag:$0x1] =	stream.linear.gather @p0 [hbm4b:s0+s2], $0x80, $0x38;
	[tilespmem:$0xC80] =	vst v63  }
0x140: {  	s0 =	spop @p0 (v2sf)  }
0x141: {  	(v2sf) =	vpush @p0 v1, $0xF;
	s0 =	sand.u32 @p0 $0x1FFFFFF0, s0  }
0x142: {  	s0 =	sadd.s32 @p0 s25, s0  }
0x143: {  	[tilespmem:s13], [sflag:$0x1] =	stream.linear.gather @p0 [hbm4b:s0+s2], $0x80, $0x38;
	[tilespmem:$0xC80] =	vst v63  }
0x144: {  	s0 =	spop @p0 (v2sf)  }
0x145: {  	s0 =	sand.u32 @p0 $0x1FFFFFF0, s0  }
0x146: {  	s0 =	sadd.s32 @p0 s25, s0  }
0x147: {  	(v2sf) =	vpush @p0 v0, $0x1;
	[tilespmem:s12], [sflag:$0x1] =	stream.linear.gather @p0 [hbm4b:s0+s2], $0x80, $0x38;
	[tilespmem:$0xC80] =	vst v63  }
0x148: {  	s0 =	spop @p0 (v2sf)  }
0x149: {  	s0 =	sand.u32 @p0 $0x1FFFFFF0, s0  }
0x14a: {  	s0 =	sadd.s32 @p0 s25, s0  }
0x14b: {  	(v2sf) =	vpush @p0 v0, $0x2;
	[tilespmem:s11], [sflag:$0x1] =	stream.linear.gather @p0 [hbm4b:s0+s2], $0x80, $0x38;
	[tilespmem:$0xC80] =	vst v63  }
0x14c: {  	s0 =	spop @p0 (v2sf)  }
0x14d: {  	s0 =	sand.u32 @p0 $0x1FFFFFF0, s0  }
0x14e: {  	s0 =	sadd.s32 @p0 s25, s0  }
0x14f: {  	(v2sf) =	vpush @p0 v0, $0x3;
	[tilespmem:s10], [sflag:$0x1] =	stream.linear.gather @p0 [hbm4b:s0+s2], $0x80, $0x38;
	[tilespmem:$0xC80] =	vst v63  }
0x150: {  	s0 =	spop @p0 (v2sf)  }
0x151: {  	s0 =	sand.u32 @p0 $0x1FFFFFF0, s0  }
0x152: {  	s0 =	sadd.s32 @p0 s25, s0  }
0x153: {  	[tilespmem:s9], [sflag:$0x1] =	stream.linear.gather @p0 [hbm4b:s0+s2], $0x80, $0x38;
	[tilespmem:$0xC80] =	vst v63  }
0x154: {  	s0 =	sadd.s32 @p0 s25, s29  }
0x155: {  	[tilespmem:s8], [sflag:$0x1] =	stream.linear.gather @p0 [hbm4b:s0+s2], $0x80, $0x38;
	[tilespmem:$0xC80] =	vst v63  }
0x156: {  	s0 =	spop @p0 (v2sf)  }
0x157: {  	s0 =	sand.u32 @p0 $0x1FFFFFF0, s0  }
0x158: {  	s0 =	sadd.s32 @p0 s25, s0  }
0x159: {  	[tilespmem:s7], [sflag:$0x1] =	stream.linear.gather @p0 [hbm4b:s0+s2], $0x80, $0x38;
	[tilespmem:$0xC80] =	vst v63  }
0x15a: {  	s0 =	spop @p0 (v2sf)  }
0x15b: {  	s0 =	sand.u32 @p0 $0x1FFFFFF0, s0  }
0x15c: {  	s0 =	sadd.s32 @p0 s25, s0  }
0x15d: {  	[tilespmem:s5], [sflag:$0x1] =	stream.linear.gather @p0 [hbm4b:s0+s2], $0x80, $0x38;
	[tilespmem:$0xC80] =	vst v63  }
0x15e: {  	s0 =	spop @p0 (v2sf)  }
0x15f: {  	s0 =	sand.u32 @p0 $0x1FFFFFF0, s0  }
0x160: {  	s0 =	sadd.s32 @p0 s25, s0  }
0x161: {  	[tilespmem:s6], [sflag:$0x1] =	stream.linear.gather @p0 [hbm4b:s0+s2], $0x80, $0x38;
	[tilespmem:$0xC80] =	vst v63  }
0x162: {  	_ =	swait.ge @p0 [sflag:s3], $0x80  }
0x163: {  	[sflag:s3] =	ssyncset.done @p0 $0x0  }
0x164: {  	[sflag:s3] =	ssyncadd.s32 @p0 $0xFFFFFF80  }
0x165: {  	_ =	swait.ge @p0 [sflag:s3], $0x80  }
0x166: {  	[sflag:s3] =	ssyncset.done @p0 $0x0  }
0x167: {  	[sflag:s3] =	ssyncadd.s32 @p0 $0xFFFFFF80  }
0x168: {  	_ =	swait.ge @p0 [sflag:s3], $0x80  }
0x169: {  	[sflag:s3] =	ssyncset.done @p0 $0x0  }
0x16a: {  	[sflag:s3] =	ssyncadd.s32 @p0 $0xFFFFFF80  }
0x16b: {  	_ =	swait.ge @p0 [sflag:s3], $0x80  }
0x16c: {  	[sflag:s3] =	ssyncset.done @p0 $0x0  }
0x16d: {  	[sflag:s3] =	ssyncadd.s32 @p0 $0xFFFFFF80  }
0x16e: {  	_ =	swait.ge @p0 [sflag:s3], $0x80  }
0x16f: {  	[sflag:s3] =	ssyncset.done @p0 $0x0  }
0x170: {  	[sflag:s3] =	ssyncadd.s32 @p0 $0xFFFFFF80  }
0x171: {  	_ =	swait.ge @p0 [sflag:s3], $0x80  }
0x172: {  	[sflag:s3] =	ssyncset.done @p0 $0x0  }
0x173: {  	[sflag:s3] =	ssyncadd.s32 @p0 $0xFFFFFF80  }
0x174: {  	_ =	swait.ge @p0 [sflag:s3], $0x80  }
0x175: {  	[sflag:s3] =	ssyncset.done @p0 $0x0  }
0x176: {  	[sflag:s3] =	ssyncadd.s32 @p0 $0xFFFFFF80  }
0x177: {  	_ =	swait.ge @p0 [sflag:s3], $0x80  }
0x178: {  	[sflag:s3] =	ssyncset.done @p0 $0x0  }
0x179: {  	[sflag:s3] =	ssyncadd.s32 @p0 $0xFFFFFF80  }
0x17a: {  	_ =	swait.ge @p0 [sflag:s3], $0x80  }
0x17b: {  	[sflag:s3] =	ssyncset.done @p0 $0x0  }
0x17c: {  	[sflag:s3] =	ssyncadd.s32 @p0 $0xFFFFFF80  }
0x17d: {  	_ =	swait.ge @p0 [sflag:s3], $0x80  }
0x17e: {  	[sflag:s3] =	ssyncset.done @p0 $0x0  }
0x17f: {  	[sflag:s3] =	ssyncadd.s32 @p0 $0xFFFFFF80  }
0x180: {  	_ =	swait.ge @p0 [sflag:s3], $0x80  }
0x181: {  	[sflag:s3] =	ssyncset.done @p0 $0x0  }
0x182: {  	[sflag:s3] =	ssyncadd.s32 @p0 $0xFFFFFF80  }
0x183: {  	_ =	swait.ge @p0 [sflag:s3], $0x80  }
0x184: {  	[sflag:s3] =	ssyncset.done @p0 $0x0  }
0x185: {  	[sflag:s3] =	ssyncadd.s32 @p0 $0xFFFFFF80  }
0x186: {  	_ =	swait.ge @p0 [sflag:s3], $0x80  }
0x187: {  	[sflag:s3] =	ssyncset.done @p0 $0x0  }
0x188: {  	[sflag:s3] =	ssyncadd.s32 @p0 $0xFFFFFF80  }
0x189: {  	_ =	swait.ge @p0 [sflag:s3], $0x80  }
0x18a: {  	[sflag:s3] =	ssyncset.done @p0 $0x0  }
0x18b: {  	[sflag:s3] =	ssyncadd.s32 @p0 $0xFFFFFF80  }
0x18c: {  	_ =	swait.ge @p0 [sflag:s3], $0x80  }
0x18d: {  	[sflag:s3] =	ssyncset.done @p0 $0x0  }
0x18e: {  	[sflag:s3] =	ssyncadd.s32 @p0 $0xFFFFFF80  }
0x18f: {  	_ =	swait.ge @p0 [sflag:s3], $0x80  }
0x190: {  	[sflag:s3] =	ssyncset.done @p0 $0x0  }
0x191: {  	[sflag:s3] =	ssyncadd.s32 @p0 $0xFFFFFF80  }
0x192: {  	_ =	swait.ge @p0 [sflag:s3], $0x80  }
0x193: {  	[sflag:s3] =	ssyncset.done @p0 $0x0  }
0x194: {  	[sflag:s3] =	ssyncadd.s32 @p0 $0xFFFFFF80  }
0x195: {  	_ =	swait.ge @p0 [sflag:s3], $0x80  }
0x196: {  	[sflag:s3] =	ssyncset.done @p0 $0x0  }
0x197: {  	[sflag:s3] =	ssyncadd.s32 @p0 $0xFFFFFF80  }
0x198: {  	_ =	swait.ge @p0 [sflag:s3], $0x80  }
0x199: {  	[sflag:s3] =	ssyncset.done @p0 $0x0  }
0x19a: {  	[sflag:s3] =	ssyncadd.s32 @p0 $0xFFFFFF80  }
0x19b: {  	_ =	swait.ge @p0 [sflag:s3], $0x80  }
0x19c: {  	[sflag:s3] =	ssyncset.done @p0 $0x0  }
0x19d: {  	[sflag:s3] =	ssyncadd.s32 @p0 $0xFFFFFF80  }
0x19e: {  	[hbm4b:s4+s2] =	stream.linear.scatter @p0 [tilespmem:s24], [sflag:$0x1], $0x40, $0x38;
	[tilespmem:$0xC80] =	vst v63  }
0x19f: {  	s0 =	rddreg [dreg:$0x5]  }
0x1a0: {  	[hbm4b:s0+s2] =	stream.linear.scatter @p0 [tilespmem:s23], [sflag:$0x1], $0x40, $0x38;
	[tilespmem:$0xC80] =	vst v63  }
0x1a1: {  	s28 =	rddreg [dreg:$0x6]  }
0x1a2: {  	[hbm4b:s28+s2] =	stream.linear.scatter @p0 [tilespmem:s22], [sflag:$0x1], $0x40, $0x38;
	[tilespmem:$0xC80] =	vst v63  }
0x1a3: {  	s0 =	rddreg [dreg:$0x7]  }
0x1a4: {  	[hbm4b:s0+s2] =	stream.linear.scatter @p0 [tilespmem:s21], [sflag:$0x1], $0x40, $0x38;
	[tilespmem:$0xC80] =	vst v63  }
0x1a5: {  	s28 =	rddreg [dreg:$0x8]  }
0x1a6: {  	[hbm4b:s28+s2] =	stream.linear.scatter @p0 [tilespmem:s20], [sflag:$0x1], $0x40, $0x38;
	[tilespmem:$0xC80] =	vst v63  }
0x1a7: {  	s0 =	rddreg [dreg:$0x9]  }
0x1a8: {  	[hbm4b:s0+s2] =	stream.linear.scatter @p0 [tilespmem:s19], [sflag:$0x1], $0x40, $0x38;
	[tilespmem:$0xC80] =	vst v63  }
0x1a9: {  	s28 =	rddreg [dreg:$0xa]  }
0x1aa: {  	[hbm4b:s28+s2] =	stream.linear.scatter @p0 [tilespmem:s18], [sflag:$0x1], $0x40, $0x38;
	[tilespmem:$0xC80] =	vst v63  }
0x1ab: {  	s0 =	rddreg [dreg:$0xb]  }
0x1ac: {  	[hbm4b:s0+s2] =	stream.linear.scatter @p0 [tilespmem:s17], [sflag:$0x1], $0x40, $0x38;
	[tilespmem:$0xC80] =	vst v63  }
0x1ad: {  	s28 =	rddreg [dreg:$0xc]  }
0x1ae: {  	[hbm4b:s28+s2] =	stream.linear.scatter @p0 [tilespmem:s16], [sflag:$0x1], $0x40, $0x38;
	[tilespmem:$0xC80] =	vst v63  }
0x1af: {  	s0 =	rddreg [dreg:$0xd]  }
0x1b0: {  	[hbm4b:s0+s2] =	stream.linear.scatter @p0 [tilespmem:s15], [sflag:$0x1], $0x40, $0x38;
	[tilespmem:$0xC80] =	vst v63  }
0x1b1: {  	s28 =	rddreg [dreg:$0xe]  }
0x1b2: {  	[hbm4b:s28+s2] =	stream.linear.scatter @p0 [tilespmem:s14], [sflag:$0x1], $0x40, $0x38;
	[tilespmem:$0xC80] =	vst v63  }
0x1b3: {  	s0 =	rddreg [dreg:$0xf]  }
0x1b4: {  	[hbm4b:s0+s2] =	stream.linear.scatter @p0 [tilespmem:s13], [sflag:$0x1], $0x40, $0x38;
	[tilespmem:$0xC80] =	vst v63  }
0x1b5: {  	s28 =	rddreg [dreg:$0x10]  }
0x1b6: {  	[hbm4b:s28+s2] =	stream.linear.scatter @p0 [tilespmem:s12], [sflag:$0x1], $0x40, $0x38;
	[tilespmem:$0xC80] =	vst v63  }
0x1b7: {  	s0 =	rddreg [dreg:$0x11]  }
0x1b8: {  	[hbm4b:s0+s2] =	stream.linear.scatter @p0 [tilespmem:s11], [sflag:$0x1], $0x40, $0x38;
	[tilespmem:$0xC80] =	vst v63  }
0x1b9: {  	s28 =	rddreg [dreg:$0x12]  }
0x1ba: {  	[hbm4b:s28+s2] =	stream.linear.scatter @p0 [tilespmem:s10], [sflag:$0x1], $0x40, $0x38;
	[tilespmem:$0xC80] =	vst v63  }
0x1bb: {  	s0 =	rddreg [dreg:$0x13]  }
0x1bc: {  	[hbm4b:s0+s2] =	stream.linear.scatter @p0 [tilespmem:s9], [sflag:$0x1], $0x40, $0x38;
	[tilespmem:$0xC80] =	vst v63  }
0x1bd: {  	s28 =	rddreg [dreg:$0x14]  }
0x1be: {  	[hbm4b:s28+s2] =	stream.linear.scatter @p0 [tilespmem:s8], [sflag:$0x1], $0x40, $0x38;
	[tilespmem:$0xC80] =	vst v63  }
0x1bf: {  	s0 =	rddreg [dreg:$0x15]  }
0x1c0: {  	[hbm4b:s0+s2] =	stream.linear.scatter @p0 [tilespmem:s7], [sflag:$0x1], $0x40, $0x38;
	[tilespmem:$0xC80] =	vst v63  }
0x1c1: {  	s28 =	rddreg [dreg:$0x16]  }
0x1c2: {  	[hbm4b:s28+s2] =	stream.linear.scatter @p0 [tilespmem:s5], [sflag:$0x1], $0x40, $0x38;
	[tilespmem:$0xC80] =	vst v63  }
0x1c3: {  	s0 =	rddreg [dreg:$0x17]  }
0x1c4: {  	[hbm4b:s0+s2] =	stream.linear.scatter @p0 [tilespmem:s6], [sflag:$0x1], $0x40, $0x38;
	[tilespmem:$0xC80] =	vst v63  }
0x1c5: {  	_ =	swait.ge @p0 [sflag:s3], $0x40  }
0x1c6: {  	[sflag:s3] =	ssyncset.done @p0 $0x0  }
0x1c7: {  	[sflag:s3] =	ssyncadd.s32 @p0 $0xFFFFFFC0  }
0x1c8: {  	_ =	swait.ge @p0 [sflag:s3], $0x40  }
0x1c9: {  	[sflag:s3] =	ssyncset.done @p0 $0x0  }
0x1ca: {  	[sflag:s3] =	ssyncadd.s32 @p0 $0xFFFFFFC0  }
0x1cb: {  	_ =	swait.ge @p0 [sflag:s3], $0x40  }
0x1cc: {  	[sflag:s3] =	ssyncset.done @p0 $0x0  }
0x1cd: {  	[sflag:s3] =	ssyncadd.s32 @p0 $0xFFFFFFC0  }
0x1ce: {  	_ =	swait.ge @p0 [sflag:s3], $0x40  }
0x1cf: {  	[sflag:s3] =	ssyncset.done @p0 $0x0  }
0x1d0: {  	[sflag:s3] =	ssyncadd.s32 @p0 $0xFFFFFFC0  }
0x1d1: {  	_ =	swait.ge @p0 [sflag:s3], $0x40  }
0x1d2: {  	[sflag:s3] =	ssyncset.done @p0 $0x0  }
0x1d3: {  	[sflag:s3] =	ssyncadd.s32 @p0 $0xFFFFFFC0  }
0x1d4: {  	_ =	swait.ge @p0 [sflag:s3], $0x40  }
0x1d5: {  	[sflag:s3] =	ssyncset.done @p0 $0x0  }
0x1d6: {  	[sflag:s3] =	ssyncadd.s32 @p0 $0xFFFFFFC0  }
0x1d7: {  	_ =	swait.ge @p0 [sflag:s3], $0x40  }
0x1d8: {  	[sflag:s3] =	ssyncset.done @p0 $0x0  }
0x1d9: {  	[sflag:s3] =	ssyncadd.s32 @p0 $0xFFFFFFC0  }
0x1da: {  	_ =	swait.ge @p0 [sflag:s3], $0x40  }
0x1db: {  	[sflag:s3] =	ssyncset.done @p0 $0x0  }
0x1dc: {  	[sflag:s3] =	ssyncadd.s32 @p0 $0xFFFFFFC0  }
0x1dd: {  	_ =	swait.ge @p0 [sflag:s3], $0x40  }
0x1de: {  	[sflag:s3] =	ssyncset.done @p0 $0x0  }
0x1df: {  	[sflag:s3] =	ssyncadd.s32 @p0 $0xFFFFFFC0  }
0x1e0: {  	_ =	swait.ge @p0 [sflag:s3], $0x40  }
0x1e1: {  	[sflag:s3] =	ssyncset.done @p0 $0x0  }
0x1e2: {  	[sflag:s3] =	ssyncadd.s32 @p0 $0xFFFFFFC0  }
0x1e3: {  	_ =	swait.ge @p0 [sflag:s3], $0x40  }
0x1e4: {  	[sflag:s3] =	ssyncset.done @p0 $0x0  }
0x1e5: {  	[sflag:s3] =	ssyncadd.s32 @p0 $0xFFFFFFC0  }
0x1e6: {  	_ =	swait.ge @p0 [sflag:s3], $0x40  }
0x1e7: {  	[sflag:s3] =	ssyncset.done @p0 $0x0  }
0x1e8: {  	[sflag:s3] =	ssyncadd.s32 @p0 $0xFFFFFFC0  }
0x1e9: {  	_ =	swait.ge @p0 [sflag:s3], $0x40  }
0x1ea: {  	[sflag:s3] =	ssyncset.done @p0 $0x0  }
0x1eb: {  	[sflag:s3] =	ssyncadd.s32 @p0 $0xFFFFFFC0  }
0x1ec: {  	_ =	swait.ge @p0 [sflag:s3], $0x40  }
0x1ed: {  	[sflag:s3] =	ssyncset.done @p0 $0x0  }
0x1ee: {  	[sflag:s3] =	ssyncadd.s32 @p0 $0xFFFFFFC0  }
0x1ef: {  	_ =	swait.ge @p0 [sflag:s3], $0x40  }
0x1f0: {  	[sflag:s3] =	ssyncset.done @p0 $0x0  }
0x1f1: {  	[sflag:s3] =	ssyncadd.s32 @p0 $0xFFFFFFC0  }
0x1f2: {  	_ =	swait.ge @p0 [sflag:s3], $0x40  }
0x1f3: {  	[sflag:s3] =	ssyncset.done @p0 $0x0  }
0x1f4: {  	[sflag:s3] =	ssyncadd.s32 @p0 $0xFFFFFFC0  }
0x1f5: {  	_ =	swait.ge @p0 [sflag:s3], $0x40  }
0x1f6: {  	[sflag:s3] =	ssyncset.done @p0 $0x0  }
0x1f7: {  	[sflag:s3] =	ssyncadd.s32 @p0 $0xFFFFFFC0  }
0x1f8: {  	_ =	swait.ge @p0 [sflag:s3], $0x40  }
0x1f9: {  	[sflag:s3] =	ssyncset.done @p0 $0x0  }
0x1fa: {  	[sflag:s3] =	ssyncadd.s32 @p0 $0xFFFFFFC0  }
0x1fb: {  	_ =	swait.ge @p0 [sflag:s3], $0x40  }
0x1fc: {  	[sflag:s3] =	ssyncset.done @p0 $0x0  }
0x1fd: {  	[sflag:s3] =	ssyncadd.s32 @p0 $0xFFFFFFC0  }
0x1fe: {  	_ =	swait.ge @p0 [sflag:s3], $0x40  }
0x1ff: {  	[sflag:s3] =	ssyncset.done @p0 $0x0  }
0x200: {  	s28 =	rddreg [dreg:$0x4];
	[sflag:s3] =	ssyncadd.s32 @p0 $0xFFFFFFC0  }
0x201: {  	[tilespmem:s2], [sflag:$0x2] =	stream.linear.gather [hbm4b:s28+s2], $0x14, $0x38;
	[tilespmem:$0xC80] =	vst v63  }
0x202: {  	_ =	swait.ge [sflag:s26], $0x14  }
0x203: {  	[sflag:s26] =	ssyncset.done $0x0  }
0x204: {  	[sflag:s26] =	ssyncadd.s32 $0xFFFFFFEC  }
0x205: {  	v62 =	vld [tilespmem:$0x10];
	_ =	sdelay $0x1  }
0x206: {  	v63 =	vld [tilespmem:$0x0];
	_ =	sdelay $0x2  }
0x207: {  	v0 =	vshll.u32 v62, $0x4  }
0x208: {  	(v2sf) =	vpush v0, $0x0  }
0x209: {  	v1 =	vshll.u32 v63, $0x4  }
0x20a: {  	(v2sf) =	vpush v1, $0x0;
	_ =	sdelay $0x1  }
0x20b: {  	(v2sf) =	vpush v1, $0x1;
	_ =	sdelay $0x2  }
0x20c: {  	(v2sf) =	vpush v1, $0x2;
	_ =	sdelay $0x5  }
0x20d: {  	(v2sf) =	vpush v1, $0x3;
	_ =	sdelay $0x1  }
0x20e: {  	s26 =	spop (v2sf);
	(v2sf) =	vpush v1, $0x4;
	_ =	sdelay $0x1  }
0x20f: {  	s29 =	spop (v2sf);
	(v2sf) =	vpush v1, $0x5;
	_ =	sdelay $0x1  }
0x210: {  	s30 =	spop (v2sf);
	(v2sf) =	vpush v1, $0x6;
	_ =	sdelay $0x1  }
0x211: {  	s0 =	sand.u32 $0x1FFFFFF0, s29  }
0x212: {  	s0 =	sadd.s32 s25, s0;
	s28 =	spop (v2sf);
	(v2sf) =	vpush v1, $0x7  }
0x213: {  	[tilespmem:s24], [sflag:$0x1] =	stream.linear.gather [hbm4b:s0+s2], $0x80, $0x38;
	[tilespmem:$0xC80] =	vst v63  }
0x214: {  	s0 =	sand.u32 $0x1FFFFFF0, s30  }
0x215: {  	s0 =	sadd.s32 s25, s0  }
0x216: {  	[tilespmem:s23], [sflag:$0x1] =	stream.linear.gather [hbm4b:s0+s2], $0x80, $0x38;
	[tilespmem:$0xC80] =	vst v63  }
0x217: {  	s0 =	sand.u32 $0x1FFFFFF0, s28  }
0x218: {  	s29 =	spop (v2sf);
	s0 =	sadd.s32 s25, s0  }
0x219: {  	[tilespmem:s22], [sflag:$0x1] =	stream.linear.gather [hbm4b:s0+s2], $0x80, $0x38;
	[tilespmem:$0xC80] =	vst v63  }
0x21a: {  	s30 =	spop (v2sf);
	(v2sf) =	vpush v1, $0x8  }
0x21b: {  	s0 =	sand.u32 $0x1FFFFFF0, s29  }
0x21c: {  	s0 =	sadd.s32 s25, s0;
	s28 =	spop (v2sf);
	(v2sf) =	vpush v1, $0x9  }
0x21d: {  	[tilespmem:s21], [sflag:$0x1] =	stream.linear.gather [hbm4b:s0+s2], $0x80, $0x38;
	[tilespmem:$0xC80] =	vst v63  }
0x21e: {  	s0 =	sand.u32 $0x1FFFFFF0, s30;
	s29 =	spop (v2sf);
	(v2sf) =	vpush v1, $0xA  }
0x21f: {  	s0 =	sadd.s32 s25, s0  }
0x220: {  	[tilespmem:s20], [sflag:$0x1] =	stream.linear.gather [hbm4b:s0+s2], $0x80, $0x38;
	[tilespmem:$0xC80] =	vst v63  }
0x221: {  	s30 =	spop (v2sf);
	(v2sf) =	vpush v1, $0xB  }
0x222: {  	s0 =	sand.u32 $0x1FFFFFF0, s28  }
0x223: {  	s0 =	sadd.s32 s25, s0  }
0x224: {  	[tilespmem:s19], [sflag:$0x1] =	stream.linear.gather [hbm4b:s0+s2], $0x80, $0x38;
	[tilespmem:$0xC80] =	vst v63  }
0x225: {  	s0 =	sand.u32 $0x1FFFFFF0, s29  }
0x226: {  	s0 =	sadd.s32 s25, s0  }
0x227: {  	[tilespmem:s18], [sflag:$0x1] =	stream.linear.gather [hbm4b:s0+s2], $0x80, $0x38;
	[tilespmem:$0xC80] =	vst v63  }
0x228: {  	s0 =	sand.u32 $0x1FFFFFF0, s30  }
0x229: {  	s0 =	sadd.s32 s25, s0;
	s28 =	spop (v2sf);
	(v2sf) =	vpush v1, $0xC  }
0x22a: {  	[tilespmem:s17], [sflag:$0x1] =	stream.linear.gather [hbm4b:s0+s2], $0x80, $0x38;
	[tilespmem:$0xC80] =	vst v63  }
0x22b: {  	s29 =	spop (v2sf);
	(v2sf) =	vpush v1, $0xD  }
0x22c: {  	s0 =	sand.u32 $0x1FFFFFF0, s28  }
0x22d: {  	s0 =	sadd.s32 s25, s0;
	s30 =	spop (v2sf)  }
0x22e: {  	(v2sf) =	vpush v1, $0xE;
	[tilespmem:s16], [sflag:$0x1] =	stream.linear.gather [hbm4b:s0+s2], $0x80, $0x38;
	[tilespmem:$0xC80] =	vst v63  }
0x22f: {  	s0 =	sand.u32 $0x1FFFFFF0, s29  }
0x230: {  	s28 =	spop (v2sf);
	s0 =	sadd.s32 s25, s0  }
0x231: {  	(v2sf) =	vpush v1, $0xF;
	[tilespmem:s15], [sflag:$0x1] =	stream.linear.gather [hbm4b:s0+s2], $0x80, $0x38;
	[tilespmem:$0xC80] =	vst v63  }
0x232: {  	s0 =	sand.u32 $0x1FFFFFF0, s30  }
0x233: {  	s0 =	sadd.s32 s25, s0  }
0x234: {  	[tilespmem:s14], [sflag:$0x1] =	stream.linear.gather [hbm4b:s0+s2], $0x80, $0x38;
	[tilespmem:$0xC80] =	vst v63  }
0x235: {  	s0 =	sand.u32 $0x1FFFFFF0, s28  }
0x236: {  	s0 =	sadd.s32 s25, s0  }
0x237: {  	[tilespmem:s13], [sflag:$0x1] =	stream.linear.gather [hbm4b:s0+s2], $0x80, $0x38;
	[tilespmem:$0xC80] =	vst v63  }
0x238: {  	s29 =	spop (v2sf);
	(v2sf) =	vpush v0, $0x1  }
0x239: {  	s0 =	sand.u32 $0x1FFFFFF0, s29  }
0x23a: {  	s30 =	spop (v2sf);
	(v2sf) =	vpush v0, $0x2;
	s0 =	sadd.s32 s25, s0  }
0x23b: {  	[tilespmem:s12], [sflag:$0x1] =	stream.linear.gather [hbm4b:s0+s2], $0x80, $0x38;
	[tilespmem:$0xC80] =	vst v63  }
0x23c: {  	s0 =	sand.u32 $0x1FFFFFF0, s30  }
0x23d: {  	s28 =	spop (v2sf);
	(v2sf) =	vpush v0, $0x3;
	s0 =	sadd.s32 s25, s0  }
0x23e: {  	[tilespmem:s11], [sflag:$0x1] =	stream.linear.gather [hbm4b:s0+s2], $0x80, $0x38;
	[tilespmem:$0xC80] =	vst v63  }
0x23f: {  	s0 =	sand.u32 $0x1FFFFFF0, s28  }
0x240: {  	s29 =	spop (v2sf);
	s0 =	sadd.s32 s25, s0  }
0x241: {  	[tilespmem:s10], [sflag:$0x1] =	stream.linear.gather [hbm4b:s0+s2], $0x80, $0x38;
	[tilespmem:$0xC80] =	vst v63  }
0x242: {  	s0 =	sand.u32 $0x1FFFFFF0, s29  }
0x243: {  	s30 =	sand.u32 $0x1FFFFFF0, s26;
	s0 =	sadd.s32 s25, s0  }
0x244: {  	[tilespmem:s9], [sflag:$0x1] =	stream.linear.gather [hbm4b:s0+s2], $0x80, $0x38;
	[tilespmem:$0xC80] =	vst v63  }
0x245: {  	s0 =	sadd.s32 s25, s30  }
0x246: {  	[tilespmem:s8], [sflag:$0x1] =	stream.linear.gather [hbm4b:s0+s2], $0x80, $0x38;
	[tilespmem:$0xC80] =	vst v63  }
0x247: {  	s26 =	spop (v2sf)  }
0x248: {  	s0 =	sand.u32 $0x1FFFFFF0, s26  }
0x249: {  	s28 =	spop (v2sf);
	s0 =	sadd.s32 s25, s0  }
0x24a: {  	[tilespmem:s7], [sflag:$0x1] =	stream.linear.gather [hbm4b:s0+s2], $0x80, $0x38;
	[tilespmem:$0xC80] =	vst v63  }
0x24b: {  	s0 =	sand.u32 $0x1FFFFFF0, s28  }
0x24c: {  	s29 =	spop (v2sf);
	s0 =	sadd.s32 s25, s0  }
0x24d: {  	[tilespmem:s5], [sflag:$0x1] =	stream.linear.gather [hbm4b:s0+s2], $0x80, $0x38;
	[tilespmem:$0xC80] =	vst v63  }
0x24e: {  	s0 =	sand.u32 $0x1FFFFFF0, s29  }
0x24f: {  	s0 =	sadd.s32 s25, s0  }
0x250: {  	[tilespmem:s6], [sflag:$0x1] =	stream.linear.gather [hbm4b:s0+s2], $0x80, $0x38;
	[tilespmem:$0xC80] =	vst v63  }
0x251: {  	_ =	swait.ge [sflag:s3], $0x80  }
0x252: {  	[sflag:s3] =	ssyncset.done $0x0  }
0x253: {  	[sflag:s3] =	ssyncadd.s32 $0xFFFFFF80  }
0x254: {  	_ =	swait.ge [sflag:s3], $0x80  }
0x255: {  	[sflag:s3] =	ssyncset.done $0x0  }
0x256: {  	[sflag:s3] =	ssyncadd.s32 $0xFFFFFF80  }
0x257: {  	_ =	swait.ge [sflag:s3], $0x80  }
0x258: {  	[sflag:s3] =	ssyncset.done $0x0  }
0x259: {  	[sflag:s3] =	ssyncadd.s32 $0xFFFFFF80  }
0x25a: {  	_ =	swait.ge [sflag:s3], $0x80  }
0x25b: {  	[sflag:s3] =	ssyncset.done $0x0  }
0x25c: {  	[sflag:s3] =	ssyncadd.s32 $0xFFFFFF80  }
0x25d: {  	_ =	swait.ge [sflag:s3], $0x80  }
0x25e: {  	[sflag:s3] =	ssyncset.done $0x0  }
0x25f: {  	[sflag:s3] =	ssyncadd.s32 $0xFFFFFF80  }
0x260: {  	_ =	swait.ge [sflag:s3], $0x80  }
0x261: {  	[sflag:s3] =	ssyncset.done $0x0  }
0x262: {  	[sflag:s3] =	ssyncadd.s32 $0xFFFFFF80  }
0x263: {  	_ =	swait.ge [sflag:s3], $0x80  }
0x264: {  	[sflag:s3] =	ssyncset.done $0x0  }
0x265: {  	[sflag:s3] =	ssyncadd.s32 $0xFFFFFF80  }
0x266: {  	_ =	swait.ge [sflag:s3], $0x80  }
0x267: {  	[sflag:s3] =	ssyncset.done $0x0  }
0x268: {  	[sflag:s3] =	ssyncadd.s32 $0xFFFFFF80  }
0x269: {  	_ =	swait.ge [sflag:s3], $0x80  }
0x26a: {  	[sflag:s3] =	ssyncset.done $0x0  }
0x26b: {  	[sflag:s3] =	ssyncadd.s32 $0xFFFFFF80  }
0x26c: {  	_ =	swait.ge [sflag:s3], $0x80  }
0x26d: {  	[sflag:s3] =	ssyncset.done $0x0  }
0x26e: {  	[sflag:s3] =	ssyncadd.s32 $0xFFFFFF80  }
0x26f: {  	_ =	swait.ge [sflag:s3], $0x80  }
0x270: {  	[sflag:s3] =	ssyncset.done $0x0  }
0x271: {  	[sflag:s3] =	ssyncadd.s32 $0xFFFFFF80  }
0x272: {  	_ =	swait.ge [sflag:s3], $0x80  }
0x273: {  	[sflag:s3] =	ssyncset.done $0x0  }
0x274: {  	[sflag:s3] =	ssyncadd.s32 $0xFFFFFF80  }
0x275: {  	_ =	swait.ge [sflag:s3], $0x80  }
0x276: {  	[sflag:s3] =	ssyncset.done $0x0  }
0x277: {  	[sflag:s3] =	ssyncadd.s32 $0xFFFFFF80  }
0x278: {  	_ =	swait.ge [sflag:s3], $0x80  }
0x279: {  	[sflag:s3] =	ssyncset.done $0x0  }
0x27a: {  	[sflag:s3] =	ssyncadd.s32 $0xFFFFFF80  }
0x27b: {  	_ =	swait.ge [sflag:s3], $0x80  }
0x27c: {  	[sflag:s3] =	ssyncset.done $0x0  }
0x27d: {  	[sflag:s3] =	ssyncadd.s32 $0xFFFFFF80  }
0x27e: {  	_ =	swait.ge [sflag:s3], $0x80  }
0x27f: {  	[sflag:s3] =	ssyncset.done $0x0  }
0x280: {  	[sflag:s3] =	ssyncadd.s32 $0xFFFFFF80  }
0x281: {  	_ =	swait.ge [sflag:s3], $0x80  }
0x282: {  	[sflag:s3] =	ssyncset.done $0x0  }
0x283: {  	[sflag:s3] =	ssyncadd.s32 $0xFFFFFF80  }
0x284: {  	_ =	swait.ge [sflag:s3], $0x80  }
0x285: {  	[sflag:s3] =	ssyncset.done $0x0  }
0x286: {  	[sflag:s3] =	ssyncadd.s32 $0xFFFFFF80  }
0x287: {  	_ =	swait.ge [sflag:s3], $0x80  }
0x288: {  	[sflag:s3] =	ssyncset.done $0x0  }
0x289: {  	[sflag:s3] =	ssyncadd.s32 $0xFFFFFF80  }
0x28a: {  	_ =	swait.ge [sflag:s3], $0x80  }
0x28b: {  	[sflag:s3] =	ssyncset.done $0x0  }
0x28c: {  	[sflag:s3] =	ssyncadd.s32 $0xFFFFFF80  }
0x28d: {  	[hbm4b:s4+s2] =	stream.linear.scatter [tilespmem:s24], [sflag:$0x1], $0x40, $0x38;
	[tilespmem:$0xC80] =	vst v63  }
0x28e: {  	s30 =	rddreg [dreg:$0x5]  }
0x28f: {  	[hbm4b:s30+s2] =	stream.linear.scatter [tilespmem:s23], [sflag:$0x1], $0x40, $0x38;
	[tilespmem:$0xC80] =	vst v63  }
0x290: {  	s24 =	rddreg [dreg:$0x6]  }
0x291: {  	[hbm4b:s24+s2] =	stream.linear.scatter [tilespmem:s22], [sflag:$0x1], $0x40, $0x38;
	[tilespmem:$0xC80] =	vst v63  }
0x292: {  	s25 =	rddreg [dreg:$0x7]  }
0x293: {  	[hbm4b:s25+s2] =	stream.linear.scatter [tilespmem:s21], [sflag:$0x1], $0x40, $0x38;
	[tilespmem:$0xC80] =	vst v63  }
0x294: {  	s26 =	rddreg [dreg:$0x8]  }
0x295: {  	[hbm4b:s26+s2] =	stream.linear.scatter [tilespmem:s20], [sflag:$0x1], $0x40, $0x38;
	[tilespmem:$0xC80] =	vst v63  }
0x296: {  	s28 =	rddreg [dreg:$0x9]  }
0x297: {  	[hbm4b:s28+s2] =	stream.linear.scatter [tilespmem:s19], [sflag:$0x1], $0x40, $0x38;
	[tilespmem:$0xC80] =	vst v63  }
0x298: {  	s29 =	rddreg [dreg:$0xa]  }
0x299: {  	[hbm4b:s29+s2] =	stream.linear.scatter [tilespmem:s18], [sflag:$0x1], $0x40, $0x38;
	[tilespmem:$0xC80] =	vst v63  }
0x29a: {  	s30 =	rddreg [dreg:$0xb]  }
0x29b: {  	[hbm4b:s30+s2] =	stream.linear.scatter [tilespmem:s17], [sflag:$0x1], $0x40, $0x38;
	[tilespmem:$0xC80] =	vst v63  }
0x29c: {  	s18 =	rddreg [dreg:$0xc]  }
0x29d: {  	[hbm4b:s18+s2] =	stream.linear.scatter [tilespmem:s16], [sflag:$0x1], $0x40, $0x38;
	[tilespmem:$0xC80] =	vst v63  }
0x29e: {  	s19 =	rddreg [dreg:$0xd]  }
0x29f: {  	[hbm4b:s19+s2] =	stream.linear.scatter [tilespmem:s15], [sflag:$0x1], $0x40, $0x38;
	[tilespmem:$0xC80] =	vst v63  }
0x2a0: {  	s20 =	rddreg [dreg:$0xe]  }
0x2a1: {  	[hbm4b:s20+s2] =	stream.linear.scatter [tilespmem:s14], [sflag:$0x1], $0x40, $0x38;
	[tilespmem:$0xC80] =	vst v63  }
0x2a2: {  	s21 =	rddreg [dreg:$0xf]  }
0x2a3: {  	[hbm4b:s21+s2] =	stream.linear.scatter [tilespmem:s13], [sflag:$0x1], $0x40, $0x38;
	[tilespmem:$0xC80] =	vst v63  }
0x2a4: {  	s22 =	rddreg [dreg:$0x10]  }
0x2a5: {  	[hbm4b:s22+s2] =	stream.linear.scatter [tilespmem:s12], [sflag:$0x1], $0x40, $0x38;
	[tilespmem:$0xC80] =	vst v63  }
0x2a6: {  	s23 =	rddreg [dreg:$0x11]  }
0x2a7: {  	[hbm4b:s23+s2] =	stream.linear.scatter [tilespmem:s11], [sflag:$0x1], $0x40, $0x38;
	[tilespmem:$0xC80] =	vst v63  }
0x2a8: {  	s24 =	rddreg [dreg:$0x12]  }
0x2a9: {  	[hbm4b:s24+s2] =	stream.linear.scatter [tilespmem:s10], [sflag:$0x1], $0x40, $0x38;
	[tilespmem:$0xC80] =	vst v63  }
0x2aa: {  	s25 =	rddreg [dreg:$0x13]  }
0x2ab: {  	[hbm4b:s25+s2] =	stream.linear.scatter [tilespmem:s9], [sflag:$0x1], $0x40, $0x38;
	[tilespmem:$0xC80] =	vst v63  }
0x2ac: {  	s26 =	rddreg [dreg:$0x14]  }
0x2ad: {  	[hbm4b:s26+s2] =	stream.linear.scatter [tilespmem:s8], [sflag:$0x1], $0x40, $0x38;
	[tilespmem:$0xC80] =	vst v63  }
0x2ae: {  	s28 =	rddreg [dreg:$0x15]  }
0x2af: {  	[hbm4b:s28+s2] =	stream.linear.scatter [tilespmem:s7], [sflag:$0x1], $0x40, $0x38;
	[tilespmem:$0xC80] =	vst v63  }
0x2b0: {  	s29 =	rddreg [dreg:$0x16]  }
0x2b1: {  	[hbm4b:s29+s2] =	stream.linear.scatter [tilespmem:s5], [sflag:$0x1], $0x40, $0x38;
	[tilespmem:$0xC80] =	vst v63  }
0x2b2: {  	s30 =	rddreg [dreg:$0x17]  }
0x2b3: {  	[hbm4b:s30+s2] =	stream.linear.scatter [tilespmem:s6], [sflag:$0x1], $0x40, $0x38;
	[tilespmem:$0xC80] =	vst v63  }
0x2b4: {  	_ =	swait.ge [sflag:s3], $0x40  }
0x2b5: {  	[sflag:s3] =	ssyncset.done $0x0  }
0x2b6: {  	[sflag:s3] =	ssyncadd.s32 $0xFFFFFFC0  }
0x2b7: {  	_ =	swait.ge [sflag:s3], $0x40  }
0x2b8: {  	[sflag:s3] =	ssyncset.done $0x0  }
0x2b9: {  	[sflag:s3] =	ssyncadd.s32 $0xFFFFFFC0  }
0x2ba: {  	_ =	swait.ge [sflag:s3], $0x40  }
0x2bb: {  	[sflag:s3] =	ssyncset.done $0x0  }
0x2bc: {  	[sflag:s3] =	ssyncadd.s32 $0xFFFFFFC0  }
0x2bd: {  	_ =	swait.ge [sflag:s3], $0x40  }
0x2be: {  	[sflag:s3] =	ssyncset.done $0x0  }
0x2bf: {  	[sflag:s3] =	ssyncadd.s32 $0xFFFFFFC0  }
0x2c0: {  	_ =	swait.ge [sflag:s3], $0x40  }
0x2c1: {  	[sflag:s3] =	ssyncset.done $0x0  }
0x2c2: {  	[sflag:s3] =	ssyncadd.s32 $0xFFFFFFC0  }
0x2c3: {  	_ =	swait.ge [sflag:s3], $0x40  }
0x2c4: {  	[sflag:s3] =	ssyncset.done $0x0  }
0x2c5: {  	[sflag:s3] =	ssyncadd.s32 $0xFFFFFFC0  }
0x2c6: {  	_ =	swait.ge [sflag:s3], $0x40  }
0x2c7: {  	[sflag:s3] =	ssyncset.done $0x0  }
0x2c8: {  	[sflag:s3] =	ssyncadd.s32 $0xFFFFFFC0  }
0x2c9: {  	_ =	swait.ge [sflag:s3], $0x40  }
0x2ca: {  	[sflag:s3] =	ssyncset.done $0x0  }
0x2cb: {  	[sflag:s3] =	ssyncadd.s32 $0xFFFFFFC0  }
0x2cc: {  	_ =	swait.ge [sflag:s3], $0x40  }
0x2cd: {  	[sflag:s3] =	ssyncset.done $0x0  }
0x2ce: {  	[sflag:s3] =	ssyncadd.s32 $0xFFFFFFC0  }
0x2cf: {  	_ =	swait.ge [sflag:s3], $0x40  }
0x2d0: {  	[sflag:s3] =	ssyncset.done $0x0  }
0x2d1: {  	[sflag:s3] =	ssyncadd.s32 $0xFFFFFFC0  }
0x2d2: {  	_ =	swait.ge [sflag:s3], $0x40  }
0x2d3: {  	[sflag:s3] =	ssyncset.done $0x0  }
0x2d4: {  	[sflag:s3] =	ssyncadd.s32 $0xFFFFFFC0  }
0x2d5: {  	_ =	swait.ge [sflag:s3], $0x40  }
0x2d6: {  	[sflag:s3] =	ssyncset.done $0x0  }
0x2d7: {  	[sflag:s3] =	ssyncadd.s32 $0xFFFFFFC0  }
0x2d8: {  	_ =	swait.ge [sflag:s3], $0x40  }
0x2d9: {  	[sflag:s3] =	ssyncset.done $0x0  }
0x2da: {  	[sflag:s3] =	ssyncadd.s32 $0xFFFFFFC0  }
0x2db: {  	_ =	swait.ge [sflag:s3], $0x40  }
0x2dc: {  	[sflag:s3] =	ssyncset.done $0x0  }
0x2dd: {  	[sflag:s3] =	ssyncadd.s32 $0xFFFFFFC0  }
0x2de: {  	_ =	swait.ge [sflag:s3], $0x40  }
0x2df: {  	[sflag:s3] =	ssyncset.done $0x0  }
0x2e0: {  	[sflag:s3] =	ssyncadd.s32 $0xFFFFFFC0  }
0x2e1: {  	_ =	swait.ge [sflag:s3], $0x40  }
0x2e2: {  	[sflag:s3] =	ssyncset.done $0x0  }
0x2e3: {  	[sflag:s3] =	ssyncadd.s32 $0xFFFFFFC0  }
0x2e4: {  	_ =	swait.ge [sflag:s3], $0x40  }
0x2e5: {  	[sflag:s3] =	ssyncset.done $0x0  }
0x2e6: {  	[sflag:s3] =	ssyncadd.s32 $0xFFFFFFC0  }
0x2e7: {  	_ =	swait.ge [sflag:s3], $0x40  }
0x2e8: {  	[sflag:s3] =	ssyncset.done $0x0  }
0x2e9: {  	[sflag:s3] =	ssyncadd.s32 $0xFFFFFFC0  }
0x2ea: {  	_ =	swait.ge [sflag:s3], $0x40  }
0x2eb: {  	[sflag:s3] =	ssyncset.done $0x0  }
0x2ec: {  	[sflag:s3] =	ssyncadd.s32 $0xFFFFFFC0  }
0x2ed: {  	_ =	swait.ge [sflag:s3], $0x40  }
0x2ee: {  	[sflag:s3] =	ssyncset.done $0x0  }
0x2ef: {  	[sflag:s3] =	ssyncadd.s32 $0xFFFFFFC0  }
.LBB2_7:
0x2f0: {  	_ =	sfence.sel $0x180000  }
0x2f1: {  	[bflag:$0x0] =	sbarrier.arrive $0xFFFF  }
0x2f2: {  	p0 =	sne.s32 s1, $0x0;
	_ =	strace $0x90000047  }
0x2f3: {  	s0 =	sadd.s32 @!p0 $0x100000, s31;
	[bflag:$0x2] =	sbarrier.arrive $0xFFFF  }
0x2f4: {  	[sflag:s0] =	ssyncadd.tile.s32 @!p0 $0x1;
	_ =	shalt  }
.LBB2_3:
.Ltmp4:
0x2f5: {  	(pc) =	sbr.rel .LBB2_6-.Ltmp4, $2  }
0x2f6: {  	_ =	sdelay $0x2  }
0x2f7: {  	s31 =	rddreg [dreg:$0x3]  }
.Lfunc_end2:
_tile_overlayer_lowered:
.L_overlay_start_2:
0x2f8: {  	(tag) =	ssettag $0x2  }
0x2f9: {  	s0 =	rddreg [dreg:$0x0];
	s2 =	stileid.u32  }
0x2fa: {  	s1 =	rddreg [dreg:$0x1];
	p0 =	sne.s32 s2, $0x0  }
0x2fb: {  	s3 =	rddreg [dreg:$0x2];
	[bflag:$0x3] =	sbarrier.arrive $0xFFFF;
	s2 =	simm.s32 @!p0 $0x1C02  }
0x2fc: {  	[timem:s3], [sflag:s2] =	dma.local @!p0 [hbm:s0], s1  }
0x2fd: {  	s0 =	simm.s32 @!p0 $0x2  }
0x2fe: {  	_ =	swait.ge @!p0 [sflag:s0], s1  }
0x2ff: {  	s1 =	ssub.s32 @!p0 $0x0, s1;
	[sflag:s0] =	ssyncset.done @!p0 $0x0  }
0x300: {  	[sflag:s0] =	ssyncadd.s32 @!p0 s1  }
0x301: {  	[bflag:$0x3] =	sbarrier.arrive $0xFFFF  }
0x302: {  	_ =	shalt  }

</sc_bundles>
